<compile_context>
chip_gen: v7x
topology: tpu7x:2x2x1
jax: 0.10.2.dev20260603
libtpu: 0.0.44.dev20260713+nightly
codegen_flags: <defaults>
</compile_context>

<pallas_src>
import functools

import jax
import jax.numpy as jnp
import numpy as np
from jax import lax
from jax.experimental import pallas as pl
from jax.experimental.pallas import tpu as pltpu
from jax.experimental.pallas import tpu_sc as plsc

N_LEVELS = 16
F_PER_LEVEL = 2
LOG2_T = 19
T = 1 << LOG2_T
MASK = T - 1
BASE_RES = 16
PER_LEVEL_SCALE = 1.5
P1 = 2654435761
P2 = 805459861
P3 = 3674653429
HIDDEN = 64
OUT_DIM = 9
ENC_DIM = N_LEVELS * F_PER_LEVEL

NC, NS = 2, 16
NW = NC * NS
P = 64
G = P // 16
BLOCKS = 49
PER_W = P * BLOCKS
N_PAD = NW * PER_W

NP_ELEM = P * 16
NN_ELEM = P * 8

RES = [float(np.floor(BASE_RES * (PER_LEVEL_SCALE ** l))) for l in range(N_LEVELS)]


def _u32(x):
    return jnp.uint32(x)


def _sc_encode(in_flat, p0t, p1t, n0t, n1t, res_hbm):
    mesh = plsc.VectorSubcoreMesh(core_axis_name="c", subcore_axis_name="s")

    @functools.partial(
        pl.kernel,
        mesh=mesh,
        compiler_params=pltpu.CompilerParams(needs_layout_passes=False),
        out_type=jax.ShapeDtypeStruct((N_PAD * 2 * ENC_DIM,), jnp.float32),
        scratch_types=[
            pltpu.VMEM((7 * P,), jnp.float32),
            pltpu.VMEM((16,), jnp.float32),
            pltpu.VMEM((NP_ELEM,), jnp.int32),
            pltpu.VMEM((NP_ELEM,), jnp.float32),
            pltpu.VMEM((NP_ELEM,), jnp.float32),
            pltpu.VMEM((NN_ELEM,), jnp.int32),
            pltpu.VMEM((NN_ELEM,), jnp.float32),
            pltpu.VMEM((NN_ELEM,), jnp.float32),
            pltpu.VMEM((P * 2 * ENC_DIM,), jnp.float32),
            pltpu.SemaphoreType.DMA,
            pltpu.SemaphoreType.DMA,
        ],
    )
    def enc(in_hbm, p0_hbm, p1_hbm, n0_hbm, n1_hbm, resl_hbm, out_hbm,
            in_v, res_v, idx_p, rows_p0, rows_p1, idx_n, rows_n0, rows_n1,
            feat_v, sem_p, sem_n):
        wid = lax.axis_index("c") * NS + lax.axis_index("s")
        wbase = wid * PER_W
        pltpu.sync_copy(resl_hbm, res_v)
        iota = lax.iota(jnp.int32, 16)

        def block_body(blk, carry):
            base = wbase + blk * P
            for d in range(7):
                pltpu.sync_copy(in_hbm.at[pl.ds(d * N_PAD + base, P)],
                                in_v.at[pl.ds(d * P, P)])

            def level_body(l, carry2):
                resv = res_v[...]
                res = lax.gather(
                    resv, jnp.full((16, 1), l, jnp.int32),
                    lax.GatherDimensionNumbers(offset_dims=(),
                                               collapsed_slice_dims=(0,),
                                               start_index_map=(0,)),
                    (1,), mode=lax.GatherScatterMode.PROMISE_IN_BOUNDS)
                loff = l << LOG2_T

                fracs_p = []
                for g in range(G):
                    c0 = g * 16
                    x = in_v[pl.ds(0 * P + c0, 16)] * res
                    y = in_v[pl.ds(1 * P + c0, 16)] * res
                    z = in_v[pl.ds(2 * P + c0, 16)] * res
                    t = in_v[pl.ds(3 * P + c0, 16)] * res
                    xi = x.astype(jnp.int32)
                    yi = y.astype(jnp.int32)
                    zi = z.astype(jnp.int32)
                    ti = t.astype(jnp.int32)
                    fx = x - xi.astype(jnp.float32)
                    fy = y - yi.astype(jnp.float32)
                    fz = z - zi.astype(jnp.float32)
                    ft = t - ti.astype(jnp.float32)
                    fracs_p.append((fx, fy, fz, ft))
                    xu = xi.astype(jnp.uint32)
                    yu = yi.astype(jnp.uint32)
                    zu = zi.astype(jnp.uint32)
                    tu = ti.astype(jnp.uint32)
                    hx = (xu, xu + _u32(1))
                    hy = (yu * _u32(P1), (yu + _u32(1)) * _u32(P1))
                    hz = (zu * _u32(P2), (zu + _u32(1)) * _u32(P2))
                    ht = (tu * _u32(P3), (tu + _u32(1)) * _u32(P3))
                    hxy = [[hx[a] ^ hy[b] for b in range(2)] for a in range(2)]
                    hzt = [[hz[a] ^ ht[b] for b in range(2)] for a in range(2)]
                    for c in range(16):
                        h = hxy[(c >> 3) & 1][(c >> 2) & 1] ^ hzt[(c >> 1) & 1][c & 1]
                        idx = (h & _u32(MASK)).astype(jnp.int32) + loff
                        q0 = g * 256 + c * 16
                        idx_p[pl.ds(q0, 16)] = idx
                cps_p = [pltpu.async_copy(p0_hbm.at[idx_p], rows_p0, sem_p),
                         pltpu.async_copy(p1_hbm.at[idx_p], rows_p1, sem_p)]

                fracs_n = []
                for g in range(G):
                    c0 = g * 16
                    x = in_v[pl.ds(4 * P + c0, 16)] * res
                    y = in_v[pl.ds(5 * P + c0, 16)] * res
                    z = in_v[pl.ds(6 * P + c0, 16)] * res
                    xi = x.astype(jnp.int32)
                    yi = y.astype(jnp.int32)
                    zi = z.astype(jnp.int32)
                    fx = x - xi.astype(jnp.float32)
                    fy = y - yi.astype(jnp.float32)
                    fz = z - zi.astype(jnp.float32)
                    fracs_n.append((fx, fy, fz))
                    xu = xi.astype(jnp.uint32)
                    yu = yi.astype(jnp.uint32)
                    zu = zi.astype(jnp.uint32)
                    hx = (xu, xu + _u32(1))
                    hy = (yu * _u32(P1), (yu + _u32(1)) * _u32(P1))
                    hz = (zu * _u32(P2), (zu + _u32(1)) * _u32(P2))
                    hxy = [[hx[a] ^ hy[b] for b in range(2)] for a in range(2)]
                    for c in range(8):
                        h = hxy[(c >> 2) & 1][(c >> 1) & 1] ^ hz[c & 1]
                        idx = (h & _u32(MASK)).astype(jnp.int32) + loff
                        q0 = g * 128 + c * 16
                        idx_n[pl.ds(q0, 16)] = idx
                cps_n = [pltpu.async_copy(n0_hbm.at[idx_n], rows_n0, sem_n),
                         pltpu.async_copy(n1_hbm.at[idx_n], rows_n1, sem_n)]

                for cp in cps_p:
                    cp.wait()
                col0 = jnp.full((16,), 2 * l, jnp.int32)
                col1 = col0 + 1
                for g in range(G):
                    fx, fy, fz, ft = fracs_p[g]
                    wx = (1.0 - fx, fx)
                    wy = (1.0 - fy, fy)
                    wz = (1.0 - fz, fz)
                    wt = (1.0 - ft, ft)
                    acc0 = jnp.zeros((16,), jnp.float32)
                    acc1 = jnp.zeros((16,), jnp.float32)
                    for c in range(16):
                        w = (wx[(c >> 3) & 1] * wy[(c >> 2) & 1]
                             * wz[(c >> 1) & 1] * wt[c & 1])
                        q0 = g * 256 + c * 16
                        f0 = rows_p0[pl.ds(q0, 16)]
                        f1 = rows_p1[pl.ds(q0, 16)]
                        acc0 = acc0 + w * f0
                        acc1 = acc1 + w * f1
                    rowv = (iota + g * 16) * (2 * ENC_DIM)
                    plsc.store_scatter(feat_v, [rowv + col0], acc0)
                    plsc.store_scatter(feat_v, [rowv + col1], acc1)

                for cp in cps_n:
                    cp.wait()
                ncol0 = col0 + ENC_DIM
                ncol1 = col1 + ENC_DIM
                for g in range(G):
                    fx, fy, fz = fracs_n[g]
                    wx = (1.0 - fx, fx)
                    wy = (1.0 - fy, fy)
                    wz = (1.0 - fz, fz)
                    acc0 = jnp.zeros((16,), jnp.float32)
                    acc1 = jnp.zeros((16,), jnp.float32)
                    for c in range(8):
                        w = wx[(c >> 2) & 1] * wy[(c >> 1) & 1] * wz[c & 1]
                        q0 = g * 128 + c * 16
                        f0 = rows_n0[pl.ds(q0, 16)]
                        f1 = rows_n1[pl.ds(q0, 16)]
                        acc0 = acc0 + w * f0
                        acc1 = acc1 + w * f1
                    rowv = (iota + g * 16) * (2 * ENC_DIM)
                    plsc.store_scatter(feat_v, [rowv + ncol0], acc0)
                    plsc.store_scatter(feat_v, [rowv + ncol1], acc1)
                return carry2

            lax.fori_loop(0, N_LEVELS, level_body, 0, unroll=False)
            pltpu.sync_copy(feat_v, out_hbm.at[pl.ds(base * (2 * ENC_DIM), P * 2 * ENC_DIM)])
            return carry

        lax.fori_loop(0, BLOCKS, block_body, 0, unroll=False)

    return enc(in_flat, p0t, p1t, n0t, n1t, res_hbm)


def _mlp(feat, W1, W2, W3):
    B = 512

    def body(x_ref, w1_ref, w2_ref, w3_ref, o_ref):
        h = jnp.maximum(jnp.dot(x_ref[...], w1_ref[...],
                                preferred_element_type=jnp.float32), 0.0)
        h = jnp.maximum(jnp.dot(h, w2_ref[...],
                                preferred_element_type=jnp.float32), 0.0)
        o_ref[...] = jnp.dot(h, w3_ref[...], preferred_element_type=jnp.float32)

    return pl.pallas_call(
        body,
        grid=(N_PAD // B,),
        in_specs=[
            pl.BlockSpec((B, 2 * ENC_DIM), lambda i: (i, 0)),
            pl.BlockSpec((2 * ENC_DIM, HIDDEN), lambda i: (0, 0)),
            pl.BlockSpec((HIDDEN, HIDDEN), lambda i: (0, 0)),
            pl.BlockSpec((HIDDEN, OUT_DIM), lambda i: (0, 0)),
        ],
        out_specs=pl.BlockSpec((B, OUT_DIM), lambda i: (i, 0)),
        out_shape=jax.ShapeDtypeStruct((N_PAD, OUT_DIM), jnp.float32),
    )(feat, W1, W2, W3)


def kernel(face_centers, time_extended, face_normals, pos_tables, normal_tables, W1, W2, W3):
    n = face_centers.shape[0]
    cols = [face_centers[:, 0], face_centers[:, 1], face_centers[:, 2],
            time_extended[:, 0], face_normals[:, 0], face_normals[:, 1],
            face_normals[:, 2]]
    in_flat = jnp.concatenate(
        [jnp.pad(c, (0, N_PAD - n)) for c in cols]).astype(jnp.float32)
    p0t = pos_tables[:, :, 0].reshape(N_LEVELS * T)
    p1t = pos_tables[:, :, 1].reshape(N_LEVELS * T)
    n0t = normal_tables[:, :, 0].reshape(N_LEVELS * T)
    n1t = normal_tables[:, :, 1].reshape(N_LEVELS * T)
    res_hbm = jnp.asarray(RES, dtype=jnp.float32)
    feat = _sc_encode(in_flat, p0t, p1t, n0t, n1t, res_hbm).reshape(N_PAD, 2 * ENC_DIM)
    out = _mlp(feat, W1, W2, W3)
    return out[:n]

# --- scband reference (transcript-rebuilt; emitter-appended) ---
"""Pipeline reference for scband-hash-grid-28905129902875 (READ-ONLY COPY).

The authoritative reference and input builder live on the scoring server;
editing this copy changes nothing except your own understanding.
"""

import jax, jax.numpy as jnp
import numpy as np
import itertools

N_POINTS = 100000
N_LEVELS = 16
F_PER_LEVEL = 2
LOG2_T = 19
T = 1 << LOG2_T
BASE_RES = 16
PER_LEVEL_SCALE = 1.5
PRIMES = np.array([1, 2654435761, 805459861, 3674653429], dtype=np.uint32)
HIDDEN = 64
OUT_DIM = 9
ENC_DIM = N_LEVELS * F_PER_LEVEL


def hash_grid_encode(x, tables):
    # x: [N, d] in [0,1]; tables: [L, T, F]. Multiresolution spatial-hash encoding (tcnn HashGrid).
    n, d = x.shape
    outs = []
    for l in range(N_LEVELS):
        res = float(np.floor(BASE_RES * (PER_LEVEL_SCALE ** l)))
        pos = x * res
        pos0f = jnp.floor(pos)
        frac = pos - pos0f
        pos0 = pos0f.astype(jnp.uint32)
        acc = jnp.zeros((n, F_PER_LEVEL), dtype=x.dtype)
        for offset in itertools.product((0, 1), repeat=d):
            h = jnp.zeros((n,), dtype=jnp.uint32)
            for i in range(d):
                h = h ^ ((pos0[:, i] + jnp.uint32(offset[i])) * jnp.uint32(int(PRIMES[i])))
            h = h & jnp.uint32(T - 1)
            feat = jnp.take(tables[l], h, axis=0)
            w = jnp.ones((n,), dtype=x.dtype)
            for i in range(d):
                w = w * (frac[:, i] if offset[i] else (1.0 - frac[:, i]))
            acc = acc + w[:, None] * feat
        outs.append(acc)
    return jnp.concatenate(outs, axis=1)


def setup_inputs(seed: int = 0):
    key = jax.random.key(seed)
    ks = jax.random.split(key, 8)
    face_centers = jax.random.uniform(ks[0], (N_POINTS, 3), dtype=jnp.float32)
    time_extended = jax.random.uniform(ks[1], (N_POINTS, 1), dtype=jnp.float32)
    face_normals = jax.random.uniform(ks[2], (N_POINTS, 3), dtype=jnp.float32)
    pos_tables = jax.random.uniform(ks[3], (N_LEVELS, T, F_PER_LEVEL), dtype=jnp.float32, minval=-1e-4, maxval=1e-4)
    normal_tables = jax.random.uniform(ks[4], (N_LEVELS, T, F_PER_LEVEL), dtype=jnp.float32, minval=-1e-4, maxval=1e-4)
    W1 = jax.random.normal(ks[5], (2 * ENC_DIM, HIDDEN), dtype=jnp.float32) * (1.0 / np.sqrt(2 * ENC_DIM))
    W2 = jax.random.normal(ks[6], (HIDDEN, HIDDEN), dtype=jnp.float32) * (1.0 / np.sqrt(HIDDEN))
    W3 = jax.random.normal(ks[7], (HIDDEN, OUT_DIM), dtype=jnp.float32) * (1.0 / np.sqrt(HIDDEN))
    return {"face_centers": face_centers, "time_extended": time_extended, "face_normals": face_normals,
            "pos_tables": pos_tables, "normal_tables": normal_tables, "W1": W1, "W2": W2, "W3": W3}


def reference(face_centers, time_extended, face_normals, pos_tables, normal_tables, W1, W2, W3):
    pos_in = jnp.concatenate([face_centers, time_extended], axis=1)  # [N, 4]
    pos_encoded = hash_grid_encode(pos_in, pos_tables)               # [N, 32]
    normal_encoded = hash_grid_encode(face_normals, normal_tables)   # [N, 32]
    feat = jnp.concatenate([pos_encoded, normal_encoded], axis=1)    # [N, 64]
    h = jax.nn.relu(feat @ W1)
    h = jax.nn.relu(h @ W2)
    residual_jacobians = h @ W3                                      # [N, 9]
    return residual_jacobians

if __name__ == "__main__":
    import jax
    _d = setup_inputs()
    print(jax.jit(kernel)(*tuple(_d.values())))

</pallas_src>

<mosaic_0001>
#map = affine_map<(d0, d1) -> (0)>
module attributes {stable_mosaic.version = 14 : i64} {
  func.func @enc(%arg0: i32, %arg1: i32, %arg2: memref<702464xf32, #tpu.memory_space<hbm>>, %arg3: memref<8388608xf32, #tpu.memory_space<hbm>>, %arg4: memref<8388608xf32, #tpu.memory_space<hbm>>, %arg5: memref<8388608xf32, #tpu.memory_space<hbm>>, %arg6: memref<8388608xf32, #tpu.memory_space<hbm>>, %arg7: memref<16xf32, #tpu.memory_space<hbm>>, %arg8: memref<6422528xf32, #tpu.memory_space<hbm>>, %arg9: memref<448xf32, #tpu.memory_space<vmem>>, %arg10: memref<16xf32, #tpu.memory_space<vmem>>, %arg11: memref<1024xi32, #tpu.memory_space<vmem>>, %arg12: memref<1024xf32, #tpu.memory_space<vmem>>, %arg13: memref<1024xf32, #tpu.memory_space<vmem>>, %arg14: memref<512xi32, #tpu.memory_space<vmem>>, %arg15: memref<512xf32, #tpu.memory_space<vmem>>, %arg16: memref<512xf32, #tpu.memory_space<vmem>>, %arg17: memref<4096xf32, #tpu.memory_space<vmem>>, %arg18: memref<!tpu.dma_semaphore, #tpu.memory_space<semaphore_mem>>, %arg19: memref<!tpu.dma_semaphore, #tpu.memory_space<semaphore_mem>>) attributes {dimension_semantics = [#tpu.dimension_semantics<core_parallel>, #tpu.dimension_semantics<subcore_parallel>], iteration_bounds = array<i64: 2, 16>, scalar_prefetch = 0 : i64, scratch_operands = 11 : i64, tpu.core_type = #tpu.core_type<sc_vector_subcore>, window_params = [{transform_indices = #map}, {transform_indices = #map}, {transform_indices = #map}, {transform_indices = #map}, {transform_indices = #map}, {transform_indices = #map}, {transform_indices = #map}]} {
    %mul3A = arith.constant 16 : i32
    %mul3A_0 = arith.muli %arg0, %mul3A : i32
    %add3A = arith.addi %mul3A_0, %arg1 : i32
    %mul3A_1 = arith.constant 3136 : i32
    %mul3A_2 = arith.muli %add3A, %mul3A_1 : i32
    "tpu.region"() ({
      %run_scoped3A = tpu.sem_alloc : memref<!tpu.dma_semaphore, #tpu.memory_space<semaphore_mem>>
      tpu.enqueue_dma source(%arg7 : memref<16xf32, #tpu.memory_space<hbm>>) target(%arg10 : memref<16xf32, #tpu.memory_space<vmem>>) target_semaphore(%run_scoped3A : memref<!tpu.dma_semaphore, #tpu.memory_space<semaphore_mem>>)
      tpu.wait_dma2 semaphore(%run_scoped3A : memref<!tpu.dma_semaphore, #tpu.memory_space<semaphore_mem>>) src(%arg7 : memref<16xf32, #tpu.memory_space<hbm>>) dst(%arg10 : memref<16xf32, #tpu.memory_space<vmem>>)
      tpu.yield
    }) : () -> ()
    %iota3A = tpu.iota {dimensions = array<i32: 0>} : vector<16xi32>
    %scan3A = arith.constant 0 : i32
    %scan3A_3 = arith.constant 0 : i32
    %scan3A_4 = arith.constant 49 : i32
    %scan3A_5 = arith.addi %scan3A_3, %scan3A_4 : i32
    %scan3A_6 = arith.constant 1 : i32
    scf.for %scan3A_8 = %scan3A_3 to %scan3A_5 step %scan3A_6  : i32 {
      %mul3A_9 = arith.constant 64 : i32
      %mul3A_10 = arith.muli %scan3A_8, %mul3A_9 : i32
      %add3A_11 = arith.addi %mul3A_2, %mul3A_10 : i32
      %add3A_12 = arith.constant 0 : i32
      %add3A_13 = arith.addi %add3A_12, %add3A_11 : i32
      "tpu.region"() ({
        %run_scoped3A = tpu.sem_alloc : memref<!tpu.dma_semaphore, #tpu.memory_space<semaphore_mem>>
        %dma_start3A = arith.constant 0 : i32
        %dma_start3A_34 = tpu.memref_slice %arg9[%dma_start3A] : memref<448xf32, #tpu.memory_space<vmem>> -> memref<64xf32, #tpu.memory_space<vmem>>
        %dma_start3A_35 = tpu.memref_slice %arg2[%add3A_13] : memref<702464xf32, #tpu.memory_space<hbm>> -> memref<64xf32, #tpu.memory_space<hbm>>
        %dma_start3A_36 = arith.constant 0 : i32
        %dma_start3A_37 = tpu.memref_slice %arg9[%dma_start3A_36] : memref<448xf32, #tpu.memory_space<vmem>> -> memref<64xf32, #tpu.memory_space<vmem>>
        %dma_start3A_38 = tpu.memref_slice %arg2[%add3A_13] : memref<702464xf32, #tpu.memory_space<hbm>> -> memref<64xf32, #tpu.memory_space<hbm>>
        tpu.enqueue_dma source(%dma_start3A_38 : memref<64xf32, #tpu.memory_space<hbm>>) target(%dma_start3A_37 : memref<64xf32, #tpu.memory_space<vmem>>) target_semaphore(%run_scoped3A : memref<!tpu.dma_semaphore, #tpu.memory_space<semaphore_mem>>)
        %dma_wait3A = arith.constant 0 : i32
        %dma_wait3A_39 = tpu.memref_slice %arg9[%dma_wait3A] : memref<448xf32, #tpu.memory_space<vmem>> -> memref<64xf32, #tpu.memory_space<vmem>>
        %dma_wait3A_40 = tpu.memref_slice %arg2[%add3A_13] : memref<702464xf32, #tpu.memory_space<hbm>> -> memref<64xf32, #tpu.memory_space<hbm>>
        %dma_wait3A_41 = arith.constant 0 : i32
        %dma_wait3A_42 = tpu.memref_slice %arg9[%dma_wait3A_41] : memref<448xf32, #tpu.memory_space<vmem>> -> memref<64xf32, #tpu.memory_space<vmem>>
        %dma_wait3A_43 = tpu.memref_slice %arg2[%add3A_13] : memref<702464xf32, #tpu.memory_space<hbm>> -> memref<64xf32, #tpu.memory_space<hbm>>
        tpu.wait_dma2 semaphore(%run_scoped3A : memref<!tpu.dma_semaphore, #tpu.memory_space<semaphore_mem>>) src(%dma_wait3A_43 : memref<64xf32, #tpu.memory_space<hbm>>) dst(%dma_wait3A_42 : memref<64xf32, #tpu.memory_space<vmem>>)
        tpu.yield
      }) : () -> ()
      %add3A_14 = arith.constant 100352 : i32
      %add3A_15 = arith.addi %add3A_14, %add3A_11 : i32
      "tpu.region"() ({
        %run_scoped3A = tpu.sem_alloc : memref<!tpu.dma_semaphore, #tpu.memory_space<semaphore_mem>>
        %dma_start3A = arith.constant 64 : i32
        %dma_start3A_34 = tpu.memref_slice %arg9[%dma_start3A] : memref<448xf32, #tpu.memory_space<vmem>> -> memref<64xf32, #tpu.memory_space<vmem>>
        %dma_start3A_35 = tpu.memref_slice %arg2[%add3A_15] : memref<702464xf32, #tpu.memory_space<hbm>> -> memref<64xf32, #tpu.memory_space<hbm>>
        %dma_start3A_36 = arith.constant 64 : i32
        %dma_start3A_37 = tpu.memref_slice %arg9[%dma_start3A_36] : memref<448xf32, #tpu.memory_space<vmem>> -> memref<64xf32, #tpu.memory_space<vmem>>
        %dma_start3A_38 = tpu.memref_slice %arg2[%add3A_15] : memref<702464xf32, #tpu.memory_space<hbm>> -> memref<64xf32, #tpu.memory_space<hbm>>
        tpu.enqueue_dma source(%dma_start3A_38 : memref<64xf32, #tpu.memory_space<hbm>>) target(%dma_start3A_37 : memref<64xf32, #tpu.memory_space<vmem>>) target_semaphore(%run_scoped3A : memref<!tpu.dma_semaphore, #tpu.memory_space<semaphore_mem>>)
        %dma_wait3A = arith.constant 64 : i32
        %dma_wait3A_39 = tpu.memref_slice %arg9[%dma_wait3A] : memref<448xf32, #tpu.memory_space<vmem>> -> memref<64xf32, #tpu.memory_space<vmem>>
        %dma_wait3A_40 = tpu.memref_slice %arg2[%add3A_15] : memref<702464xf32, #tpu.memory_space<hbm>> -> memref<64xf32, #tpu.memory_space<hbm>>
        %dma_wait3A_41 = arith.constant 64 : i32
        %dma_wait3A_42 = tpu.memref_slice %arg9[%dma_wait3A_41] : memref<448xf32, #tpu.memory_space<vmem>> -> memref<64xf32, #tpu.memory_space<vmem>>
        %dma_wait3A_43 = tpu.memref_slice %arg2[%add3A_15] : memref<702464xf32, #tpu.memory_space<hbm>> -> memref<64xf32, #tpu.memory_space<hbm>>
        tpu.wait_dma2 semaphore(%run_scoped3A : memref<!tpu.dma_semaphore, #tpu.memory_space<semaphore_mem>>) src(%dma_wait3A_43 : memref<64xf32, #tpu.memory_space<hbm>>) dst(%dma_wait3A_42 : memref<64xf32, #tpu.memory_space<vmem>>)
        tpu.yield
      }) : () -> ()
      %add3A_16 = arith.constant 200704 : i32
      %add3A_17 = arith.addi %add3A_16, %add3A_11 : i32
      "tpu.region"() ({
        %run_scoped3A = tpu.sem_alloc : memref<!tpu.dma_semaphore, #tpu.memory_space<semaphore_mem>>
        %dma_start3A = arith.constant 128 : i32
        %dma_start3A_34 = tpu.memref_slice %arg9[%dma_start3A] : memref<448xf32, #tpu.memory_space<vmem>> -> memref<64xf32, #tpu.memory_space<vmem>>
        %dma_start3A_35 = tpu.memref_slice %arg2[%add3A_17] : memref<702464xf32, #tpu.memory_space<hbm>> -> memref<64xf32, #tpu.memory_space<hbm>>
        %dma_start3A_36 = arith.constant 128 : i32
        %dma_start3A_37 = tpu.memref_slice %arg9[%dma_start3A_36] : memref<448xf32, #tpu.memory_space<vmem>> -> memref<64xf32, #tpu.memory_space<vmem>>
        %dma_start3A_38 = tpu.memref_slice %arg2[%add3A_17] : memref<702464xf32, #tpu.memory_space<hbm>> -> memref<64xf32, #tpu.memory_space<hbm>>
        tpu.enqueue_dma source(%dma_start3A_38 : memref<64xf32, #tpu.memory_space<hbm>>) target(%dma_start3A_37 : memref<64xf32, #tpu.memory_space<vmem>>) target_semaphore(%run_scoped3A : memref<!tpu.dma_semaphore, #tpu.memory_space<semaphore_mem>>)
        %dma_wait3A = arith.constant 128 : i32
        %dma_wait3A_39 = tpu.memref_slice %arg9[%dma_wait3A] : memref<448xf32, #tpu.memory_space<vmem>> -> memref<64xf32, #tpu.memory_space<vmem>>
        %dma_wait3A_40 = tpu.memref_slice %arg2[%add3A_17] : memref<702464xf32, #tpu.memory_space<hbm>> -> memref<64xf32, #tpu.memory_space<hbm>>
        %dma_wait3A_41 = arith.constant 128 : i32
        %dma_wait3A_42 = tpu.memref_slice %arg9[%dma_wait3A_41] : memref<448xf32, #tpu.memory_space<vmem>> -> memref<64xf32, #tpu.memory_space<vmem>>
        %dma_wait3A_43 = tpu.memref_slice %arg2[%add3A_17] : memref<702464xf32, #tpu.memory_space<hbm>> -> memref<64xf32, #tpu.memory_space<hbm>>
        tpu.wait_dma2 semaphore(%run_scoped3A : memref<!tpu.dma_semaphore, #tpu.memory_space<semaphore_mem>>) src(%dma_wait3A_43 : memref<64xf32, #tpu.memory_space<hbm>>) dst(%dma_wait3A_42 : memref<64xf32, #tpu.memory_space<vmem>>)
        tpu.yield
      }) : () -> ()
      %add3A_18 = arith.constant 301056 : i32
      %add3A_19 = arith.addi %add3A_18, %add3A_11 : i32
      "tpu.region"() ({
        %run_scoped3A = tpu.sem_alloc : memref<!tpu.dma_semaphore, #tpu.memory_space<semaphore_mem>>
        %dma_start3A = arith.constant 192 : i32
        %dma_start3A_34 = tpu.memref_slice %arg9[%dma_start3A] : memref<448xf32, #tpu.memory_space<vmem>> -> memref<64xf32, #tpu.memory_space<vmem>>
        %dma_start3A_35 = tpu.memref_slice %arg2[%add3A_19] : memref<702464xf32, #tpu.memory_space<hbm>> -> memref<64xf32, #tpu.memory_space<hbm>>
        %dma_start3A_36 = arith.constant 192 : i32
        %dma_start3A_37 = tpu.memref_slice %arg9[%dma_start3A_36] : memref<448xf32, #tpu.memory_space<vmem>> -> memref<64xf32, #tpu.memory_space<vmem>>
        %dma_start3A_38 = tpu.memref_slice %arg2[%add3A_19] : memref<702464xf32, #tpu.memory_space<hbm>> -> memref<64xf32, #tpu.memory_space<hbm>>
        tpu.enqueue_dma source(%dma_start3A_38 : memref<64xf32, #tpu.memory_space<hbm>>) target(%dma_start3A_37 : memref<64xf32, #tpu.memory_space<vmem>>) target_semaphore(%run_scoped3A : memref<!tpu.dma_semaphore, #tpu.memory_space<semaphore_mem>>)
        %dma_wait3A = arith.constant 192 : i32
        %dma_wait3A_39 = tpu.memref_slice %arg9[%dma_wait3A] : memref<448xf32, #tpu.memory_space<vmem>> -> memref<64xf32, #tpu.memory_space<vmem>>
        %dma_wait3A_40 = tpu.memref_slice %arg2[%add3A_19] : memref<702464xf32, #tpu.memory_space<hbm>> -> memref<64xf32, #tpu.memory_space<hbm>>
        %dma_wait3A_41 = arith.constant 192 : i32
        %dma_wait3A_42 = tpu.memref_slice %arg9[%dma_wait3A_41] : memref<448xf32, #tpu.memory_space<vmem>> -> memref<64xf32, #tpu.memory_space<vmem>>
        %dma_wait3A_43 = tpu.memref_slice %arg2[%add3A_19] : memref<702464xf32, #tpu.memory_space<hbm>> -> memref<64xf32, #tpu.memory_space<hbm>>
        tpu.wait_dma2 semaphore(%run_scoped3A : memref<!tpu.dma_semaphore, #tpu.memory_space<semaphore_mem>>) src(%dma_wait3A_43 : memref<64xf32, #tpu.memory_space<hbm>>) dst(%dma_wait3A_42 : memref<64xf32, #tpu.memory_space<vmem>>)
        tpu.yield
      }) : () -> ()
      %add3A_20 = arith.constant 401408 : i32
      %add3A_21 = arith.addi %add3A_20, %add3A_11 : i32
      "tpu.region"() ({
        %run_scoped3A = tpu.sem_alloc : memref<!tpu.dma_semaphore, #tpu.memory_space<semaphore_mem>>
        %dma_start3A = arith.constant 256 : i32
        %dma_start3A_34 = tpu.memref_slice %arg9[%dma_start3A] : memref<448xf32, #tpu.memory_space<vmem>> -> memref<64xf32, #tpu.memory_space<vmem>>
        %dma_start3A_35 = tpu.memref_slice %arg2[%add3A_21] : memref<702464xf32, #tpu.memory_space<hbm>> -> memref<64xf32, #tpu.memory_space<hbm>>
        %dma_start3A_36 = arith.constant 256 : i32
        %dma_start3A_37 = tpu.memref_slice %arg9[%dma_start3A_36] : memref<448xf32, #tpu.memory_space<vmem>> -> memref<64xf32, #tpu.memory_space<vmem>>
        %dma_start3A_38 = tpu.memref_slice %arg2[%add3A_21] : memref<702464xf32, #tpu.memory_space<hbm>> -> memref<64xf32, #tpu.memory_space<hbm>>
        tpu.enqueue_dma source(%dma_start3A_38 : memref<64xf32, #tpu.memory_space<hbm>>) target(%dma_start3A_37 : memref<64xf32, #tpu.memory_space<vmem>>) target_semaphore(%run_scoped3A : memref<!tpu.dma_semaphore, #tpu.memory_space<semaphore_mem>>)
        %dma_wait3A = arith.constant 256 : i32
        %dma_wait3A_39 = tpu.memref_slice %arg9[%dma_wait3A] : memref<448xf32, #tpu.memory_space<vmem>> -> memref<64xf32, #tpu.memory_space<vmem>>
        %dma_wait3A_40 = tpu.memref_slice %arg2[%add3A_21] : memref<702464xf32, #tpu.memory_space<hbm>> -> memref<64xf32, #tpu.memory_space<hbm>>
        %dma_wait3A_41 = arith.constant 256 : i32
        %dma_wait3A_42 = tpu.memref_slice %arg9[%dma_wait3A_41] : memref<448xf32, #tpu.memory_space<vmem>> -> memref<64xf32, #tpu.memory_space<vmem>>
        %dma_wait3A_43 = tpu.memref_slice %arg2[%add3A_21] : memref<702464xf32, #tpu.memory_space<hbm>> -> memref<64xf32, #tpu.memory_space<hbm>>
        tpu.wait_dma2 semaphore(%run_scoped3A : memref<!tpu.dma_semaphore, #tpu.memory_space<semaphore_mem>>) src(%dma_wait3A_43 : memref<64xf32, #tpu.memory_space<hbm>>) dst(%dma_wait3A_42 : memref<64xf32, #tpu.memory_space<vmem>>)
        tpu.yield
      }) : () -> ()
      %add3A_22 = arith.constant 501760 : i32
      %add3A_23 = arith.addi %add3A_22, %add3A_11 : i32
      "tpu.region"() ({
        %run_scoped3A = tpu.sem_alloc : memref<!tpu.dma_semaphore, #tpu.memory_space<semaphore_mem>>
        %dma_start3A = arith.constant 320 : i32
        %dma_start3A_34 = tpu.memref_slice %arg9[%dma_start3A] : memref<448xf32, #tpu.memory_space<vmem>> -> memref<64xf32, #tpu.memory_space<vmem>>
        %dma_start3A_35 = tpu.memref_slice %arg2[%add3A_23] : memref<702464xf32, #tpu.memory_space<hbm>> -> memref<64xf32, #tpu.memory_space<hbm>>
        %dma_start3A_36 = arith.constant 320 : i32
        %dma_start3A_37 = tpu.memref_slice %arg9[%dma_start3A_36] : memref<448xf32, #tpu.memory_space<vmem>> -> memref<64xf32, #tpu.memory_space<vmem>>
        %dma_start3A_38 = tpu.memref_slice %arg2[%add3A_23] : memref<702464xf32, #tpu.memory_space<hbm>> -> memref<64xf32, #tpu.memory_space<hbm>>
        tpu.enqueue_dma source(%dma_start3A_38 : memref<64xf32, #tpu.memory_space<hbm>>) target(%dma_start3A_37 : memref<64xf32, #tpu.memory_space<vmem>>) target_semaphore(%run_scoped3A : memref<!tpu.dma_semaphore, #tpu.memory_space<semaphore_mem>>)
        %dma_wait3A = arith.constant 320 : i32
        %dma_wait3A_39 = tpu.memref_slice %arg9[%dma_wait3A] : memref<448xf32, #tpu.memory_space<vmem>> -> memref<64xf32, #tpu.memory_space<vmem>>
        %dma_wait3A_40 = tpu.memref_slice %arg2[%add3A_23] : memref<702464xf32, #tpu.memory_space<hbm>> -> memref<64xf32, #tpu.memory_space<hbm>>
        %dma_wait3A_41 = arith.constant 320 : i32
        %dma_wait3A_42 = tpu.memref_slice %arg9[%dma_wait3A_41] : memref<448xf32, #tpu.memory_space<vmem>> -> memref<64xf32, #tpu.memory_space<vmem>>
        %dma_wait3A_43 = tpu.memref_slice %arg2[%add3A_23] : memref<702464xf32, #tpu.memory_space<hbm>> -> memref<64xf32, #tpu.memory_space<hbm>>
        tpu.wait_dma2 semaphore(%run_scoped3A : memref<!tpu.dma_semaphore, #tpu.memory_space<semaphore_mem>>) src(%dma_wait3A_43 : memref<64xf32, #tpu.memory_space<hbm>>) dst(%dma_wait3A_42 : memref<64xf32, #tpu.memory_space<vmem>>)
        tpu.yield
      }) : () -> ()
      %add3A_24 = arith.constant 602112 : i32
      %add3A_25 = arith.addi %add3A_24, %add3A_11 : i32
      "tpu.region"() ({
        %run_scoped3A = tpu.sem_alloc : memref<!tpu.dma_semaphore, #tpu.memory_space<semaphore_mem>>
        %dma_start3A = arith.constant 384 : i32
        %dma_start3A_34 = tpu.memref_slice %arg9[%dma_start3A] : memref<448xf32, #tpu.memory_space<vmem>> -> memref<64xf32, #tpu.memory_space<vmem>>
        %dma_start3A_35 = tpu.memref_slice %arg2[%add3A_25] : memref<702464xf32, #tpu.memory_space<hbm>> -> memref<64xf32, #tpu.memory_space<hbm>>
        %dma_start3A_36 = arith.constant 384 : i32
        %dma_start3A_37 = tpu.memref_slice %arg9[%dma_start3A_36] : memref<448xf32, #tpu.memory_space<vmem>> -> memref<64xf32, #tpu.memory_space<vmem>>
        %dma_start3A_38 = tpu.memref_slice %arg2[%add3A_25] : memref<702464xf32, #tpu.memory_space<hbm>> -> memref<64xf32, #tpu.memory_space<hbm>>
        tpu.enqueue_dma source(%dma_start3A_38 : memref<64xf32, #tpu.memory_space<hbm>>) target(%dma_start3A_37 : memref<64xf32, #tpu.memory_space<vmem>>) target_semaphore(%run_scoped3A : memref<!tpu.dma_semaphore, #tpu.memory_space<semaphore_mem>>)
        %dma_wait3A = arith.constant 384 : i32
        %dma_wait3A_39 = tpu.memref_slice %arg9[%dma_wait3A] : memref<448xf32, #tpu.memory_space<vmem>> -> memref<64xf32, #tpu.memory_space<vmem>>
        %dma_wait3A_40 = tpu.memref_slice %arg2[%add3A_25] : memref<702464xf32, #tpu.memory_space<hbm>> -> memref<64xf32, #tpu.memory_space<hbm>>
        %dma_wait3A_41 = arith.constant 384 : i32
        %dma_wait3A_42 = tpu.memref_slice %arg9[%dma_wait3A_41] : memref<448xf32, #tpu.memory_space<vmem>> -> memref<64xf32, #tpu.memory_space<vmem>>
        %dma_wait3A_43 = tpu.memref_slice %arg2[%add3A_25] : memref<702464xf32, #tpu.memory_space<hbm>> -> memref<64xf32, #tpu.memory_space<hbm>>
        tpu.wait_dma2 semaphore(%run_scoped3A : memref<!tpu.dma_semaphore, #tpu.memory_space<semaphore_mem>>) src(%dma_wait3A_43 : memref<64xf32, #tpu.memory_space<hbm>>) dst(%dma_wait3A_42 : memref<64xf32, #tpu.memory_space<vmem>>)
        tpu.yield
      }) : () -> ()
      %scan3A_26 = arith.constant 0 : i32
      %scan3A_27 = arith.constant 0 : i32
      %scan3A_28 = arith.constant 16 : i32
      %scan3A_29 = arith.addi %scan3A_27, %scan3A_28 : i32
      %scan3A_30 = arith.constant 1 : i32
      scf.for %scan3A_34 = %scan3A_27 to %scan3A_29 step %scan3A_30  : i32 {
        %get3A = arith.constant 0 : index
        %get3A_35 = tpu.vector_load %arg10[%get3A] {strides = array<i32>} : memref<16xf32, #tpu.memory_space<vmem>>, vector<16xf32>,
        %broadcast_in_dim3A = vector.broadcast %scan3A_34 : i32 to vector<16x1xi32>
        %gather3A = vector.shape_cast %broadcast_in_dim3A : vector<16x1xi32> to vector<16xi32>
        %gather3A_36 = tpu.dynamic_gather %get3A_35[%gather3A] in [0] : vector<16xf32>, vector<16xi32> -> vector<16xf32>
        %shift_left3A = arith.constant 19 : i32
        %shift_left3A_37 = arith.shli %scan3A_34, %shift_left3A : i32
        %get3A_38 = arith.constant 0 : index
        %get3A_39 = tpu.vector_load %arg9[%get3A_38] {strides = array<i32>} : memref<448xf32, #tpu.memory_space<vmem>>, vector<16xf32>,
        %mul3A_40 = arith.mulf %get3A_39, %gather3A_36 : vector<16xf32>
        %get3A_41 = arith.constant 64 : index
        %get3A_42 = tpu.vector_load %arg9[%get3A_41] {strides = array<i32>} : memref<448xf32, #tpu.memory_space<vmem>>, vector<16xf32>,
        %mul3A_43 = arith.mulf %get3A_42, %gather3A_36 : vector<16xf32>
        %get3A_44 = arith.constant 128 : index
        %get3A_45 = tpu.vector_load %arg9[%get3A_44] {strides = array<i32>} : memref<448xf32, #tpu.memory_space<vmem>>, vector<16xf32>,
        %mul3A_46 = arith.mulf %get3A_45, %gather3A_36 : vector<16xf32>
        %get3A_47 = arith.constant 192 : index
        %get3A_48 = tpu.vector_load %arg9[%get3A_47] {strides = array<i32>} : memref<448xf32, #tpu.memory_space<vmem>>, vector<16xf32>,
        %mul3A_49 = arith.mulf %get3A_48, %gather3A_36 : vector<16xf32>
        %convert_element_type3A = arith.fptosi %mul3A_40 : vector<16xf32> to vector<16xi32>
        %convert_element_type3A_50 = arith.fptosi %mul3A_43 : vector<16xf32> to vector<16xi32>
        %convert_element_type3A_51 = arith.fptosi %mul3A_46 : vector<16xf32> to vector<16xi32>
        %convert_element_type3A_52 = arith.fptosi %mul3A_49 : vector<16xf32> to vector<16xi32>
        %convert_element_type3A_53 = arith.sitofp %convert_element_type3A : vector<16xi32> to vector<16xf32>
        %sub3A = arith.subf %mul3A_40, %convert_element_type3A_53 : vector<16xf32>
        %convert_element_type3A_54 = arith.sitofp %convert_element_type3A_50 : vector<16xi32> to vector<16xf32>
        %sub3A_55 = arith.subf %mul3A_43, %convert_element_type3A_54 : vector<16xf32>
        %convert_element_type3A_56 = arith.sitofp %convert_element_type3A_51 : vector<16xi32> to vector<16xf32>
        %sub3A_57 = arith.subf %mul3A_46, %convert_element_type3A_56 : vector<16xf32>
        %convert_element_type3A_58 = arith.sitofp %convert_element_type3A_52 : vector<16xi32> to vector<16xf32>
        %sub3A_59 = arith.subf %mul3A_49, %convert_element_type3A_58 : vector<16xf32>
        %add3A_60 = arith.constant 1 : i32
        %add3A_61 = vector.broadcast %add3A_60 : i32 to vector<16xi32>
        %add3A_62 = arith.addi %convert_element_type3A, %add3A_61 : vector<16xi32>
        %mul3A_63 = arith.constant -1640531535 : i32
        %mul3A_64 = vector.broadcast %mul3A_63 : i32 to vector<16xi32>
        %mul3A_65 = arith.muli %convert_element_type3A_50, %mul3A_64 : vector<16xi32>
        %add3A_66 = arith.constant 1 : i32
        %add3A_67 = vector.broadcast %add3A_66 : i32 to vector<16xi32>
        %add3A_68 = arith.addi %convert_element_type3A_50, %add3A_67 : vector<16xi32>
        %mul3A_69 = arith.constant -1640531535 : i32
        %mul3A_70 = vector.broadcast %mul3A_69 : i32 to vector<16xi32>
        %mul3A_71 = arith.muli %add3A_68, %mul3A_70 : vector<16xi32>
        %mul3A_72 = arith.constant 805459861 : i32
        %mul3A_73 = vector.broadcast %mul3A_72 : i32 to vector<16xi32>
        %mul3A_74 = arith.muli %convert_element_type3A_51, %mul3A_73 : vector<16xi32>
        %add3A_75 = arith.constant 1 : i32
        %add3A_76 = vector.broadcast %add3A_75 : i32 to vector<16xi32>
        %add3A_77 = arith.addi %convert_element_type3A_51, %add3A_76 : vector<16xi32>
        %mul3A_78 = arith.constant 805459861 : i32
        %mul3A_79 = vector.broadcast %mul3A_78 : i32 to vector<16xi32>
        %mul3A_80 = arith.muli %add3A_77, %mul3A_79 : vector<16xi32>
        %mul3A_81 = arith.constant -620313867 : i32
        %mul3A_82 = vector.broadcast %mul3A_81 : i32 to vector<16xi32>
        %mul3A_83 = arith.muli %convert_element_type3A_52, %mul3A_82 : vector<16xi32>
        %add3A_84 = arith.constant 1 : i32
        %add3A_85 = vector.broadcast %add3A_84 : i32 to vector<16xi32>
        %add3A_86 = arith.addi %convert_element_type3A_52, %add3A_85 : vector<16xi32>
        %mul3A_87 = arith.constant -620313867 : i32
        %mul3A_88 = vector.broadcast %mul3A_87 : i32 to vector<16xi32>
        %mul3A_89 = arith.muli %add3A_86, %mul3A_88 : vector<16xi32>
        %xor3A = arith.xori %convert_element_type3A, %mul3A_65 : vector<16xi32>
        %xor3A_90 = arith.xori %convert_element_type3A, %mul3A_71 : vector<16xi32>
        %xor3A_91 = arith.xori %add3A_62, %mul3A_65 : vector<16xi32>
        %xor3A_92 = arith.xori %add3A_62, %mul3A_71 : vector<16xi32>
        %xor3A_93 = arith.xori %mul3A_74, %mul3A_83 : vector<16xi32>
        %xor3A_94 = arith.xori %mul3A_74, %mul3A_89 : vector<16xi32>
        %xor3A_95 = arith.xori %mul3A_80, %mul3A_83 : vector<16xi32>
        %xor3A_96 = arith.xori %mul3A_80, %mul3A_89 : vector<16xi32>
        %xor3A_97 = arith.xori %xor3A, %xor3A_93 : vector<16xi32>
        %and3A = arith.constant 524287 : i32
        %and3A_98 = vector.broadcast %and3A : i32 to vector<16xi32>
        %and3A_99 = arith.andi %xor3A_97, %and3A_98 : vector<16xi32>
        %add3A_100 = vector.broadcast %shift_left3A_37 : i32 to vector<16xi32>
        %add3A_101 = arith.addi %and3A_99, %add3A_100 : vector<16xi32>
        %swap3A = arith.constant 0 : index
        %swap3A_102 = tpu.vector_load %arg11[%swap3A] {strides = array<i32>} : memref<1024xi32, #tpu.memory_space<vmem>>, vector<16xi32>,
        tpu.vector_store %arg11[%swap3A], %add3A_101 {strides = array<i32>} : memref<1024xi32, #tpu.memory_space<vmem>>, vector<16xi32>,
        %xor3A_103 = arith.xori %xor3A, %xor3A_94 : vector<16xi32>
        %and3A_104 = arith.constant 524287 : i32
        %and3A_105 = vector.broadcast %and3A_104 : i32 to vector<16xi32>
        %and3A_106 = arith.andi %xor3A_103, %and3A_105 : vector<16xi32>
        %add3A_107 = vector.broadcast %shift_left3A_37 : i32 to vector<16xi32>
        %add3A_108 = arith.addi %and3A_106, %add3A_107 : vector<16xi32>
        %swap3A_109 = arith.constant 16 : index
        %swap3A_110 = tpu.vector_load %arg11[%swap3A_109] {strides = array<i32>} : memref<1024xi32, #tpu.memory_space<vmem>>, vector<16xi32>,
        tpu.vector_store %arg11[%swap3A_109], %add3A_108 {strides = array<i32>} : memref<1024xi32, #tpu.memory_space<vmem>>, vector<16xi32>,
        %xor3A_111 = arith.xori %xor3A, %xor3A_95 : vector<16xi32>
        %and3A_112 = arith.constant 524287 : i32
        %and3A_113 = vector.broadcast %and3A_112 : i32 to vector<16xi32>
        %and3A_114 = arith.andi %xor3A_111, %and3A_113 : vector<16xi32>
        %add3A_115 = vector.broadcast %shift_left3A_37 : i32 to vector<16xi32>
        %add3A_116 = arith.addi %and3A_114, %add3A_115 : vector<16xi32>
        %swap3A_117 = arith.constant 32 : index
        %swap3A_118 = tpu.vector_load %arg11[%swap3A_117] {strides = array<i32>} : memref<1024xi32, #tpu.memory_space<vmem>>, vector<16xi32>,
        tpu.vector_store %arg11[%swap3A_117], %add3A_116 {strides = array<i32>} : memref<1024xi32, #tpu.memory_space<vmem>>, vector<16xi32>,
        %xor3A_119 = arith.xori %xor3A, %xor3A_96 : vector<16xi32>
        %and3A_120 = arith.constant 524287 : i32
        %and3A_121 = vector.broadcast %and3A_120 : i32 to vector<16xi32>
        %and3A_122 = arith.andi %xor3A_119, %and3A_121 : vector<16xi32>
        %add3A_123 = vector.broadcast %shift_left3A_37 : i32 to vector<16xi32>
        %add3A_124 = arith.addi %and3A_122, %add3A_123 : vector<16xi32>
        %swap3A_125 = arith.constant 48 : index
        %swap3A_126 = tpu.vector_load %arg11[%swap3A_125] {strides = array<i32>} : memref<1024xi32, #tpu.memory_space<vmem>>, vector<16xi32>,
        tpu.vector_store %arg11[%swap3A_125], %add3A_124 {strides = array<i32>} : memref<1024xi32, #tpu.memory_space<vmem>>, vector<16xi32>,
        %xor3A_127 = arith.xori %xor3A_90, %xor3A_93 : vector<16xi32>
        %and3A_128 = arith.constant 524287 : i32
        %and3A_129 = vector.broadcast %and3A_128 : i32 to vector<16xi32>
        %and3A_130 = arith.andi %xor3A_127, %and3A_129 : vector<16xi32>
        %add3A_131 = vector.broadcast %shift_left3A_37 : i32 to vector<16xi32>
        %add3A_132 = arith.addi %and3A_130, %add3A_131 : vector<16xi32>
        %swap3A_133 = arith.constant 64 : index
        %swap3A_134 = tpu.vector_load %arg11[%swap3A_133] {strides = array<i32>} : memref<1024xi32, #tpu.memory_space<vmem>>, vector<16xi32>,
        tpu.vector_store %arg11[%swap3A_133], %add3A_132 {strides = array<i32>} : memref<1024xi32, #tpu.memory_space<vmem>>, vector<16xi32>,
        %xor3A_135 = arith.xori %xor3A_90, %xor3A_94 : vector<16xi32>
        %and3A_136 = arith.constant 524287 : i32
        %and3A_137 = vector.broadcast %and3A_136 : i32 to vector<16xi32>
        %and3A_138 = arith.andi %xor3A_135, %and3A_137 : vector<16xi32>
        %add3A_139 = vector.broadcast %shift_left3A_37 : i32 to vector<16xi32>
        %add3A_140 = arith.addi %and3A_138, %add3A_139 : vector<16xi32>
        %swap3A_141 = arith.constant 80 : index
        %swap3A_142 = tpu.vector_load %arg11[%swap3A_141] {strides = array<i32>} : memref<1024xi32, #tpu.memory_space<vmem>>, vector<16xi32>,
        tpu.vector_store %arg11[%swap3A_141], %add3A_140 {strides = array<i32>} : memref<1024xi32, #tpu.memory_space<vmem>>, vector<16xi32>,
        %xor3A_143 = arith.xori %xor3A_90, %xor3A_95 : vector<16xi32>
        %and3A_144 = arith.constant 524287 : i32
        %and3A_145 = vector.broadcast %and3A_144 : i32 to vector<16xi32>
        %and3A_146 = arith.andi %xor3A_143, %and3A_145 : vector<16xi32>
        %add3A_147 = vector.broadcast %shift_left3A_37 : i32 to vector<16xi32>
        %add3A_148 = arith.addi %and3A_146, %add3A_147 : vector<16xi32>
        %swap3A_149 = arith.constant 96 : index
        %swap3A_150 = tpu.vector_load %arg11[%swap3A_149] {strides = array<i32>} : memref<1024xi32, #tpu.memory_space<vmem>>, vector<16xi32>,
        tpu.vector_store %arg11[%swap3A_149], %add3A_148 {strides = array<i32>} : memref<1024xi32, #tpu.memory_space<vmem>>, vector<16xi32>,
        %xor3A_151 = arith.xori %xor3A_90, %xor3A_96 : vector<16xi32>
        %and3A_152 = arith.constant 524287 : i32
        %and3A_153 = vector.broadcast %and3A_152 : i32 to vector<16xi32>
        %and3A_154 = arith.andi %xor3A_151, %and3A_153 : vector<16xi32>
        %add3A_155 = vector.broadcast %shift_left3A_37 : i32 to vector<16xi32>
        %add3A_156 = arith.addi %and3A_154, %add3A_155 : vector<16xi32>
        %swap3A_157 = arith.constant 112 : index
        %swap3A_158 = tpu.vector_load %arg11[%swap3A_157] {strides = array<i32>} : memref<1024xi32, #tpu.memory_space<vmem>>, vector<16xi32>,
        tpu.vector_store %arg11[%swap3A_157], %add3A_156 {strides = array<i32>} : memref<1024xi32, #tpu.memory_space<vmem>>, vector<16xi32>,
        %xor3A_159 = arith.xori %xor3A_91, %xor3A_93 : vector<16xi32>
        %and3A_160 = arith.constant 524287 : i32
        %and3A_161 = vector.broadcast %and3A_160 : i32 to vector<16xi32>
        %and3A_162 = arith.andi %xor3A_159, %and3A_161 : vector<16xi32>
        %add3A_163 = vector.broadcast %shift_left3A_37 : i32 to vector<16xi32>
        %add3A_164 = arith.addi %and3A_162, %add3A_163 : vector<16xi32>
        %swap3A_165 = arith.constant 128 : index
        %swap3A_166 = tpu.vector_load %arg11[%swap3A_165] {strides = array<i32>} : memref<1024xi32, #tpu.memory_space<vmem>>, vector<16xi32>,
        tpu.vector_store %arg11[%swap3A_165], %add3A_164 {strides = array<i32>} : memref<1024xi32, #tpu.memory_space<vmem>>, vector<16xi32>,
        %xor3A_167 = arith.xori %xor3A_91, %xor3A_94 : vector<16xi32>
        %and3A_168 = arith.constant 524287 : i32
        %and3A_169 = vector.broadcast %and3A_168 : i32 to vector<16xi32>
        %and3A_170 = arith.andi %xor3A_167, %and3A_169 : vector<16xi32>
        %add3A_171 = vector.broadcast %shift_left3A_37 : i32 to vector<16xi32>
        %add3A_172 = arith.addi %and3A_170, %add3A_171 : vector<16xi32>
        %swap3A_173 = arith.constant 144 : index
        %swap3A_174 = tpu.vector_load %arg11[%swap3A_173] {strides = array<i32>} : memref<1024xi32, #tpu.memory_space<vmem>>, vector<16xi32>,
        tpu.vector_store %arg11[%swap3A_173], %add3A_172 {strides = array<i32>} : memref<1024xi32, #tpu.memory_space<vmem>>, vector<16xi32>,
        %xor3A_175 = arith.xori %xor3A_91, %xor3A_95 : vector<16xi32>
        %and3A_176 = arith.constant 524287 : i32
        %and3A_177 = vector.broadcast %and3A_176 : i32 to vector<16xi32>
        %and3A_178 = arith.andi %xor3A_175, %and3A_177 : vector<16xi32>
        %add3A_179 = vector.broadcast %shift_left3A_37 : i32 to vector<16xi32>
        %add3A_180 = arith.addi %and3A_178, %add3A_179 : vector<16xi32>
        %swap3A_181 = arith.constant 160 : index
        %swap3A_182 = tpu.vector_load %arg11[%swap3A_181] {strides = array<i32>} : memref<1024xi32, #tpu.memory_space<vmem>>, vector<16xi32>,
        tpu.vector_store %arg11[%swap3A_181], %add3A_180 {strides = array<i32>} : memref<1024xi32, #tpu.memory_space<vmem>>, vector<16xi32>,
        %xor3A_183 = arith.xori %xor3A_91, %xor3A_96 : vector<16xi32>
        %and3A_184 = arith.constant 524287 : i32
        %and3A_185 = vector.broadcast %and3A_184 : i32 to vector<16xi32>
        %and3A_186 = arith.andi %xor3A_183, %and3A_185 : vector<16xi32>
        %add3A_187 = vector.broadcast %shift_left3A_37 : i32 to vector<16xi32>
        %add3A_188 = arith.addi %and3A_186, %add3A_187 : vector<16xi32>
        %swap3A_189 = arith.constant 176 : index
        %swap3A_190 = tpu.vector_load %arg11[%swap3A_189] {strides = array<i32>} : memref<1024xi32, #tpu.memory_space<vmem>>, vector<16xi32>,
        tpu.vector_store %arg11[%swap3A_189], %add3A_188 {strides = array<i32>} : memref<1024xi32, #tpu.memory_space<vmem>>, vector<16xi32>,
        %xor3A_191 = arith.xori %xor3A_92, %xor3A_93 : vector<16xi32>
        %and3A_192 = arith.constant 524287 : i32
        %and3A_193 = vector.broadcast %and3A_192 : i32 to vector<16xi32>
        %and3A_194 = arith.andi %xor3A_191, %and3A_193 : vector<16xi32>
        %add3A_195 = vector.broadcast %shift_left3A_37 : i32 to vector<16xi32>
        %add3A_196 = arith.addi %and3A_194, %add3A_195 : vector<16xi32>
        %swap3A_197 = arith.constant 192 : index
        %swap3A_198 = tpu.vector_load %arg11[%swap3A_197] {strides = array<i32>} : memref<1024xi32, #tpu.memory_space<vmem>>, vector<16xi32>,
        tpu.vector_store %arg11[%swap3A_197], %add3A_196 {strides = array<i32>} : memref<1024xi32, #tpu.memory_space<vmem>>, vector<16xi32>,
        %xor3A_199 = arith.xori %xor3A_92, %xor3A_94 : vector<16xi32>
        %and3A_200 = arith.constant 524287 : i32
        %and3A_201 = vector.broadcast %and3A_200 : i32 to vector<16xi32>
        %and3A_202 = arith.andi %xor3A_199, %and3A_201 : vector<16xi32>
        %add3A_203 = vector.broadcast %shift_left3A_37 : i32 to vector<16xi32>
        %add3A_204 = arith.addi %and3A_202, %add3A_203 : vector<16xi32>
        %swap3A_205 = arith.constant 208 : index
        %swap3A_206 = tpu.vector_load %arg11[%swap3A_205] {strides = array<i32>} : memref<1024xi32, #tpu.memory_space<vmem>>, vector<16xi32>,
        tpu.vector_store %arg11[%swap3A_205], %add3A_204 {strides = array<i32>} : memref<1024xi32, #tpu.memory_space<vmem>>, vector<16xi32>,
        %xor3A_207 = arith.xori %xor3A_92, %xor3A_95 : vector<16xi32>
        %and3A_208 = arith.constant 524287 : i32
        %and3A_209 = vector.broadcast %and3A_208 : i32 to vector<16xi32>
        %and3A_210 = arith.andi %xor3A_207, %and3A_209 : vector<16xi32>
        %add3A_211 = vector.broadcast %shift_left3A_37 : i32 to vector<16xi32>
        %add3A_212 = arith.addi %and3A_210, %add3A_211 : vector<16xi32>
        %swap3A_213 = arith.constant 224 : index
        %swap3A_214 = tpu.vector_load %arg11[%swap3A_213] {strides = array<i32>} : memref<1024xi32, #tpu.memory_space<vmem>>, vector<16xi32>,
        tpu.vector_store %arg11[%swap3A_213], %add3A_212 {strides = array<i32>} : memref<1024xi32, #tpu.memory_space<vmem>>, vector<16xi32>,
        %xor3A_215 = arith.xori %xor3A_92, %xor3A_96 : vector<16xi32>
        %and3A_216 = arith.constant 524287 : i32
        %and3A_217 = vector.broadcast %and3A_216 : i32 to vector<16xi32>
        %and3A_218 = arith.andi %xor3A_215, %and3A_217 : vector<16xi32>
        %add3A_219 = vector.broadcast %shift_left3A_37 : i32 to vector<16xi32>
        %add3A_220 = arith.addi %and3A_218, %add3A_219 : vector<16xi32>
        %swap3A_221 = arith.constant 240 : index
        %swap3A_222 = tpu.vector_load %arg11[%swap3A_221] {strides = array<i32>} : memref<1024xi32, #tpu.memory_space<vmem>>, vector<16xi32>,
        tpu.vector_store %arg11[%swap3A_221], %add3A_220 {strides = array<i32>} : memref<1024xi32, #tpu.memory_space<vmem>>, vector<16xi32>,
        %get3A_223 = arith.constant 16 : index
        %get3A_224 = tpu.vector_load %arg9[%get3A_223] {strides = array<i32>} : memref<448xf32, #tpu.memory_space<vmem>>, vector<16xf32>,
        %mul3A_225 = arith.mulf %get3A_224, %gather3A_36 : vector<16xf32>
        %get3A_226 = arith.constant 80 : index
        %get3A_227 = tpu.vector_load %arg9[%get3A_226] {strides = array<i32>} : memref<448xf32, #tpu.memory_space<vmem>>, vector<16xf32>,
        %mul3A_228 = arith.mulf %get3A_227, %gather3A_36 : vector<16xf32>
        %get3A_229 = arith.constant 144 : index
        %get3A_230 = tpu.vector_load %arg9[%get3A_229] {strides = array<i32>} : memref<448xf32, #tpu.memory_space<vmem>>, vector<16xf32>,
        %mul3A_231 = arith.mulf %get3A_230, %gather3A_36 : vector<16xf32>
        %get3A_232 = arith.constant 208 : index
        %get3A_233 = tpu.vector_load %arg9[%get3A_232] {strides = array<i32>} : memref<448xf32, #tpu.memory_space<vmem>>, vector<16xf32>,
        %mul3A_234 = arith.mulf %get3A_233, %gather3A_36 : vector<16xf32>
        %convert_element_type3A_235 = arith.fptosi %mul3A_225 : vector<16xf32> to vector<16xi32>
        %convert_element_type3A_236 = arith.fptosi %mul3A_228 : vector<16xf32> to vector<16xi32>
        %convert_element_type3A_237 = arith.fptosi %mul3A_231 : vector<16xf32> to vector<16xi32>
        %convert_element_type3A_238 = arith.fptosi %mul3A_234 : vector<16xf32> to vector<16xi32>
        %convert_element_type3A_239 = arith.sitofp %convert_element_type3A_235 : vector<16xi32> to vector<16xf32>
        %sub3A_240 = arith.subf %mul3A_225, %convert_element_type3A_239 : vector<16xf32>
        %convert_element_type3A_241 = arith.sitofp %convert_element_type3A_236 : vector<16xi32> to vector<16xf32>
        %sub3A_242 = arith.subf %mul3A_228, %convert_element_type3A_241 : vector<16xf32>
        %convert_element_type3A_243 = arith.sitofp %convert_element_type3A_237 : vector<16xi32> to vector<16xf32>
        %sub3A_244 = arith.subf %mul3A_231, %convert_element_type3A_243 : vector<16xf32>
        %convert_element_type3A_245 = arith.sitofp %convert_element_type3A_238 : vector<16xi32> to vector<16xf32>
        %sub3A_246 = arith.subf %mul3A_234, %convert_element_type3A_245 : vector<16xf32>
        %add3A_247 = arith.constant 1 : i32
        %add3A_248 = vector.broadcast %add3A_247 : i32 to vector<16xi32>
        %add3A_249 = arith.addi %convert_element_type3A_235, %add3A_248 : vector<16xi32>
        %mul3A_250 = arith.constant -1640531535 : i32
        %mul3A_251 = vector.broadcast %mul3A_250 : i32 to vector<16xi32>
        %mul3A_252 = arith.muli %convert_element_type3A_236, %mul3A_251 : vector<16xi32>
        %add3A_253 = arith.constant 1 : i32
        %add3A_254 = vector.broadcast %add3A_253 : i32 to vector<16xi32>
        %add3A_255 = arith.addi %convert_element_type3A_236, %add3A_254 : vector<16xi32>
        %mul3A_256 = arith.constant -1640531535 : i32
        %mul3A_257 = vector.broadcast %mul3A_256 : i32 to vector<16xi32>
        %mul3A_258 = arith.muli %add3A_255, %mul3A_257 : vector<16xi32>
        %mul3A_259 = arith.constant 805459861 : i32
        %mul3A_260 = vector.broadcast %mul3A_259 : i32 to vector<16xi32>
        %mul3A_261 = arith.muli %convert_element_type3A_237, %mul3A_260 : vector<16xi32>
        %add3A_262 = arith.constant 1 : i32
        %add3A_263 = vector.broadcast %add3A_262 : i32 to vector<16xi32>
        %add3A_264 = arith.addi %convert_element_type3A_237, %add3A_263 : vector<16xi32>
        %mul3A_265 = arith.constant 805459861 : i32
        %mul3A_266 = vector.broadcast %mul3A_265 : i32 to vector<16xi32>
        %mul3A_267 = arith.muli %add3A_264, %mul3A_266 : vector<16xi32>
        %mul3A_268 = arith.constant -620313867 : i32
        %mul3A_269 = vector.broadcast %mul3A_268 : i32 to vector<16xi32>
        %mul3A_270 = arith.muli %convert_element_type3A_238, %mul3A_269 : vector<16xi32>
        %add3A_271 = arith.constant 1 : i32
        %add3A_272 = vector.broadcast %add3A_271 : i32 to vector<16xi32>
        %add3A_273 = arith.addi %convert_element_type3A_238, %add3A_272 : vector<16xi32>
        %mul3A_274 = arith.constant -620313867 : i32
        %mul3A_275 = vector.broadcast %mul3A_274 : i32 to vector<16xi32>
        %mul3A_276 = arith.muli %add3A_273, %mul3A_275 : vector<16xi32>
        %xor3A_277 = arith.xori %convert_element_type3A_235, %mul3A_252 : vector<16xi32>
        %xor3A_278 = arith.xori %convert_element_type3A_235, %mul3A_258 : vector<16xi32>
        %xor3A_279 = arith.xori %add3A_249, %mul3A_252 : vector<16xi32>
        %xor3A_280 = arith.xori %add3A_249, %mul3A_258 : vector<16xi32>
        %xor3A_281 = arith.xori %mul3A_261, %mul3A_270 : vector<16xi32>
        %xor3A_282 = arith.xori %mul3A_261, %mul3A_276 : vector<16xi32>
        %xor3A_283 = arith.xori %mul3A_267, %mul3A_270 : vector<16xi32>
        %xor3A_284 = arith.xori %mul3A_267, %mul3A_276 : vector<16xi32>
        %xor3A_285 = arith.xori %xor3A_277, %xor3A_281 : vector<16xi32>
        %and3A_286 = arith.constant 524287 : i32
        %and3A_287 = vector.broadcast %and3A_286 : i32 to vector<16xi32>
        %and3A_288 = arith.andi %xor3A_285, %and3A_287 : vector<16xi32>
        %add3A_289 = vector.broadcast %shift_left3A_37 : i32 to vector<16xi32>
        %add3A_290 = arith.addi %and3A_288, %add3A_289 : vector<16xi32>
        %swap3A_291 = arith.constant 256 : index
        %swap3A_292 = tpu.vector_load %arg11[%swap3A_291] {strides = array<i32>} : memref<1024xi32, #tpu.memory_space<vmem>>, vector<16xi32>,
        tpu.vector_store %arg11[%swap3A_291], %add3A_290 {strides = array<i32>} : memref<1024xi32, #tpu.memory_space<vmem>>, vector<16xi32>,
        %xor3A_293 = arith.xori %xor3A_277, %xor3A_282 : vector<16xi32>
        %and3A_294 = arith.constant 524287 : i32
        %and3A_295 = vector.broadcast %and3A_294 : i32 to vector<16xi32>
        %and3A_296 = arith.andi %xor3A_293, %and3A_295 : vector<16xi32>
        %add3A_297 = vector.broadcast %shift_left3A_37 : i32 to vector<16xi32>
        %add3A_298 = arith.addi %and3A_296, %add3A_297 : vector<16xi32>
        %swap3A_299 = arith.constant 272 : index
        %swap3A_300 = tpu.vector_load %arg11[%swap3A_299] {strides = array<i32>} : memref<1024xi32, #tpu.memory_space<vmem>>, vector<16xi32>,
        tpu.vector_store %arg11[%swap3A_299], %add3A_298 {strides = array<i32>} : memref<1024xi32, #tpu.memory_space<vmem>>, vector<16xi32>,
        %xor3A_301 = arith.xori %xor3A_277, %xor3A_283 : vector<16xi32>
        %and3A_302 = arith.constant 524287 : i32
        %and3A_303 = vector.broadcast %and3A_302 : i32 to vector<16xi32>
        %and3A_304 = arith.andi %xor3A_301, %and3A_303 : vector<16xi32>
        %add3A_305 = vector.broadcast %shift_left3A_37 : i32 to vector<16xi32>
        %add3A_306 = arith.addi %and3A_304, %add3A_305 : vector<16xi32>
        %swap3A_307 = arith.constant 288 : index
        %swap3A_308 = tpu.vector_load %arg11[%swap3A_307] {strides = array<i32>} : memref<1024xi32, #tpu.memory_space<vmem>>, vector<16xi32>,
        tpu.vector_store %arg11[%swap3A_307], %add3A_306 {strides = array<i32>} : memref<1024xi32, #tpu.memory_space<vmem>>, vector<16xi32>,
        %xor3A_309 = arith.xori %xor3A_277, %xor3A_284 : vector<16xi32>
        %and3A_310 = arith.constant 524287 : i32
        %and3A_311 = vector.broadcast %and3A_310 : i32 to vector<16xi32>
        %and3A_312 = arith.andi %xor3A_309, %and3A_311 : vector<16xi32>
        %add3A_313 = vector.broadcast %shift_left3A_37 : i32 to vector<16xi32>
        %add3A_314 = arith.addi %and3A_312, %add3A_313 : vector<16xi32>
        %swap3A_315 = arith.constant 304 : index
        %swap3A_316 = tpu.vector_load %arg11[%swap3A_315] {strides = array<i32>} : memref<1024xi32, #tpu.memory_space<vmem>>, vector<16xi32>,
        tpu.vector_store %arg11[%swap3A_315], %add3A_314 {strides = array<i32>} : memref<1024xi32, #tpu.memory_space<vmem>>, vector<16xi32>,
        %xor3A_317 = arith.xori %xor3A_278, %xor3A_281 : vector<16xi32>
        %and3A_318 = arith.constant 524287 : i32
        %and3A_319 = vector.broadcast %and3A_318 : i32 to vector<16xi32>
        %and3A_320 = arith.andi %xor3A_317, %and3A_319 : vector<16xi32>
        %add3A_321 = vector.broadcast %shift_left3A_37 : i32 to vector<16xi32>
        %add3A_322 = arith.addi %and3A_320, %add3A_321 : vector<16xi32>
        %swap3A_323 = arith.constant 320 : index
        %swap3A_324 = tpu.vector_load %arg11[%swap3A_323] {strides = array<i32>} : memref<1024xi32, #tpu.memory_space<vmem>>, vector<16xi32>,
        tpu.vector_store %arg11[%swap3A_323], %add3A_322 {strides = array<i32>} : memref<1024xi32, #tpu.memory_space<vmem>>, vector<16xi32>,
        %xor3A_325 = arith.xori %xor3A_278, %xor3A_282 : vector<16xi32>
        %and3A_326 = arith.constant 524287 : i32
        %and3A_327 = vector.broadcast %and3A_326 : i32 to vector<16xi32>
        %and3A_328 = arith.andi %xor3A_325, %and3A_327 : vector<16xi32>
        %add3A_329 = vector.broadcast %shift_left3A_37 : i32 to vector<16xi32>
        %add3A_330 = arith.addi %and3A_328, %add3A_329 : vector<16xi32>
        %swap3A_331 = arith.constant 336 : index
        %swap3A_332 = tpu.vector_load %arg11[%swap3A_331] {strides = array<i32>} : memref<1024xi32, #tpu.memory_space<vmem>>, vector<16xi32>,
        tpu.vector_store %arg11[%swap3A_331], %add3A_330 {strides = array<i32>} : memref<1024xi32, #tpu.memory_space<vmem>>, vector<16xi32>,
        %xor3A_333 = arith.xori %xor3A_278, %xor3A_283 : vector<16xi32>
        %and3A_334 = arith.constant 524287 : i32
        %and3A_335 = vector.broadcast %and3A_334 : i32 to vector<16xi32>
        %and3A_336 = arith.andi %xor3A_333, %and3A_335 : vector<16xi32>
        %add3A_337 = vector.broadcast %shift_left3A_37 : i32 to vector<16xi32>
        %add3A_338 = arith.addi %and3A_336, %add3A_337 : vector<16xi32>
        %swap3A_339 = arith.constant 352 : index
        %swap3A_340 = tpu.vector_load %arg11[%swap3A_339] {strides = array<i32>} : memref<1024xi32, #tpu.memory_space<vmem>>, vector<16xi32>,
        tpu.vector_store %arg11[%swap3A_339], %add3A_338 {strides = array<i32>} : memref<1024xi32, #tpu.memory_space<vmem>>, vector<16xi32>,
        %xor3A_341 = arith.xori %xor3A_278, %xor3A_284 : vector<16xi32>
        %and3A_342 = arith.constant 524287 : i32
        %and3A_343 = vector.broadcast %and3A_342 : i32 to vector<16xi32>
        %and3A_344 = arith.andi %xor3A_341, %and3A_343 : vector<16xi32>
        %add3A_345 = vector.broadcast %shift_left3A_37 : i32 to vector<16xi32>
        %add3A_346 = arith.addi %and3A_344, %add3A_345 : vector<16xi32>
        %swap3A_347 = arith.constant 368 : index
        %swap3A_348 = tpu.vector_load %arg11[%swap3A_347] {strides = array<i32>} : memref<1024xi32, #tpu.memory_space<vmem>>, vector<16xi32>,
        tpu.vector_store %arg11[%swap3A_347], %add3A_346 {strides = array<i32>} : memref<1024xi32, #tpu.memory_space<vmem>>, vector<16xi32>,
        %xor3A_349 = arith.xori %xor3A_279, %xor3A_281 : vector<16xi32>
        %and3A_350 = arith.constant 524287 : i32
        %and3A_351 = vector.broadcast %and3A_350 : i32 to vector<16xi32>
        %and3A_352 = arith.andi %xor3A_349, %and3A_351 : vector<16xi32>
        %add3A_353 = vector.broadcast %shift_left3A_37 : i32 to vector<16xi32>
        %add3A_354 = arith.addi %and3A_352, %add3A_353 : vector<16xi32>
        %swap3A_355 = arith.constant 384 : index
        %swap3A_356 = tpu.vector_load %arg11[%swap3A_355] {strides = array<i32>} : memref<1024xi32, #tpu.memory_space<vmem>>, vector<16xi32>,
        tpu.vector_store %arg11[%swap3A_355], %add3A_354 {strides = array<i32>} : memref<1024xi32, #tpu.memory_space<vmem>>, vector<16xi32>,
        %xor3A_357 = arith.xori %xor3A_279, %xor3A_282 : vector<16xi32>
        %and3A_358 = arith.constant 524287 : i32
        %and3A_359 = vector.broadcast %and3A_358 : i32 to vector<16xi32>
        %and3A_360 = arith.andi %xor3A_357, %and3A_359 : vector<16xi32>
        %add3A_361 = vector.broadcast %shift_left3A_37 : i32 to vector<16xi32>
        %add3A_362 = arith.addi %and3A_360, %add3A_361 : vector<16xi32>
        %swap3A_363 = arith.constant 400 : index
        %swap3A_364 = tpu.vector_load %arg11[%swap3A_363] {strides = array<i32>} : memref<1024xi32, #tpu.memory_space<vmem>>, vector<16xi32>,
        tpu.vector_store %arg11[%swap3A_363], %add3A_362 {strides = array<i32>} : memref<1024xi32, #tpu.memory_space<vmem>>, vector<16xi32>,
        %xor3A_365 = arith.xori %xor3A_279, %xor3A_283 : vector<16xi32>
        %and3A_366 = arith.constant 524287 : i32
        %and3A_367 = vector.broadcast %and3A_366 : i32 to vector<16xi32>
        %and3A_368 = arith.andi %xor3A_365, %and3A_367 : vector<16xi32>
        %add3A_369 = vector.broadcast %shift_left3A_37 : i32 to vector<16xi32>
        %add3A_370 = arith.addi %and3A_368, %add3A_369 : vector<16xi32>
        %swap3A_371 = arith.constant 416 : index
        %swap3A_372 = tpu.vector_load %arg11[%swap3A_371] {strides = array<i32>} : memref<1024xi32, #tpu.memory_space<vmem>>, vector<16xi32>,
        tpu.vector_store %arg11[%swap3A_371], %add3A_370 {strides = array<i32>} : memref<1024xi32, #tpu.memory_space<vmem>>, vector<16xi32>,
        %xor3A_373 = arith.xori %xor3A_279, %xor3A_284 : vector<16xi32>
        %and3A_374 = arith.constant 524287 : i32
        %and3A_375 = vector.broadcast %and3A_374 : i32 to vector<16xi32>
        %and3A_376 = arith.andi %xor3A_373, %and3A_375 : vector<16xi32>
        %add3A_377 = vector.broadcast %shift_left3A_37 : i32 to vector<16xi32>
        %add3A_378 = arith.addi %and3A_376, %add3A_377 : vector<16xi32>
        %swap3A_379 = arith.constant 432 : index
        %swap3A_380 = tpu.vector_load %arg11[%swap3A_379] {strides = array<i32>} : memref<1024xi32, #tpu.memory_space<vmem>>, vector<16xi32>,
        tpu.vector_store %arg11[%swap3A_379], %add3A_378 {strides = array<i32>} : memref<1024xi32, #tpu.memory_space<vmem>>, vector<16xi32>,
        %xor3A_381 = arith.xori %xor3A_280, %xor3A_281 : vector<16xi32>
        %and3A_382 = arith.constant 524287 : i32
        %and3A_383 = vector.broadcast %and3A_382 : i32 to vector<16xi32>
        %and3A_384 = arith.andi %xor3A_381, %and3A_383 : vector<16xi32>
        %add3A_385 = vector.broadcast %shift_left3A_37 : i32 to vector<16xi32>
        %add3A_386 = arith.addi %and3A_384, %add3A_385 : vector<16xi32>
        %swap3A_387 = arith.constant 448 : index
        %swap3A_388 = tpu.vector_load %arg11[%swap3A_387] {strides = array<i32>} : memref<1024xi32, #tpu.memory_space<vmem>>, vector<16xi32>,
        tpu.vector_store %arg11[%swap3A_387], %add3A_386 {strides = array<i32>} : memref<1024xi32, #tpu.memory_space<vmem>>, vector<16xi32>,
        %xor3A_389 = arith.xori %xor3A_280, %xor3A_282 : vector<16xi32>
        %and3A_390 = arith.constant 524287 : i32
        %and3A_391 = vector.broadcast %and3A_390 : i32 to vector<16xi32>
        %and3A_392 = arith.andi %xor3A_389, %and3A_391 : vector<16xi32>
        %add3A_393 = vector.broadcast %shift_left3A_37 : i32 to vector<16xi32>
        %add3A_394 = arith.addi %and3A_392, %add3A_393 : vector<16xi32>
        %swap3A_395 = arith.constant 464 : index
        %swap3A_396 = tpu.vector_load %arg11[%swap3A_395] {strides = array<i32>} : memref<1024xi32, #tpu.memory_space<vmem>>, vector<16xi32>,
        tpu.vector_store %arg11[%swap3A_395], %add3A_394 {strides = array<i32>} : memref<1024xi32, #tpu.memory_space<vmem>>, vector<16xi32>,
        %xor3A_397 = arith.xori %xor3A_280, %xor3A_283 : vector<16xi32>
        %and3A_398 = arith.constant 524287 : i32
        %and3A_399 = vector.broadcast %and3A_398 : i32 to vector<16xi32>
        %and3A_400 = arith.andi %xor3A_397, %and3A_399 : vector<16xi32>
        %add3A_401 = vector.broadcast %shift_left3A_37 : i32 to vector<16xi32>
        %add3A_402 = arith.addi %and3A_400, %add3A_401 : vector<16xi32>
        %swap3A_403 = arith.constant 480 : index
        %swap3A_404 = tpu.vector_load %arg11[%swap3A_403] {strides = array<i32>} : memref<1024xi32, #tpu.memory_space<vmem>>, vector<16xi32>,
        tpu.vector_store %arg11[%swap3A_403], %add3A_402 {strides = array<i32>} : memref<1024xi32, #tpu.memory_space<vmem>>, vector<16xi32>,
        %xor3A_405 = arith.xori %xor3A_280, %xor3A_284 : vector<16xi32>
        %and3A_406 = arith.constant 524287 : i32
        %and3A_407 = vector.broadcast %and3A_406 : i32 to vector<16xi32>
        %and3A_408 = arith.andi %xor3A_405, %and3A_407 : vector<16xi32>
        %add3A_409 = vector.broadcast %shift_left3A_37 : i32 to vector<16xi32>
        %add3A_410 = arith.addi %and3A_408, %add3A_409 : vector<16xi32>
        %swap3A_411 = arith.constant 496 : index
        %swap3A_412 = tpu.vector_load %arg11[%swap3A_411] {strides = array<i32>} : memref<1024xi32, #tpu.memory_space<vmem>>, vector<16xi32>,
        tpu.vector_store %arg11[%swap3A_411], %add3A_410 {strides = array<i32>} : memref<1024xi32, #tpu.memory_space<vmem>>, vector<16xi32>,
        %get3A_413 = arith.constant 32 : index
        %get3A_414 = tpu.vector_load %arg9[%get3A_413] {strides = array<i32>} : memref<448xf32, #tpu.memory_space<vmem>>, vector<16xf32>,
        %mul3A_415 = arith.mulf %get3A_414, %gather3A_36 : vector<16xf32>
        %get3A_416 = arith.constant 96 : index
        %get3A_417 = tpu.vector_load %arg9[%get3A_416] {strides = array<i32>} : memref<448xf32, #tpu.memory_space<vmem>>, vector<16xf32>,
        %mul3A_418 = arith.mulf %get3A_417, %gather3A_36 : vector<16xf32>
        %get3A_419 = arith.constant 160 : index
        %get3A_420 = tpu.vector_load %arg9[%get3A_419] {strides = array<i32>} : memref<448xf32, #tpu.memory_space<vmem>>, vector<16xf32>,
        %mul3A_421 = arith.mulf %get3A_420, %gather3A_36 : vector<16xf32>
        %get3A_422 = arith.constant 224 : index
        %get3A_423 = tpu.vector_load %arg9[%get3A_422] {strides = array<i32>} : memref<448xf32, #tpu.memory_space<vmem>>, vector<16xf32>,
        %mul3A_424 = arith.mulf %get3A_423, %gather3A_36 : vector<16xf32>
        %convert_element_type3A_425 = arith.fptosi %mul3A_415 : vector<16xf32> to vector<16xi32>
        %convert_element_type3A_426 = arith.fptosi %mul3A_418 : vector<16xf32> to vector<16xi32>
        %convert_element_type3A_427 = arith.fptosi %mul3A_421 : vector<16xf32> to vector<16xi32>
        %convert_element_type3A_428 = arith.fptosi %mul3A_424 : vector<16xf32> to vector<16xi32>
        %convert_element_type3A_429 = arith.sitofp %convert_element_type3A_425 : vector<16xi32> to vector<16xf32>
        %sub3A_430 = arith.subf %mul3A_415, %convert_element_type3A_429 : vector<16xf32>
        %convert_element_type3A_431 = arith.sitofp %convert_element_type3A_426 : vector<16xi32> to vector<16xf32>
        %sub3A_432 = arith.subf %mul3A_418, %convert_element_type3A_431 : vector<16xf32>
        %convert_element_type3A_433 = arith.sitofp %convert_element_type3A_427 : vector<16xi32> to vector<16xf32>
        %sub3A_434 = arith.subf %mul3A_421, %convert_element_type3A_433 : vector<16xf32>
        %convert_element_type3A_435 = arith.sitofp %convert_element_type3A_428 : vector<16xi32> to vector<16xf32>
        %sub3A_436 = arith.subf %mul3A_424, %convert_element_type3A_435 : vector<16xf32>
        %add3A_437 = arith.constant 1 : i32
        %add3A_438 = vector.broadcast %add3A_437 : i32 to vector<16xi32>
        %add3A_439 = arith.addi %convert_element_type3A_425, %add3A_438 : vector<16xi32>
        %mul3A_440 = arith.constant -1640531535 : i32
        %mul3A_441 = vector.broadcast %mul3A_440 : i32 to vector<16xi32>
        %mul3A_442 = arith.muli %convert_element_type3A_426, %mul3A_441 : vector<16xi32>
        %add3A_443 = arith.constant 1 : i32
        %add3A_444 = vector.broadcast %add3A_443 : i32 to vector<16xi32>
        %add3A_445 = arith.addi %convert_element_type3A_426, %add3A_444 : vector<16xi32>
        %mul3A_446 = arith.constant -1640531535 : i32
        %mul3A_447 = vector.broadcast %mul3A_446 : i32 to vector<16xi32>
        %mul3A_448 = arith.muli %add3A_445, %mul3A_447 : vector<16xi32>
        %mul3A_449 = arith.constant 805459861 : i32
        %mul3A_450 = vector.broadcast %mul3A_449 : i32 to vector<16xi32>
        %mul3A_451 = arith.muli %convert_element_type3A_427, %mul3A_450 : vector<16xi32>
        %add3A_452 = arith.constant 1 : i32
        %add3A_453 = vector.broadcast %add3A_452 : i32 to vector<16xi32>
        %add3A_454 = arith.addi %convert_element_type3A_427, %add3A_453 : vector<16xi32>
        %mul3A_455 = arith.constant 805459861 : i32
        %mul3A_456 = vector.broadcast %mul3A_455 : i32 to vector<16xi32>
        %mul3A_457 = arith.muli %add3A_454, %mul3A_456 : vector<16xi32>
        %mul3A_458 = arith.constant -620313867 : i32
        %mul3A_459 = vector.broadcast %mul3A_458 : i32 to vector<16xi32>
        %mul3A_460 = arith.muli %convert_element_type3A_428, %mul3A_459 : vector<16xi32>
        %add3A_461 = arith.constant 1 : i32
        %add3A_462 = vector.broadcast %add3A_461 : i32 to vector<16xi32>
        %add3A_463 = arith.addi %convert_element_type3A_428, %add3A_462 : vector<16xi32>
        %mul3A_464 = arith.constant -620313867 : i32
        %mul3A_465 = vector.broadcast %mul3A_464 : i32 to vector<16xi32>
        %mul3A_466 = arith.muli %add3A_463, %mul3A_465 : vector<16xi32>
        %xor3A_467 = arith.xori %convert_element_type3A_425, %mul3A_442 : vector<16xi32>
        %xor3A_468 = arith.xori %convert_element_type3A_425, %mul3A_448 : vector<16xi32>
        %xor3A_469 = arith.xori %add3A_439, %mul3A_442 : vector<16xi32>
        %xor3A_470 = arith.xori %add3A_439, %mul3A_448 : vector<16xi32>
        %xor3A_471 = arith.xori %mul3A_451, %mul3A_460 : vector<16xi32>
        %xor3A_472 = arith.xori %mul3A_451, %mul3A_466 : vector<16xi32>
        %xor3A_473 = arith.xori %mul3A_457, %mul3A_460 : vector<16xi32>
        %xor3A_474 = arith.xori %mul3A_457, %mul3A_466 : vector<16xi32>
        %xor3A_475 = arith.xori %xor3A_467, %xor3A_471 : vector<16xi32>
        %and3A_476 = arith.constant 524287 : i32
        %and3A_477 = vector.broadcast %and3A_476 : i32 to vector<16xi32>
        %and3A_478 = arith.andi %xor3A_475, %and3A_477 : vector<16xi32>
        %add3A_479 = vector.broadcast %shift_left3A_37 : i32 to vector<16xi32>
        %add3A_480 = arith.addi %and3A_478, %add3A_479 : vector<16xi32>
        %swap3A_481 = arith.constant 512 : index
        %swap3A_482 = tpu.vector_load %arg11[%swap3A_481] {strides = array<i32>} : memref<1024xi32, #tpu.memory_space<vmem>>, vector<16xi32>,
        tpu.vector_store %arg11[%swap3A_481], %add3A_480 {strides = array<i32>} : memref<1024xi32, #tpu.memory_space<vmem>>, vector<16xi32>,
        %xor3A_483 = arith.xori %xor3A_467, %xor3A_472 : vector<16xi32>
        %and3A_484 = arith.constant 524287 : i32
        %and3A_485 = vector.broadcast %and3A_484 : i32 to vector<16xi32>
        %and3A_486 = arith.andi %xor3A_483, %and3A_485 : vector<16xi32>
        %add3A_487 = vector.broadcast %shift_left3A_37 : i32 to vector<16xi32>
        %add3A_488 = arith.addi %and3A_486, %add3A_487 : vector<16xi32>
        %swap3A_489 = arith.constant 528 : index
        %swap3A_490 = tpu.vector_load %arg11[%swap3A_489] {strides = array<i32>} : memref<1024xi32, #tpu.memory_space<vmem>>, vector<16xi32>,
        tpu.vector_store %arg11[%swap3A_489], %add3A_488 {strides = array<i32>} : memref<1024xi32, #tpu.memory_space<vmem>>, vector<16xi32>,
        %xor3A_491 = arith.xori %xor3A_467, %xor3A_473 : vector<16xi32>
        %and3A_492 = arith.constant 524287 : i32
        %and3A_493 = vector.broadcast %and3A_492 : i32 to vector<16xi32>
        %and3A_494 = arith.andi %xor3A_491, %and3A_493 : vector<16xi32>
        %add3A_495 = vector.broadcast %shift_left3A_37 : i32 to vector<16xi32>
        %add3A_496 = arith.addi %and3A_494, %add3A_495 : vector<16xi32>
        %swap3A_497 = arith.constant 544 : index
        %swap3A_498 = tpu.vector_load %arg11[%swap3A_497] {strides = array<i32>} : memref<1024xi32, #tpu.memory_space<vmem>>, vector<16xi32>,
        tpu.vector_store %arg11[%swap3A_497], %add3A_496 {strides = array<i32>} : memref<1024xi32, #tpu.memory_space<vmem>>, vector<16xi32>,
        %xor3A_499 = arith.xori %xor3A_467, %xor3A_474 : vector<16xi32>
        %and3A_500 = arith.constant 524287 : i32
        %and3A_501 = vector.broadcast %and3A_500 : i32 to vector<16xi32>
        %and3A_502 = arith.andi %xor3A_499, %and3A_501 : vector<16xi32>
        %add3A_503 = vector.broadcast %shift_left3A_37 : i32 to vector<16xi32>
        %add3A_504 = arith.addi %and3A_502, %add3A_503 : vector<16xi32>
        %swap3A_505 = arith.constant 560 : index
        %swap3A_506 = tpu.vector_load %arg11[%swap3A_505] {strides = array<i32>} : memref<1024xi32, #tpu.memory_space<vmem>>, vector<16xi32>,
        tpu.vector_store %arg11[%swap3A_505], %add3A_504 {strides = array<i32>} : memref<1024xi32, #tpu.memory_space<vmem>>, vector<16xi32>,
        %xor3A_507 = arith.xori %xor3A_468, %xor3A_471 : vector<16xi32>
        %and3A_508 = arith.constant 524287 : i32
        %and3A_509 = vector.broadcast %and3A_508 : i32 to vector<16xi32>
        %and3A_510 = arith.andi %xor3A_507, %and3A_509 : vector<16xi32>
        %add3A_511 = vector.broadcast %shift_left3A_37 : i32 to vector<16xi32>
        %add3A_512 = arith.addi %and3A_510, %add3A_511 : vector<16xi32>
        %swap3A_513 = arith.constant 576 : index
        %swap3A_514 = tpu.vector_load %arg11[%swap3A_513] {strides = array<i32>} : memref<1024xi32, #tpu.memory_space<vmem>>, vector<16xi32>,
        tpu.vector_store %arg11[%swap3A_513], %add3A_512 {strides = array<i32>} : memref<1024xi32, #tpu.memory_space<vmem>>, vector<16xi32>,
        %xor3A_515 = arith.xori %xor3A_468, %xor3A_472 : vector<16xi32>
        %and3A_516 = arith.constant 524287 : i32
        %and3A_517 = vector.broadcast %and3A_516 : i32 to vector<16xi32>
        %and3A_518 = arith.andi %xor3A_515, %and3A_517 : vector<16xi32>
        %add3A_519 = vector.broadcast %shift_left3A_37 : i32 to vector<16xi32>
        %add3A_520 = arith.addi %and3A_518, %add3A_519 : vector<16xi32>
        %swap3A_521 = arith.constant 592 : index
        %swap3A_522 = tpu.vector_load %arg11[%swap3A_521] {strides = array<i32>} : memref<1024xi32, #tpu.memory_space<vmem>>, vector<16xi32>,
        tpu.vector_store %arg11[%swap3A_521], %add3A_520 {strides = array<i32>} : memref<1024xi32, #tpu.memory_space<vmem>>, vector<16xi32>,
        %xor3A_523 = arith.xori %xor3A_468, %xor3A_473 : vector<16xi32>
        %and3A_524 = arith.constant 524287 : i32
        %and3A_525 = vector.broadcast %and3A_524 : i32 to vector<16xi32>
        %and3A_526 = arith.andi %xor3A_523, %and3A_525 : vector<16xi32>
        %add3A_527 = vector.broadcast %shift_left3A_37 : i32 to vector<16xi32>
        %add3A_528 = arith.addi %and3A_526, %add3A_527 : vector<16xi32>
        %swap3A_529 = arith.constant 608 : index
        %swap3A_530 = tpu.vector_load %arg11[%swap3A_529] {strides = array<i32>} : memref<1024xi32, #tpu.memory_space<vmem>>, vector<16xi32>,
        tpu.vector_store %arg11[%swap3A_529], %add3A_528 {strides = array<i32>} : memref<1024xi32, #tpu.memory_space<vmem>>, vector<16xi32>,
        %xor3A_531 = arith.xori %xor3A_468, %xor3A_474 : vector<16xi32>
        %and3A_532 = arith.constant 524287 : i32
        %and3A_533 = vector.broadcast %and3A_532 : i32 to vector<16xi32>
        %and3A_534 = arith.andi %xor3A_531, %and3A_533 : vector<16xi32>
        %add3A_535 = vector.broadcast %shift_left3A_37 : i32 to vector<16xi32>
        %add3A_536 = arith.addi %and3A_534, %add3A_535 : vector<16xi32>
        %swap3A_537 = arith.constant 624 : index
        %swap3A_538 = tpu.vector_load %arg11[%swap3A_537] {strides = array<i32>} : memref<1024xi32, #tpu.memory_space<vmem>>, vector<16xi32>,
        tpu.vector_store %arg11[%swap3A_537], %add3A_536 {strides = array<i32>} : memref<1024xi32, #tpu.memory_space<vmem>>, vector<16xi32>,
        %xor3A_539 = arith.xori %xor3A_469, %xor3A_471 : vector<16xi32>
        %and3A_540 = arith.constant 524287 : i32
        %and3A_541 = vector.broadcast %and3A_540 : i32 to vector<16xi32>
        %and3A_542 = arith.andi %xor3A_539, %and3A_541 : vector<16xi32>
        %add3A_543 = vector.broadcast %shift_left3A_37 : i32 to vector<16xi32>
        %add3A_544 = arith.addi %and3A_542, %add3A_543 : vector<16xi32>
        %swap3A_545 = arith.constant 640 : index
        %swap3A_546 = tpu.vector_load %arg11[%swap3A_545] {strides = array<i32>} : memref<1024xi32, #tpu.memory_space<vmem>>, vector<16xi32>,
        tpu.vector_store %arg11[%swap3A_545], %add3A_544 {strides = array<i32>} : memref<1024xi32, #tpu.memory_space<vmem>>, vector<16xi32>,
        %xor3A_547 = arith.xori %xor3A_469, %xor3A_472 : vector<16xi32>
        %and3A_548 = arith.constant 524287 : i32
        %and3A_549 = vector.broadcast %and3A_548 : i32 to vector<16xi32>
        %and3A_550 = arith.andi %xor3A_547, %and3A_549 : vector<16xi32>
        %add3A_551 = vector.broadcast %shift_left3A_37 : i32 to vector<16xi32>
        %add3A_552 = arith.addi %and3A_550, %add3A_551 : vector<16xi32>
        %swap3A_553 = arith.constant 656 : index
        %swap3A_554 = tpu.vector_load %arg11[%swap3A_553] {strides = array<i32>} : memref<1024xi32, #tpu.memory_space<vmem>>, vector<16xi32>,
        tpu.vector_store %arg11[%swap3A_553], %add3A_552 {strides = array<i32>} : memref<1024xi32, #tpu.memory_space<vmem>>, vector<16xi32>,
        %xor3A_555 = arith.xori %xor3A_469, %xor3A_473 : vector<16xi32>
        %and3A_556 = arith.constant 524287 : i32
        %and3A_557 = vector.broadcast %and3A_556 : i32 to vector<16xi32>
        %and3A_558 = arith.andi %xor3A_555, %and3A_557 : vector<16xi32>
        %add3A_559 = vector.broadcast %shift_left3A_37 : i32 to vector<16xi32>
        %add3A_560 = arith.addi %and3A_558, %add3A_559 : vector<16xi32>
        %swap3A_561 = arith.constant 672 : index
        %swap3A_562 = tpu.vector_load %arg11[%swap3A_561] {strides = array<i32>} : memref<1024xi32, #tpu.memory_space<vmem>>, vector<16xi32>,
        tpu.vector_store %arg11[%swap3A_561], %add3A_560 {strides = array<i32>} : memref<1024xi32, #tpu.memory_space<vmem>>, vector<16xi32>,
        %xor3A_563 = arith.xori %xor3A_469, %xor3A_474 : vector<16xi32>
        %and3A_564 = arith.constant 524287 : i32
        %and3A_565 = vector.broadcast %and3A_564 : i32 to vector<16xi32>
        %and3A_566 = arith.andi %xor3A_563, %and3A_565 : vector<16xi32>
        %add3A_567 = vector.broadcast %shift_left3A_37 : i32 to vector<16xi32>
        %add3A_568 = arith.addi %and3A_566, %add3A_567 : vector<16xi32>
        %swap3A_569 = arith.constant 688 : index
        %swap3A_570 = tpu.vector_load %arg11[%swap3A_569] {strides = array<i32>} : memref<1024xi32, #tpu.memory_space<vmem>>, vector<16xi32>,
        tpu.vector_store %arg11[%swap3A_569], %add3A_568 {strides = array<i32>} : memref<1024xi32, #tpu.memory_space<vmem>>, vector<16xi32>,
        %xor3A_571 = arith.xori %xor3A_470, %xor3A_471 : vector<16xi32>
        %and3A_572 = arith.constant 524287 : i32
        %and3A_573 = vector.broadcast %and3A_572 : i32 to vector<16xi32>
        %and3A_574 = arith.andi %xor3A_571, %and3A_573 : vector<16xi32>
        %add3A_575 = vector.broadcast %shift_left3A_37 : i32 to vector<16xi32>
        %add3A_576 = arith.addi %and3A_574, %add3A_575 : vector<16xi32>
        %swap3A_577 = arith.constant 704 : index
        %swap3A_578 = tpu.vector_load %arg11[%swap3A_577] {strides = array<i32>} : memref<1024xi32, #tpu.memory_space<vmem>>, vector<16xi32>,
        tpu.vector_store %arg11[%swap3A_577], %add3A_576 {strides = array<i32>} : memref<1024xi32, #tpu.memory_space<vmem>>, vector<16xi32>,
        %xor3A_579 = arith.xori %xor3A_470, %xor3A_472 : vector<16xi32>
        %and3A_580 = arith.constant 524287 : i32
        %and3A_581 = vector.broadcast %and3A_580 : i32 to vector<16xi32>
        %and3A_582 = arith.andi %xor3A_579, %and3A_581 : vector<16xi32>
        %add3A_583 = vector.broadcast %shift_left3A_37 : i32 to vector<16xi32>
        %add3A_584 = arith.addi %and3A_582, %add3A_583 : vector<16xi32>
        %swap3A_585 = arith.constant 720 : index
        %swap3A_586 = tpu.vector_load %arg11[%swap3A_585] {strides = array<i32>} : memref<1024xi32, #tpu.memory_space<vmem>>, vector<16xi32>,
        tpu.vector_store %arg11[%swap3A_585], %add3A_584 {strides = array<i32>} : memref<1024xi32, #tpu.memory_space<vmem>>, vector<16xi32>,
        %xor3A_587 = arith.xori %xor3A_470, %xor3A_473 : vector<16xi32>
        %and3A_588 = arith.constant 524287 : i32
        %and3A_589 = vector.broadcast %and3A_588 : i32 to vector<16xi32>
        %and3A_590 = arith.andi %xor3A_587, %and3A_589 : vector<16xi32>
        %add3A_591 = vector.broadcast %shift_left3A_37 : i32 to vector<16xi32>
        %add3A_592 = arith.addi %and3A_590, %add3A_591 : vector<16xi32>
        %swap3A_593 = arith.constant 736 : index
        %swap3A_594 = tpu.vector_load %arg11[%swap3A_593] {strides = array<i32>} : memref<1024xi32, #tpu.memory_space<vmem>>, vector<16xi32>,
        tpu.vector_store %arg11[%swap3A_593], %add3A_592 {strides = array<i32>} : memref<1024xi32, #tpu.memory_space<vmem>>, vector<16xi32>,
        %xor3A_595 = arith.xori %xor3A_470, %xor3A_474 : vector<16xi32>
        %and3A_596 = arith.constant 524287 : i32
        %and3A_597 = vector.broadcast %and3A_596 : i32 to vector<16xi32>
        %and3A_598 = arith.andi %xor3A_595, %and3A_597 : vector<16xi32>
        %add3A_599 = vector.broadcast %shift_left3A_37 : i32 to vector<16xi32>
        %add3A_600 = arith.addi %and3A_598, %add3A_599 : vector<16xi32>
        %swap3A_601 = arith.constant 752 : index
        %swap3A_602 = tpu.vector_load %arg11[%swap3A_601] {strides = array<i32>} : memref<1024xi32, #tpu.memory_space<vmem>>, vector<16xi32>,
        tpu.vector_store %arg11[%swap3A_601], %add3A_600 {strides = array<i32>} : memref<1024xi32, #tpu.memory_space<vmem>>, vector<16xi32>,
        %get3A_603 = arith.constant 48 : index
        %get3A_604 = tpu.vector_load %arg9[%get3A_603] {strides = array<i32>} : memref<448xf32, #tpu.memory_space<vmem>>, vector<16xf32>,
        %mul3A_605 = arith.mulf %get3A_604, %gather3A_36 : vector<16xf32>
        %get3A_606 = arith.constant 112 : index
        %get3A_607 = tpu.vector_load %arg9[%get3A_606] {strides = array<i32>} : memref<448xf32, #tpu.memory_space<vmem>>, vector<16xf32>,
        %mul3A_608 = arith.mulf %get3A_607, %gather3A_36 : vector<16xf32>
        %get3A_609 = arith.constant 176 : index
        %get3A_610 = tpu.vector_load %arg9[%get3A_609] {strides = array<i32>} : memref<448xf32, #tpu.memory_space<vmem>>, vector<16xf32>,
        %mul3A_611 = arith.mulf %get3A_610, %gather3A_36 : vector<16xf32>
        %get3A_612 = arith.constant 240 : index
        %get3A_613 = tpu.vector_load %arg9[%get3A_612] {strides = array<i32>} : memref<448xf32, #tpu.memory_space<vmem>>, vector<16xf32>,
        %mul3A_614 = arith.mulf %get3A_613, %gather3A_36 : vector<16xf32>
        %convert_element_type3A_615 = arith.fptosi %mul3A_605 : vector<16xf32> to vector<16xi32>
        %convert_element_type3A_616 = arith.fptosi %mul3A_608 : vector<16xf32> to vector<16xi32>
        %convert_element_type3A_617 = arith.fptosi %mul3A_611 : vector<16xf32> to vector<16xi32>
        %convert_element_type3A_618 = arith.fptosi %mul3A_614 : vector<16xf32> to vector<16xi32>
        %convert_element_type3A_619 = arith.sitofp %convert_element_type3A_615 : vector<16xi32> to vector<16xf32>
        %sub3A_620 = arith.subf %mul3A_605, %convert_element_type3A_619 : vector<16xf32>
        %convert_element_type3A_621 = arith.sitofp %convert_element_type3A_616 : vector<16xi32> to vector<16xf32>
        %sub3A_622 = arith.subf %mul3A_608, %convert_element_type3A_621 : vector<16xf32>
        %convert_element_type3A_623 = arith.sitofp %convert_element_type3A_617 : vector<16xi32> to vector<16xf32>
        %sub3A_624 = arith.subf %mul3A_611, %convert_element_type3A_623 : vector<16xf32>
        %convert_element_type3A_625 = arith.sitofp %convert_element_type3A_618 : vector<16xi32> to vector<16xf32>
        %sub3A_626 = arith.subf %mul3A_614, %convert_element_type3A_625 : vector<16xf32>
        %add3A_627 = arith.constant 1 : i32
        %add3A_628 = vector.broadcast %add3A_627 : i32 to vector<16xi32>
        %add3A_629 = arith.addi %convert_element_type3A_615, %add3A_628 : vector<16xi32>
        %mul3A_630 = arith.constant -1640531535 : i32
        %mul3A_631 = vector.broadcast %mul3A_630 : i32 to vector<16xi32>
        %mul3A_632 = arith.muli %convert_element_type3A_616, %mul3A_631 : vector<16xi32>
        %add3A_633 = arith.constant 1 : i32
        %add3A_634 = vector.broadcast %add3A_633 : i32 to vector<16xi32>
        %add3A_635 = arith.addi %convert_element_type3A_616, %add3A_634 : vector<16xi32>
        %mul3A_636 = arith.constant -1640531535 : i32
        %mul3A_637 = vector.broadcast %mul3A_636 : i32 to vector<16xi32>
        %mul3A_638 = arith.muli %add3A_635, %mul3A_637 : vector<16xi32>
        %mul3A_639 = arith.constant 805459861 : i32
        %mul3A_640 = vector.broadcast %mul3A_639 : i32 to vector<16xi32>
        %mul3A_641 = arith.muli %convert_element_type3A_617, %mul3A_640 : vector<16xi32>
        %add3A_642 = arith.constant 1 : i32
        %add3A_643 = vector.broadcast %add3A_642 : i32 to vector<16xi32>
        %add3A_644 = arith.addi %convert_element_type3A_617, %add3A_643 : vector<16xi32>
        %mul3A_645 = arith.constant 805459861 : i32
        %mul3A_646 = vector.broadcast %mul3A_645 : i32 to vector<16xi32>
        %mul3A_647 = arith.muli %add3A_644, %mul3A_646 : vector<16xi32>
        %mul3A_648 = arith.constant -620313867 : i32
        %mul3A_649 = vector.broadcast %mul3A_648 : i32 to vector<16xi32>
        %mul3A_650 = arith.muli %convert_element_type3A_618, %mul3A_649 : vector<16xi32>
        %add3A_651 = arith.constant 1 : i32
        %add3A_652 = vector.broadcast %add3A_651 : i32 to vector<16xi32>
        %add3A_653 = arith.addi %convert_element_type3A_618, %add3A_652 : vector<16xi32>
        %mul3A_654 = arith.constant -620313867 : i32
        %mul3A_655 = vector.broadcast %mul3A_654 : i32 to vector<16xi32>
        %mul3A_656 = arith.muli %add3A_653, %mul3A_655 : vector<16xi32>
        %xor3A_657 = arith.xori %convert_element_type3A_615, %mul3A_632 : vector<16xi32>
        %xor3A_658 = arith.xori %convert_element_type3A_615, %mul3A_638 : vector<16xi32>
        %xor3A_659 = arith.xori %add3A_629, %mul3A_632 : vector<16xi32>
        %xor3A_660 = arith.xori %add3A_629, %mul3A_638 : vector<16xi32>
        %xor3A_661 = arith.xori %mul3A_641, %mul3A_650 : vector<16xi32>
        %xor3A_662 = arith.xori %mul3A_641, %mul3A_656 : vector<16xi32>
        %xor3A_663 = arith.xori %mul3A_647, %mul3A_650 : vector<16xi32>
        %xor3A_664 = arith.xori %mul3A_647, %mul3A_656 : vector<16xi32>
        %xor3A_665 = arith.xori %xor3A_657, %xor3A_661 : vector<16xi32>
        %and3A_666 = arith.constant 524287 : i32
        %and3A_667 = vector.broadcast %and3A_666 : i32 to vector<16xi32>
        %and3A_668 = arith.andi %xor3A_665, %and3A_667 : vector<16xi32>
        %add3A_669 = vector.broadcast %shift_left3A_37 : i32 to vector<16xi32>
        %add3A_670 = arith.addi %and3A_668, %add3A_669 : vector<16xi32>
        %swap3A_671 = arith.constant 768 : index
        %swap3A_672 = tpu.vector_load %arg11[%swap3A_671] {strides = array<i32>} : memref<1024xi32, #tpu.memory_space<vmem>>, vector<16xi32>,
        tpu.vector_store %arg11[%swap3A_671], %add3A_670 {strides = array<i32>} : memref<1024xi32, #tpu.memory_space<vmem>>, vector<16xi32>,
        %xor3A_673 = arith.xori %xor3A_657, %xor3A_662 : vector<16xi32>
        %and3A_674 = arith.constant 524287 : i32
        %and3A_675 = vector.broadcast %and3A_674 : i32 to vector<16xi32>
        %and3A_676 = arith.andi %xor3A_673, %and3A_675 : vector<16xi32>
        %add3A_677 = vector.broadcast %shift_left3A_37 : i32 to vector<16xi32>
        %add3A_678 = arith.addi %and3A_676, %add3A_677 : vector<16xi32>
        %swap3A_679 = arith.constant 784 : index
        %swap3A_680 = tpu.vector_load %arg11[%swap3A_679] {strides = array<i32>} : memref<1024xi32, #tpu.memory_space<vmem>>, vector<16xi32>,
        tpu.vector_store %arg11[%swap3A_679], %add3A_678 {strides = array<i32>} : memref<1024xi32, #tpu.memory_space<vmem>>, vector<16xi32>,
        %xor3A_681 = arith.xori %xor3A_657, %xor3A_663 : vector<16xi32>
        %and3A_682 = arith.constant 524287 : i32
        %and3A_683 = vector.broadcast %and3A_682 : i32 to vector<16xi32>
        %and3A_684 = arith.andi %xor3A_681, %and3A_683 : vector<16xi32>
        %add3A_685 = vector.broadcast %shift_left3A_37 : i32 to vector<16xi32>
        %add3A_686 = arith.addi %and3A_684, %add3A_685 : vector<16xi32>
        %swap3A_687 = arith.constant 800 : index
        %swap3A_688 = tpu.vector_load %arg11[%swap3A_687] {strides = array<i32>} : memref<1024xi32, #tpu.memory_space<vmem>>, vector<16xi32>,
        tpu.vector_store %arg11[%swap3A_687], %add3A_686 {strides = array<i32>} : memref<1024xi32, #tpu.memory_space<vmem>>, vector<16xi32>,
        %xor3A_689 = arith.xori %xor3A_657, %xor3A_664 : vector<16xi32>
        %and3A_690 = arith.constant 524287 : i32
        %and3A_691 = vector.broadcast %and3A_690 : i32 to vector<16xi32>
        %and3A_692 = arith.andi %xor3A_689, %and3A_691 : vector<16xi32>
        %add3A_693 = vector.broadcast %shift_left3A_37 : i32 to vector<16xi32>
        %add3A_694 = arith.addi %and3A_692, %add3A_693 : vector<16xi32>
        %swap3A_695 = arith.constant 816 : index
        %swap3A_696 = tpu.vector_load %arg11[%swap3A_695] {strides = array<i32>} : memref<1024xi32, #tpu.memory_space<vmem>>, vector<16xi32>,
        tpu.vector_store %arg11[%swap3A_695], %add3A_694 {strides = array<i32>} : memref<1024xi32, #tpu.memory_space<vmem>>, vector<16xi32>,
        %xor3A_697 = arith.xori %xor3A_658, %xor3A_661 : vector<16xi32>
        %and3A_698 = arith.constant 524287 : i32
        %and3A_699 = vector.broadcast %and3A_698 : i32 to vector<16xi32>
        %and3A_700 = arith.andi %xor3A_697, %and3A_699 : vector<16xi32>
        %add3A_701 = vector.broadcast %shift_left3A_37 : i32 to vector<16xi32>
        %add3A_702 = arith.addi %and3A_700, %add3A_701 : vector<16xi32>
        %swap3A_703 = arith.constant 832 : index
        %swap3A_704 = tpu.vector_load %arg11[%swap3A_703] {strides = array<i32>} : memref<1024xi32, #tpu.memory_space<vmem>>, vector<16xi32>,
        tpu.vector_store %arg11[%swap3A_703], %add3A_702 {strides = array<i32>} : memref<1024xi32, #tpu.memory_space<vmem>>, vector<16xi32>,
        %xor3A_705 = arith.xori %xor3A_658, %xor3A_662 : vector<16xi32>
        %and3A_706 = arith.constant 524287 : i32
        %and3A_707 = vector.broadcast %and3A_706 : i32 to vector<16xi32>
        %and3A_708 = arith.andi %xor3A_705, %and3A_707 : vector<16xi32>
        %add3A_709 = vector.broadcast %shift_left3A_37 : i32 to vector<16xi32>
        %add3A_710 = arith.addi %and3A_708, %add3A_709 : vector<16xi32>
        %swap3A_711 = arith.constant 848 : index
        %swap3A_712 = tpu.vector_load %arg11[%swap3A_711] {strides = array<i32>} : memref<1024xi32, #tpu.memory_space<vmem>>, vector<16xi32>,
        tpu.vector_store %arg11[%swap3A_711], %add3A_710 {strides = array<i32>} : memref<1024xi32, #tpu.memory_space<vmem>>, vector<16xi32>,
        %xor3A_713 = arith.xori %xor3A_658, %xor3A_663 : vector<16xi32>
        %and3A_714 = arith.constant 524287 : i32
        %and3A_715 = vector.broadcast %and3A_714 : i32 to vector<16xi32>
        %and3A_716 = arith.andi %xor3A_713, %and3A_715 : vector<16xi32>
        %add3A_717 = vector.broadcast %shift_left3A_37 : i32 to vector<16xi32>
        %add3A_718 = arith.addi %and3A_716, %add3A_717 : vector<16xi32>
        %swap3A_719 = arith.constant 864 : index
        %swap3A_720 = tpu.vector_load %arg11[%swap3A_719] {strides = array<i32>} : memref<1024xi32, #tpu.memory_space<vmem>>, vector<16xi32>,
        tpu.vector_store %arg11[%swap3A_719], %add3A_718 {strides = array<i32>} : memref<1024xi32, #tpu.memory_space<vmem>>, vector<16xi32>,
        %xor3A_721 = arith.xori %xor3A_658, %xor3A_664 : vector<16xi32>
        %and3A_722 = arith.constant 524287 : i32
        %and3A_723 = vector.broadcast %and3A_722 : i32 to vector<16xi32>
        %and3A_724 = arith.andi %xor3A_721, %and3A_723 : vector<16xi32>
        %add3A_725 = vector.broadcast %shift_left3A_37 : i32 to vector<16xi32>
        %add3A_726 = arith.addi %and3A_724, %add3A_725 : vector<16xi32>
        %swap3A_727 = arith.constant 880 : index
        %swap3A_728 = tpu.vector_load %arg11[%swap3A_727] {strides = array<i32>} : memref<1024xi32, #tpu.memory_space<vmem>>, vector<16xi32>,
        tpu.vector_store %arg11[%swap3A_727], %add3A_726 {strides = array<i32>} : memref<1024xi32, #tpu.memory_space<vmem>>, vector<16xi32>,
        %xor3A_729 = arith.xori %xor3A_659, %xor3A_661 : vector<16xi32>
        %and3A_730 = arith.constant 524287 : i32
        %and3A_731 = vector.broadcast %and3A_730 : i32 to vector<16xi32>
        %and3A_732 = arith.andi %xor3A_729, %and3A_731 : vector<16xi32>
        %add3A_733 = vector.broadcast %shift_left3A_37 : i32 to vector<16xi32>
        %add3A_734 = arith.addi %and3A_732, %add3A_733 : vector<16xi32>
        %swap3A_735 = arith.constant 896 : index
        %swap3A_736 = tpu.vector_load %arg11[%swap3A_735] {strides = array<i32>} : memref<1024xi32, #tpu.memory_space<vmem>>, vector<16xi32>,
        tpu.vector_store %arg11[%swap3A_735], %add3A_734 {strides = array<i32>} : memref<1024xi32, #tpu.memory_space<vmem>>, vector<16xi32>,
        %xor3A_737 = arith.xori %xor3A_659, %xor3A_662 : vector<16xi32>
        %and3A_738 = arith.constant 524287 : i32
        %and3A_739 = vector.broadcast %and3A_738 : i32 to vector<16xi32>
        %and3A_740 = arith.andi %xor3A_737, %and3A_739 : vector<16xi32>
        %add3A_741 = vector.broadcast %shift_left3A_37 : i32 to vector<16xi32>
        %add3A_742 = arith.addi %and3A_740, %add3A_741 : vector<16xi32>
        %swap3A_743 = arith.constant 912 : index
        %swap3A_744 = tpu.vector_load %arg11[%swap3A_743] {strides = array<i32>} : memref<1024xi32, #tpu.memory_space<vmem>>, vector<16xi32>,
        tpu.vector_store %arg11[%swap3A_743], %add3A_742 {strides = array<i32>} : memref<1024xi32, #tpu.memory_space<vmem>>, vector<16xi32>,
        %xor3A_745 = arith.xori %xor3A_659, %xor3A_663 : vector<16xi32>
        %and3A_746 = arith.constant 524287 : i32
        %and3A_747 = vector.broadcast %and3A_746 : i32 to vector<16xi32>
        %and3A_748 = arith.andi %xor3A_745, %and3A_747 : vector<16xi32>
        %add3A_749 = vector.broadcast %shift_left3A_37 : i32 to vector<16xi32>
        %add3A_750 = arith.addi %and3A_748, %add3A_749 : vector<16xi32>
        %swap3A_751 = arith.constant 928 : index
        %swap3A_752 = tpu.vector_load %arg11[%swap3A_751] {strides = array<i32>} : memref<1024xi32, #tpu.memory_space<vmem>>, vector<16xi32>,
        tpu.vector_store %arg11[%swap3A_751], %add3A_750 {strides = array<i32>} : memref<1024xi32, #tpu.memory_space<vmem>>, vector<16xi32>,
        %xor3A_753 = arith.xori %xor3A_659, %xor3A_664 : vector<16xi32>
        %and3A_754 = arith.constant 524287 : i32
        %and3A_755 = vector.broadcast %and3A_754 : i32 to vector<16xi32>
        %and3A_756 = arith.andi %xor3A_753, %and3A_755 : vector<16xi32>
        %add3A_757 = vector.broadcast %shift_left3A_37 : i32 to vector<16xi32>
        %add3A_758 = arith.addi %and3A_756, %add3A_757 : vector<16xi32>
        %swap3A_759 = arith.constant 944 : index
        %swap3A_760 = tpu.vector_load %arg11[%swap3A_759] {strides = array<i32>} : memref<1024xi32, #tpu.memory_space<vmem>>, vector<16xi32>,
        tpu.vector_store %arg11[%swap3A_759], %add3A_758 {strides = array<i32>} : memref<1024xi32, #tpu.memory_space<vmem>>, vector<16xi32>,
        %xor3A_761 = arith.xori %xor3A_660, %xor3A_661 : vector<16xi32>
        %and3A_762 = arith.constant 524287 : i32
        %and3A_763 = vector.broadcast %and3A_762 : i32 to vector<16xi32>
        %and3A_764 = arith.andi %xor3A_761, %and3A_763 : vector<16xi32>
        %add3A_765 = vector.broadcast %shift_left3A_37 : i32 to vector<16xi32>
        %add3A_766 = arith.addi %and3A_764, %add3A_765 : vector<16xi32>
        %swap3A_767 = arith.constant 960 : index
        %swap3A_768 = tpu.vector_load %arg11[%swap3A_767] {strides = array<i32>} : memref<1024xi32, #tpu.memory_space<vmem>>, vector<16xi32>,
        tpu.vector_store %arg11[%swap3A_767], %add3A_766 {strides = array<i32>} : memref<1024xi32, #tpu.memory_space<vmem>>, vector<16xi32>,
        %xor3A_769 = arith.xori %xor3A_660, %xor3A_662 : vector<16xi32>
        %and3A_770 = arith.constant 524287 : i32
        %and3A_771 = vector.broadcast %and3A_770 : i32 to vector<16xi32>
        %and3A_772 = arith.andi %xor3A_769, %and3A_771 : vector<16xi32>
        %add3A_773 = vector.broadcast %shift_left3A_37 : i32 to vector<16xi32>
        %add3A_774 = arith.addi %and3A_772, %add3A_773 : vector<16xi32>
        %swap3A_775 = arith.constant 976 : index
        %swap3A_776 = tpu.vector_load %arg11[%swap3A_775] {strides = array<i32>} : memref<1024xi32, #tpu.memory_space<vmem>>, vector<16xi32>,
        tpu.vector_store %arg11[%swap3A_775], %add3A_774 {strides = array<i32>} : memref<1024xi32, #tpu.memory_space<vmem>>, vector<16xi32>,
        %xor3A_777 = arith.xori %xor3A_660, %xor3A_663 : vector<16xi32>
        %and3A_778 = arith.constant 524287 : i32
        %and3A_779 = vector.broadcast %and3A_778 : i32 to vector<16xi32>
        %and3A_780 = arith.andi %xor3A_777, %and3A_779 : vector<16xi32>
        %add3A_781 = vector.broadcast %shift_left3A_37 : i32 to vector<16xi32>
        %add3A_782 = arith.addi %and3A_780, %add3A_781 : vector<16xi32>
        %swap3A_783 = arith.constant 992 : index
        %swap3A_784 = tpu.vector_load %arg11[%swap3A_783] {strides = array<i32>} : memref<1024xi32, #tpu.memory_space<vmem>>, vector<16xi32>,
        tpu.vector_store %arg11[%swap3A_783], %add3A_782 {strides = array<i32>} : memref<1024xi32, #tpu.memory_space<vmem>>, vector<16xi32>,
        %xor3A_785 = arith.xori %xor3A_660, %xor3A_664 : vector<16xi32>
        %and3A_786 = arith.constant 524287 : i32
        %and3A_787 = vector.broadcast %and3A_786 : i32 to vector<16xi32>
        %and3A_788 = arith.andi %xor3A_785, %and3A_787 : vector<16xi32>
        %add3A_789 = vector.broadcast %shift_left3A_37 : i32 to vector<16xi32>
        %add3A_790 = arith.addi %and3A_788, %add3A_789 : vector<16xi32>
        %swap3A_791 = arith.constant 1008 : index
        %swap3A_792 = tpu.vector_load %arg11[%swap3A_791] {strides = array<i32>} : memref<1024xi32, #tpu.memory_space<vmem>>, vector<16xi32>,
        tpu.vector_store %arg11[%swap3A_791], %add3A_790 {strides = array<i32>} : memref<1024xi32, #tpu.memory_space<vmem>>, vector<16xi32>,
        %dma_start3A = arith.constant 0 : i32
        %dma_start3A_793 = tpu.memref_slice %arg3[%dma_start3A] : memref<8388608xf32, #tpu.memory_space<hbm>> -> memref<8388608xf32, #tpu.memory_space<hbm>>
        tpu.enqueue_indirect_dma source(%dma_start3A_793 : memref<8388608xf32, #tpu.memory_space<hbm>>) target(%arg12 : memref<1024xf32, #tpu.memory_space<vmem>>) offsets(%arg11 : memref<1024xi32, #tpu.memory_space<vmem>>) semaphore(%arg18 : memref<!tpu.dma_semaphore, #tpu.memory_space<semaphore_mem>>)
        %dma_start3A_794 = arith.constant 0 : i32
        %dma_start3A_795 = tpu.memref_slice %arg4[%dma_start3A_794] : memref<8388608xf32, #tpu.memory_space<hbm>> -> memref<8388608xf32, #tpu.memory_space<hbm>>
        tpu.enqueue_indirect_dma source(%dma_start3A_795 : memref<8388608xf32, #tpu.memory_space<hbm>>) target(%arg13 : memref<1024xf32, #tpu.memory_space<vmem>>) offsets(%arg11 : memref<1024xi32, #tpu.memory_space<vmem>>) semaphore(%arg18 : memref<!tpu.dma_semaphore, #tpu.memory_space<semaphore_mem>>)
        %get3A_796 = arith.constant 256 : index
        %get3A_797 = tpu.vector_load %arg9[%get3A_796] {strides = array<i32>} : memref<448xf32, #tpu.memory_space<vmem>>, vector<16xf32>,
        %mul3A_798 = arith.mulf %get3A_797, %gather3A_36 : vector<16xf32>
        %get3A_799 = arith.constant 320 : index
        %get3A_800 = tpu.vector_load %arg9[%get3A_799] {strides = array<i32>} : memref<448xf32, #tpu.memory_space<vmem>>, vector<16xf32>,
        %mul3A_801 = arith.mulf %get3A_800, %gather3A_36 : vector<16xf32>
        %get3A_802 = arith.constant 384 : index
        %get3A_803 = tpu.vector_load %arg9[%get3A_802] {strides = array<i32>} : memref<448xf32, #tpu.memory_space<vmem>>, vector<16xf32>,
        %mul3A_804 = arith.mulf %get3A_803, %gather3A_36 : vector<16xf32>
        %convert_element_type3A_805 = arith.fptosi %mul3A_798 : vector<16xf32> to vector<16xi32>
        %convert_element_type3A_806 = arith.fptosi %mul3A_801 : vector<16xf32> to vector<16xi32>
        %convert_element_type3A_807 = arith.fptosi %mul3A_804 : vector<16xf32> to vector<16xi32>
        %convert_element_type3A_808 = arith.sitofp %convert_element_type3A_805 : vector<16xi32> to vector<16xf32>
        %sub3A_809 = arith.subf %mul3A_798, %convert_element_type3A_808 : vector<16xf32>
        %convert_element_type3A_810 = arith.sitofp %convert_element_type3A_806 : vector<16xi32> to vector<16xf32>
        %sub3A_811 = arith.subf %mul3A_801, %convert_element_type3A_810 : vector<16xf32>
        %convert_element_type3A_812 = arith.sitofp %convert_element_type3A_807 : vector<16xi32> to vector<16xf32>
        %sub3A_813 = arith.subf %mul3A_804, %convert_element_type3A_812 : vector<16xf32>
        %add3A_814 = arith.constant 1 : i32
        %add3A_815 = vector.broadcast %add3A_814 : i32 to vector<16xi32>
        %add3A_816 = arith.addi %convert_element_type3A_805, %add3A_815 : vector<16xi32>
        %mul3A_817 = arith.constant -1640531535 : i32
        %mul3A_818 = vector.broadcast %mul3A_817 : i32 to vector<16xi32>
        %mul3A_819 = arith.muli %convert_element_type3A_806, %mul3A_818 : vector<16xi32>
        %add3A_820 = arith.constant 1 : i32
        %add3A_821 = vector.broadcast %add3A_820 : i32 to vector<16xi32>
        %add3A_822 = arith.addi %convert_element_type3A_806, %add3A_821 : vector<16xi32>
        %mul3A_823 = arith.constant -1640531535 : i32
        %mul3A_824 = vector.broadcast %mul3A_823 : i32 to vector<16xi32>
        %mul3A_825 = arith.muli %add3A_822, %mul3A_824 : vector<16xi32>
        %mul3A_826 = arith.constant 805459861 : i32
        %mul3A_827 = vector.broadcast %mul3A_826 : i32 to vector<16xi32>
        %mul3A_828 = arith.muli %convert_element_type3A_807, %mul3A_827 : vector<16xi32>
        %add3A_829 = arith.constant 1 : i32
        %add3A_830 = vector.broadcast %add3A_829 : i32 to vector<16xi32>
        %add3A_831 = arith.addi %convert_element_type3A_807, %add3A_830 : vector<16xi32>
        %mul3A_832 = arith.constant 805459861 : i32
        %mul3A_833 = vector.broadcast %mul3A_832 : i32 to vector<16xi32>
        %mul3A_834 = arith.muli %add3A_831, %mul3A_833 : vector<16xi32>
        %xor3A_835 = arith.xori %convert_element_type3A_805, %mul3A_819 : vector<16xi32>
        %xor3A_836 = arith.xori %convert_element_type3A_805, %mul3A_825 : vector<16xi32>
        %xor3A_837 = arith.xori %add3A_816, %mul3A_819 : vector<16xi32>
        %xor3A_838 = arith.xori %add3A_816, %mul3A_825 : vector<16xi32>
        %xor3A_839 = arith.xori %xor3A_835, %mul3A_828 : vector<16xi32>
        %and3A_840 = arith.constant 524287 : i32
        %and3A_841 = vector.broadcast %and3A_840 : i32 to vector<16xi32>
        %and3A_842 = arith.andi %xor3A_839, %and3A_841 : vector<16xi32>
        %add3A_843 = vector.broadcast %shift_left3A_37 : i32 to vector<16xi32>
        %add3A_844 = arith.addi %and3A_842, %add3A_843 : vector<16xi32>
        %swap3A_845 = arith.constant 0 : index
        %swap3A_846 = tpu.vector_load %arg14[%swap3A_845] {strides = array<i32>} : memref<512xi32, #tpu.memory_space<vmem>>, vector<16xi32>,
        tpu.vector_store %arg14[%swap3A_845], %add3A_844 {strides = array<i32>} : memref<512xi32, #tpu.memory_space<vmem>>, vector<16xi32>,
        %xor3A_847 = arith.xori %xor3A_835, %mul3A_834 : vector<16xi32>
        %and3A_848 = arith.constant 524287 : i32
        %and3A_849 = vector.broadcast %and3A_848 : i32 to vector<16xi32>
        %and3A_850 = arith.andi %xor3A_847, %and3A_849 : vector<16xi32>
        %add3A_851 = vector.broadcast %shift_left3A_37 : i32 to vector<16xi32>
        %add3A_852 = arith.addi %and3A_850, %add3A_851 : vector<16xi32>
        %swap3A_853 = arith.constant 16 : index
        %swap3A_854 = tpu.vector_load %arg14[%swap3A_853] {strides = array<i32>} : memref<512xi32, #tpu.memory_space<vmem>>, vector<16xi32>,
        tpu.vector_store %arg14[%swap3A_853], %add3A_852 {strides = array<i32>} : memref<512xi32, #tpu.memory_space<vmem>>, vector<16xi32>,
        %xor3A_855 = arith.xori %xor3A_836, %mul3A_828 : vector<16xi32>
        %and3A_856 = arith.constant 524287 : i32
        %and3A_857 = vector.broadcast %and3A_856 : i32 to vector<16xi32>
        %and3A_858 = arith.andi %xor3A_855, %and3A_857 : vector<16xi32>
        %add3A_859 = vector.broadcast %shift_left3A_37 : i32 to vector<16xi32>
        %add3A_860 = arith.addi %and3A_858, %add3A_859 : vector<16xi32>
        %swap3A_861 = arith.constant 32 : index
        %swap3A_862 = tpu.vector_load %arg14[%swap3A_861] {strides = array<i32>} : memref<512xi32, #tpu.memory_space<vmem>>, vector<16xi32>,
        tpu.vector_store %arg14[%swap3A_861], %add3A_860 {strides = array<i32>} : memref<512xi32, #tpu.memory_space<vmem>>, vector<16xi32>,
        %xor3A_863 = arith.xori %xor3A_836, %mul3A_834 : vector<16xi32>
        %and3A_864 = arith.constant 524287 : i32
        %and3A_865 = vector.broadcast %and3A_864 : i32 to vector<16xi32>
        %and3A_866 = arith.andi %xor3A_863, %and3A_865 : vector<16xi32>
        %add3A_867 = vector.broadcast %shift_left3A_37 : i32 to vector<16xi32>
        %add3A_868 = arith.addi %and3A_866, %add3A_867 : vector<16xi32>
        %swap3A_869 = arith.constant 48 : index
        %swap3A_870 = tpu.vector_load %arg14[%swap3A_869] {strides = array<i32>} : memref<512xi32, #tpu.memory_space<vmem>>, vector<16xi32>,
        tpu.vector_store %arg14[%swap3A_869], %add3A_868 {strides = array<i32>} : memref<512xi32, #tpu.memory_space<vmem>>, vector<16xi32>,
        %xor3A_871 = arith.xori %xor3A_837, %mul3A_828 : vector<16xi32>
        %and3A_872 = arith.constant 524287 : i32
        %and3A_873 = vector.broadcast %and3A_872 : i32 to vector<16xi32>
        %and3A_874 = arith.andi %xor3A_871, %and3A_873 : vector<16xi32>
        %add3A_875 = vector.broadcast %shift_left3A_37 : i32 to vector<16xi32>
        %add3A_876 = arith.addi %and3A_874, %add3A_875 : vector<16xi32>
        %swap3A_877 = arith.constant 64 : index
        %swap3A_878 = tpu.vector_load %arg14[%swap3A_877] {strides = array<i32>} : memref<512xi32, #tpu.memory_space<vmem>>, vector<16xi32>,
        tpu.vector_store %arg14[%swap3A_877], %add3A_876 {strides = array<i32>} : memref<512xi32, #tpu.memory_space<vmem>>, vector<16xi32>,
        %xor3A_879 = arith.xori %xor3A_837, %mul3A_834 : vector<16xi32>
        %and3A_880 = arith.constant 524287 : i32
        %and3A_881 = vector.broadcast %and3A_880 : i32 to vector<16xi32>
        %and3A_882 = arith.andi %xor3A_879, %and3A_881 : vector<16xi32>
        %add3A_883 = vector.broadcast %shift_left3A_37 : i32 to vector<16xi32>
        %add3A_884 = arith.addi %and3A_882, %add3A_883 : vector<16xi32>
        %swap3A_885 = arith.constant 80 : index
        %swap3A_886 = tpu.vector_load %arg14[%swap3A_885] {strides = array<i32>} : memref<512xi32, #tpu.memory_space<vmem>>, vector<16xi32>,
        tpu.vector_store %arg14[%swap3A_885], %add3A_884 {strides = array<i32>} : memref<512xi32, #tpu.memory_space<vmem>>, vector<16xi32>,
        %xor3A_887 = arith.xori %xor3A_838, %mul3A_828 : vector<16xi32>
        %and3A_888 = arith.constant 524287 : i32
        %and3A_889 = vector.broadcast %and3A_888 : i32 to vector<16xi32>
        %and3A_890 = arith.andi %xor3A_887, %and3A_889 : vector<16xi32>
        %add3A_891 = vector.broadcast %shift_left3A_37 : i32 to vector<16xi32>
        %add3A_892 = arith.addi %and3A_890, %add3A_891 : vector<16xi32>
        %swap3A_893 = arith.constant 96 : index
        %swap3A_894 = tpu.vector_load %arg14[%swap3A_893] {strides = array<i32>} : memref<512xi32, #tpu.memory_space<vmem>>, vector<16xi32>,
        tpu.vector_store %arg14[%swap3A_893], %add3A_892 {strides = array<i32>} : memref<512xi32, #tpu.memory_space<vmem>>, vector<16xi32>,
        %xor3A_895 = arith.xori %xor3A_838, %mul3A_834 : vector<16xi32>
        %and3A_896 = arith.constant 524287 : i32
        %and3A_897 = vector.broadcast %and3A_896 : i32 to vector<16xi32>
        %and3A_898 = arith.andi %xor3A_895, %and3A_897 : vector<16xi32>
        %add3A_899 = vector.broadcast %shift_left3A_37 : i32 to vector<16xi32>
        %add3A_900 = arith.addi %and3A_898, %add3A_899 : vector<16xi32>
        %swap3A_901 = arith.constant 112 : index
        %swap3A_902 = tpu.vector_load %arg14[%swap3A_901] {strides = array<i32>} : memref<512xi32, #tpu.memory_space<vmem>>, vector<16xi32>,
        tpu.vector_store %arg14[%swap3A_901], %add3A_900 {strides = array<i32>} : memref<512xi32, #tpu.memory_space<vmem>>, vector<16xi32>,
        %get3A_903 = arith.constant 272 : index
        %get3A_904 = tpu.vector_load %arg9[%get3A_903] {strides = array<i32>} : memref<448xf32, #tpu.memory_space<vmem>>, vector<16xf32>,
        %mul3A_905 = arith.mulf %get3A_904, %gather3A_36 : vector<16xf32>
        %get3A_906 = arith.constant 336 : index
        %get3A_907 = tpu.vector_load %arg9[%get3A_906] {strides = array<i32>} : memref<448xf32, #tpu.memory_space<vmem>>, vector<16xf32>,
        %mul3A_908 = arith.mulf %get3A_907, %gather3A_36 : vector<16xf32>
        %get3A_909 = arith.constant 400 : index
        %get3A_910 = tpu.vector_load %arg9[%get3A_909] {strides = array<i32>} : memref<448xf32, #tpu.memory_space<vmem>>, vector<16xf32>,
        %mul3A_911 = arith.mulf %get3A_910, %gather3A_36 : vector<16xf32>
        %convert_element_type3A_912 = arith.fptosi %mul3A_905 : vector<16xf32> to vector<16xi32>
        %convert_element_type3A_913 = arith.fptosi %mul3A_908 : vector<16xf32> to vector<16xi32>
        %convert_element_type3A_914 = arith.fptosi %mul3A_911 : vector<16xf32> to vector<16xi32>
        %convert_element_type3A_915 = arith.sitofp %convert_element_type3A_912 : vector<16xi32> to vector<16xf32>
        %sub3A_916 = arith.subf %mul3A_905, %convert_element_type3A_915 : vector<16xf32>
        %convert_element_type3A_917 = arith.sitofp %convert_element_type3A_913 : vector<16xi32> to vector<16xf32>
        %sub3A_918 = arith.subf %mul3A_908, %convert_element_type3A_917 : vector<16xf32>
        %convert_element_type3A_919 = arith.sitofp %convert_element_type3A_914 : vector<16xi32> to vector<16xf32>
        %sub3A_920 = arith.subf %mul3A_911, %convert_element_type3A_919 : vector<16xf32>
        %add3A_921 = arith.constant 1 : i32
        %add3A_922 = vector.broadcast %add3A_921 : i32 to vector<16xi32>
        %add3A_923 = arith.addi %convert_element_type3A_912, %add3A_922 : vector<16xi32>
        %mul3A_924 = arith.constant -1640531535 : i32
        %mul3A_925 = vector.broadcast %mul3A_924 : i32 to vector<16xi32>
        %mul3A_926 = arith.muli %convert_element_type3A_913, %mul3A_925 : vector<16xi32>
        %add3A_927 = arith.constant 1 : i32
        %add3A_928 = vector.broadcast %add3A_927 : i32 to vector<16xi32>
        %add3A_929 = arith.addi %convert_element_type3A_913, %add3A_928 : vector<16xi32>
        %mul3A_930 = arith.constant -1640531535 : i32
        %mul3A_931 = vector.broadcast %mul3A_930 : i32 to vector<16xi32>
        %mul3A_932 = arith.muli %add3A_929, %mul3A_931 : vector<16xi32>
        %mul3A_933 = arith.constant 805459861 : i32
        %mul3A_934 = vector.broadcast %mul3A_933 : i32 to vector<16xi32>
        %mul3A_935 = arith.muli %convert_element_type3A_914, %mul3A_934 : vector<16xi32>
        %add3A_936 = arith.constant 1 : i32
        %add3A_937 = vector.broadcast %add3A_936 : i32 to vector<16xi32>
        %add3A_938 = arith.addi %convert_element_type3A_914, %add3A_937 : vector<16xi32>
        %mul3A_939 = arith.constant 805459861 : i32
        %mul3A_940 = vector.broadcast %mul3A_939 : i32 to vector<16xi32>
        %mul3A_941 = arith.muli %add3A_938, %mul3A_940 : vector<16xi32>
        %xor3A_942 = arith.xori %convert_element_type3A_912, %mul3A_926 : vector<16xi32>
        %xor3A_943 = arith.xori %convert_element_type3A_912, %mul3A_932 : vector<16xi32>
        %xor3A_944 = arith.xori %add3A_923, %mul3A_926 : vector<16xi32>
        %xor3A_945 = arith.xori %add3A_923, %mul3A_932 : vector<16xi32>
        %xor3A_946 = arith.xori %xor3A_942, %mul3A_935 : vector<16xi32>
        %and3A_947 = arith.constant 524287 : i32
        %and3A_948 = vector.broadcast %and3A_947 : i32 to vector<16xi32>
        %and3A_949 = arith.andi %xor3A_946, %and3A_948 : vector<16xi32>
        %add3A_950 = vector.broadcast %shift_left3A_37 : i32 to vector<16xi32>
        %add3A_951 = arith.addi %and3A_949, %add3A_950 : vector<16xi32>
        %swap3A_952 = arith.constant 128 : index
        %swap3A_953 = tpu.vector_load %arg14[%swap3A_952] {strides = array<i32>} : memref<512xi32, #tpu.memory_space<vmem>>, vector<16xi32>,
        tpu.vector_store %arg14[%swap3A_952], %add3A_951 {strides = array<i32>} : memref<512xi32, #tpu.memory_space<vmem>>, vector<16xi32>,
        %xor3A_954 = arith.xori %xor3A_942, %mul3A_941 : vector<16xi32>
        %and3A_955 = arith.constant 524287 : i32
        %and3A_956 = vector.broadcast %and3A_955 : i32 to vector<16xi32>
        %and3A_957 = arith.andi %xor3A_954, %and3A_956 : vector<16xi32>
        %add3A_958 = vector.broadcast %shift_left3A_37 : i32 to vector<16xi32>
        %add3A_959 = arith.addi %and3A_957, %add3A_958 : vector<16xi32>
        %swap3A_960 = arith.constant 144 : index
        %swap3A_961 = tpu.vector_load %arg14[%swap3A_960] {strides = array<i32>} : memref<512xi32, #tpu.memory_space<vmem>>, vector<16xi32>,
        tpu.vector_store %arg14[%swap3A_960], %add3A_959 {strides = array<i32>} : memref<512xi32, #tpu.memory_space<vmem>>, vector<16xi32>,
        %xor3A_962 = arith.xori %xor3A_943, %mul3A_935 : vector<16xi32>
        %and3A_963 = arith.constant 524287 : i32
        %and3A_964 = vector.broadcast %and3A_963 : i32 to vector<16xi32>
        %and3A_965 = arith.andi %xor3A_962, %and3A_964 : vector<16xi32>
        %add3A_966 = vector.broadcast %shift_left3A_37 : i32 to vector<16xi32>
        %add3A_967 = arith.addi %and3A_965, %add3A_966 : vector<16xi32>
        %swap3A_968 = arith.constant 160 : index
        %swap3A_969 = tpu.vector_load %arg14[%swap3A_968] {strides = array<i32>} : memref<512xi32, #tpu.memory_space<vmem>>, vector<16xi32>,
        tpu.vector_store %arg14[%swap3A_968], %add3A_967 {strides = array<i32>} : memref<512xi32, #tpu.memory_space<vmem>>, vector<16xi32>,
        %xor3A_970 = arith.xori %xor3A_943, %mul3A_941 : vector<16xi32>
        %and3A_971 = arith.constant 524287 : i32
        %and3A_972 = vector.broadcast %and3A_971 : i32 to vector<16xi32>
        %and3A_973 = arith.andi %xor3A_970, %and3A_972 : vector<16xi32>
        %add3A_974 = vector.broadcast %shift_left3A_37 : i32 to vector<16xi32>
        %add3A_975 = arith.addi %and3A_973, %add3A_974 : vector<16xi32>
        %swap3A_976 = arith.constant 176 : index
        %swap3A_977 = tpu.vector_load %arg14[%swap3A_976] {strides = array<i32>} : memref<512xi32, #tpu.memory_space<vmem>>, vector<16xi32>,
        tpu.vector_store %arg14[%swap3A_976], %add3A_975 {strides = array<i32>} : memref<512xi32, #tpu.memory_space<vmem>>, vector<16xi32>,
        %xor3A_978 = arith.xori %xor3A_944, %mul3A_935 : vector<16xi32>
        %and3A_979 = arith.constant 524287 : i32
        %and3A_980 = vector.broadcast %and3A_979 : i32 to vector<16xi32>
        %and3A_981 = arith.andi %xor3A_978, %and3A_980 : vector<16xi32>
        %add3A_982 = vector.broadcast %shift_left3A_37 : i32 to vector<16xi32>
        %add3A_983 = arith.addi %and3A_981, %add3A_982 : vector<16xi32>
        %swap3A_984 = arith.constant 192 : index
        %swap3A_985 = tpu.vector_load %arg14[%swap3A_984] {strides = array<i32>} : memref<512xi32, #tpu.memory_space<vmem>>, vector<16xi32>,
        tpu.vector_store %arg14[%swap3A_984], %add3A_983 {strides = array<i32>} : memref<512xi32, #tpu.memory_space<vmem>>, vector<16xi32>,
        %xor3A_986 = arith.xori %xor3A_944, %mul3A_941 : vector<16xi32>
        %and3A_987 = arith.constant 524287 : i32
        %and3A_988 = vector.broadcast %and3A_987 : i32 to vector<16xi32>
        %and3A_989 = arith.andi %xor3A_986, %and3A_988 : vector<16xi32>
        %add3A_990 = vector.broadcast %shift_left3A_37 : i32 to vector<16xi32>
        %add3A_991 = arith.addi %and3A_989, %add3A_990 : vector<16xi32>
        %swap3A_992 = arith.constant 208 : index
        %swap3A_993 = tpu.vector_load %arg14[%swap3A_992] {strides = array<i32>} : memref<512xi32, #tpu.memory_space<vmem>>, vector<16xi32>,
        tpu.vector_store %arg14[%swap3A_992], %add3A_991 {strides = array<i32>} : memref<512xi32, #tpu.memory_space<vmem>>, vector<16xi32>,
        %xor3A_994 = arith.xori %xor3A_945, %mul3A_935 : vector<16xi32>
        %and3A_995 = arith.constant 524287 : i32
        %and3A_996 = vector.broadcast %and3A_995 : i32 to vector<16xi32>
        %and3A_997 = arith.andi %xor3A_994, %and3A_996 : vector<16xi32>
        %add3A_998 = vector.broadcast %shift_left3A_37 : i32 to vector<16xi32>
        %add3A_999 = arith.addi %and3A_997, %add3A_998 : vector<16xi32>
        %swap3A_1000 = arith.constant 224 : index
        %swap3A_1001 = tpu.vector_load %arg14[%swap3A_1000] {strides = array<i32>} : memref<512xi32, #tpu.memory_space<vmem>>, vector<16xi32>,
        tpu.vector_store %arg14[%swap3A_1000], %add3A_999 {strides = array<i32>} : memref<512xi32, #tpu.memory_space<vmem>>, vector<16xi32>,
        %xor3A_1002 = arith.xori %xor3A_945, %mul3A_941 : vector<16xi32>
        %and3A_1003 = arith.constant 524287 : i32
        %and3A_1004 = vector.broadcast %and3A_1003 : i32 to vector<16xi32>
        %and3A_1005 = arith.andi %xor3A_1002, %and3A_1004 : vector<16xi32>
        %add3A_1006 = vector.broadcast %shift_left3A_37 : i32 to vector<16xi32>
        %add3A_1007 = arith.addi %and3A_1005, %add3A_1006 : vector<16xi32>
        %swap3A_1008 = arith.constant 240 : index
        %swap3A_1009 = tpu.vector_load %arg14[%swap3A_1008] {strides = array<i32>} : memref<512xi32, #tpu.memory_space<vmem>>, vector<16xi32>,
        tpu.vector_store %arg14[%swap3A_1008], %add3A_1007 {strides = array<i32>} : memref<512xi32, #tpu.memory_space<vmem>>, vector<16xi32>,
        %get3A_1010 = arith.constant 288 : index
        %get3A_1011 = tpu.vector_load %arg9[%get3A_1010] {strides = array<i32>} : memref<448xf32, #tpu.memory_space<vmem>>, vector<16xf32>,
        %mul3A_1012 = arith.mulf %get3A_1011, %gather3A_36 : vector<16xf32>
        %get3A_1013 = arith.constant 352 : index
        %get3A_1014 = tpu.vector_load %arg9[%get3A_1013] {strides = array<i32>} : memref<448xf32, #tpu.memory_space<vmem>>, vector<16xf32>,
        %mul3A_1015 = arith.mulf %get3A_1014, %gather3A_36 : vector<16xf32>
        %get3A_1016 = arith.constant 416 : index
        %get3A_1017 = tpu.vector_load %arg9[%get3A_1016] {strides = array<i32>} : memref<448xf32, #tpu.memory_space<vmem>>, vector<16xf32>,
        %mul3A_1018 = arith.mulf %get3A_1017, %gather3A_36 : vector<16xf32>
        %convert_element_type3A_1019 = arith.fptosi %mul3A_1012 : vector<16xf32> to vector<16xi32>
        %convert_element_type3A_1020 = arith.fptosi %mul3A_1015 : vector<16xf32> to vector<16xi32>
        %convert_element_type3A_1021 = arith.fptosi %mul3A_1018 : vector<16xf32> to vector<16xi32>
        %convert_element_type3A_1022 = arith.sitofp %convert_element_type3A_1019 : vector<16xi32> to vector<16xf32>
        %sub3A_1023 = arith.subf %mul3A_1012, %convert_element_type3A_1022 : vector<16xf32>
        %convert_element_type3A_1024 = arith.sitofp %convert_element_type3A_1020 : vector<16xi32> to vector<16xf32>
        %sub3A_1025 = arith.subf %mul3A_1015, %convert_element_type3A_1024 : vector<16xf32>
        %convert_element_type3A_1026 = arith.sitofp %convert_element_type3A_1021 : vector<16xi32> to vector<16xf32>
        %sub3A_1027 = arith.subf %mul3A_1018, %convert_element_type3A_1026 : vector<16xf32>
        %add3A_1028 = arith.constant 1 : i32
        %add3A_1029 = vector.broadcast %add3A_1028 : i32 to vector<16xi32>
        %add3A_1030 = arith.addi %convert_element_type3A_1019, %add3A_1029 : vector<16xi32>
        %mul3A_1031 = arith.constant -1640531535 : i32
        %mul3A_1032 = vector.broadcast %mul3A_1031 : i32 to vector<16xi32>
        %mul3A_1033 = arith.muli %convert_element_type3A_1020, %mul3A_1032 : vector<16xi32>
        %add3A_1034 = arith.constant 1 : i32
        %add3A_1035 = vector.broadcast %add3A_1034 : i32 to vector<16xi32>
        %add3A_1036 = arith.addi %convert_element_type3A_1020, %add3A_1035 : vector<16xi32>
        %mul3A_1037 = arith.constant -1640531535 : i32
        %mul3A_1038 = vector.broadcast %mul3A_1037 : i32 to vector<16xi32>
        %mul3A_1039 = arith.muli %add3A_1036, %mul3A_1038 : vector<16xi32>
        %mul3A_1040 = arith.constant 805459861 : i32
        %mul3A_1041 = vector.broadcast %mul3A_1040 : i32 to vector<16xi32>
        %mul3A_1042 = arith.muli %convert_element_type3A_1021, %mul3A_1041 : vector<16xi32>
        %add3A_1043 = arith.constant 1 : i32
        %add3A_1044 = vector.broadcast %add3A_1043 : i32 to vector<16xi32>
        %add3A_1045 = arith.addi %convert_element_type3A_1021, %add3A_1044 : vector<16xi32>
        %mul3A_1046 = arith.constant 805459861 : i32
        %mul3A_1047 = vector.broadcast %mul3A_1046 : i32 to vector<16xi32>
        %mul3A_1048 = arith.muli %add3A_1045, %mul3A_1047 : vector<16xi32>
        %xor3A_1049 = arith.xori %convert_element_type3A_1019, %mul3A_1033 : vector<16xi32>
        %xor3A_1050 = arith.xori %convert_element_type3A_1019, %mul3A_1039 : vector<16xi32>
        %xor3A_1051 = arith.xori %add3A_1030, %mul3A_1033 : vector<16xi32>
        %xor3A_1052 = arith.xori %add3A_1030, %mul3A_1039 : vector<16xi32>
        %xor3A_1053 = arith.xori %xor3A_1049, %mul3A_1042 : vector<16xi32>
        %and3A_1054 = arith.constant 524287 : i32
        %and3A_1055 = vector.broadcast %and3A_1054 : i32 to vector<16xi32>
        %and3A_1056 = arith.andi %xor3A_1053, %and3A_1055 : vector<16xi32>
        %add3A_1057 = vector.broadcast %shift_left3A_37 : i32 to vector<16xi32>
        %add3A_1058 = arith.addi %and3A_1056, %add3A_1057 : vector<16xi32>
        %swap3A_1059 = arith.constant 256 : index
        %swap3A_1060 = tpu.vector_load %arg14[%swap3A_1059] {strides = array<i32>} : memref<512xi32, #tpu.memory_space<vmem>>, vector<16xi32>,
        tpu.vector_store %arg14[%swap3A_1059], %add3A_1058 {strides = array<i32>} : memref<512xi32, #tpu.memory_space<vmem>>, vector<16xi32>,
        %xor3A_1061 = arith.xori %xor3A_1049, %mul3A_1048 : vector<16xi32>
        %and3A_1062 = arith.constant 524287 : i32
        %and3A_1063 = vector.broadcast %and3A_1062 : i32 to vector<16xi32>
        %and3A_1064 = arith.andi %xor3A_1061, %and3A_1063 : vector<16xi32>
        %add3A_1065 = vector.broadcast %shift_left3A_37 : i32 to vector<16xi32>
        %add3A_1066 = arith.addi %and3A_1064, %add3A_1065 : vector<16xi32>
        %swap3A_1067 = arith.constant 272 : index
        %swap3A_1068 = tpu.vector_load %arg14[%swap3A_1067] {strides = array<i32>} : memref<512xi32, #tpu.memory_space<vmem>>, vector<16xi32>,
        tpu.vector_store %arg14[%swap3A_1067], %add3A_1066 {strides = array<i32>} : memref<512xi32, #tpu.memory_space<vmem>>, vector<16xi32>,
        %xor3A_1069 = arith.xori %xor3A_1050, %mul3A_1042 : vector<16xi32>
        %and3A_1070 = arith.constant 524287 : i32
        %and3A_1071 = vector.broadcast %and3A_1070 : i32 to vector<16xi32>
        %and3A_1072 = arith.andi %xor3A_1069, %and3A_1071 : vector<16xi32>
        %add3A_1073 = vector.broadcast %shift_left3A_37 : i32 to vector<16xi32>
        %add3A_1074 = arith.addi %and3A_1072, %add3A_1073 : vector<16xi32>
        %swap3A_1075 = arith.constant 288 : index
        %swap3A_1076 = tpu.vector_load %arg14[%swap3A_1075] {strides = array<i32>} : memref<512xi32, #tpu.memory_space<vmem>>, vector<16xi32>,
        tpu.vector_store %arg14[%swap3A_1075], %add3A_1074 {strides = array<i32>} : memref<512xi32, #tpu.memory_space<vmem>>, vector<16xi32>,
        %xor3A_1077 = arith.xori %xor3A_1050, %mul3A_1048 : vector<16xi32>
        %and3A_1078 = arith.constant 524287 : i32
        %and3A_1079 = vector.broadcast %and3A_1078 : i32 to vector<16xi32>
        %and3A_1080 = arith.andi %xor3A_1077, %and3A_1079 : vector<16xi32>
        %add3A_1081 = vector.broadcast %shift_left3A_37 : i32 to vector<16xi32>
        %add3A_1082 = arith.addi %and3A_1080, %add3A_1081 : vector<16xi32>
        %swap3A_1083 = arith.constant 304 : index
        %swap3A_1084 = tpu.vector_load %arg14[%swap3A_1083] {strides = array<i32>} : memref<512xi32, #tpu.memory_space<vmem>>, vector<16xi32>,
        tpu.vector_store %arg14[%swap3A_1083], %add3A_1082 {strides = array<i32>} : memref<512xi32, #tpu.memory_space<vmem>>, vector<16xi32>,
        %xor3A_1085 = arith.xori %xor3A_1051, %mul3A_1042 : vector<16xi32>
        %and3A_1086 = arith.constant 524287 : i32
        %and3A_1087 = vector.broadcast %and3A_1086 : i32 to vector<16xi32>
        %and3A_1088 = arith.andi %xor3A_1085, %and3A_1087 : vector<16xi32>
        %add3A_1089 = vector.broadcast %shift_left3A_37 : i32 to vector<16xi32>
        %add3A_1090 = arith.addi %and3A_1088, %add3A_1089 : vector<16xi32>
        %swap3A_1091 = arith.constant 320 : index
        %swap3A_1092 = tpu.vector_load %arg14[%swap3A_1091] {strides = array<i32>} : memref<512xi32, #tpu.memory_space<vmem>>, vector<16xi32>,
        tpu.vector_store %arg14[%swap3A_1091], %add3A_1090 {strides = array<i32>} : memref<512xi32, #tpu.memory_space<vmem>>, vector<16xi32>,
        %xor3A_1093 = arith.xori %xor3A_1051, %mul3A_1048 : vector<16xi32>
        %and3A_1094 = arith.constant 524287 : i32
        %and3A_1095 = vector.broadcast %and3A_1094 : i32 to vector<16xi32>
        %and3A_1096 = arith.andi %xor3A_1093, %and3A_1095 : vector<16xi32>
        %add3A_1097 = vector.broadcast %shift_left3A_37 : i32 to vector<16xi32>
        %add3A_1098 = arith.addi %and3A_1096, %add3A_1097 : vector<16xi32>
        %swap3A_1099 = arith.constant 336 : index
        %swap3A_1100 = tpu.vector_load %arg14[%swap3A_1099] {strides = array<i32>} : memref<512xi32, #tpu.memory_space<vmem>>, vector<16xi32>,
        tpu.vector_store %arg14[%swap3A_1099], %add3A_1098 {strides = array<i32>} : memref<512xi32, #tpu.memory_space<vmem>>, vector<16xi32>,
        %xor3A_1101 = arith.xori %xor3A_1052, %mul3A_1042 : vector<16xi32>
        %and3A_1102 = arith.constant 524287 : i32
        %and3A_1103 = vector.broadcast %and3A_1102 : i32 to vector<16xi32>
        %and3A_1104 = arith.andi %xor3A_1101, %and3A_1103 : vector<16xi32>
        %add3A_1105 = vector.broadcast %shift_left3A_37 : i32 to vector<16xi32>
        %add3A_1106 = arith.addi %and3A_1104, %add3A_1105 : vector<16xi32>
        %swap3A_1107 = arith.constant 352 : index
        %swap3A_1108 = tpu.vector_load %arg14[%swap3A_1107] {strides = array<i32>} : memref<512xi32, #tpu.memory_space<vmem>>, vector<16xi32>,
        tpu.vector_store %arg14[%swap3A_1107], %add3A_1106 {strides = array<i32>} : memref<512xi32, #tpu.memory_space<vmem>>, vector<16xi32>,
        %xor3A_1109 = arith.xori %xor3A_1052, %mul3A_1048 : vector<16xi32>
        %and3A_1110 = arith.constant 524287 : i32
        %and3A_1111 = vector.broadcast %and3A_1110 : i32 to vector<16xi32>
        %and3A_1112 = arith.andi %xor3A_1109, %and3A_1111 : vector<16xi32>
        %add3A_1113 = vector.broadcast %shift_left3A_37 : i32 to vector<16xi32>
        %add3A_1114 = arith.addi %and3A_1112, %add3A_1113 : vector<16xi32>
        %swap3A_1115 = arith.constant 368 : index
        %swap3A_1116 = tpu.vector_load %arg14[%swap3A_1115] {strides = array<i32>} : memref<512xi32, #tpu.memory_space<vmem>>, vector<16xi32>,
        tpu.vector_store %arg14[%swap3A_1115], %add3A_1114 {strides = array<i32>} : memref<512xi32, #tpu.memory_space<vmem>>, vector<16xi32>,
        %get3A_1117 = arith.constant 304 : index
        %get3A_1118 = tpu.vector_load %arg9[%get3A_1117] {strides = array<i32>} : memref<448xf32, #tpu.memory_space<vmem>>, vector<16xf32>,
        %mul3A_1119 = arith.mulf %get3A_1118, %gather3A_36 : vector<16xf32>
        %get3A_1120 = arith.constant 368 : index
        %get3A_1121 = tpu.vector_load %arg9[%get3A_1120] {strides = array<i32>} : memref<448xf32, #tpu.memory_space<vmem>>, vector<16xf32>,
        %mul3A_1122 = arith.mulf %get3A_1121, %gather3A_36 : vector<16xf32>
        %get3A_1123 = arith.constant 432 : index
        %get3A_1124 = tpu.vector_load %arg9[%get3A_1123] {strides = array<i32>} : memref<448xf32, #tpu.memory_space<vmem>>, vector<16xf32>,
        %mul3A_1125 = arith.mulf %get3A_1124, %gather3A_36 : vector<16xf32>
        %convert_element_type3A_1126 = arith.fptosi %mul3A_1119 : vector<16xf32> to vector<16xi32>
        %convert_element_type3A_1127 = arith.fptosi %mul3A_1122 : vector<16xf32> to vector<16xi32>
        %convert_element_type3A_1128 = arith.fptosi %mul3A_1125 : vector<16xf32> to vector<16xi32>
        %convert_element_type3A_1129 = arith.sitofp %convert_element_type3A_1126 : vector<16xi32> to vector<16xf32>
        %sub3A_1130 = arith.subf %mul3A_1119, %convert_element_type3A_1129 : vector<16xf32>
        %convert_element_type3A_1131 = arith.sitofp %convert_element_type3A_1127 : vector<16xi32> to vector<16xf32>
        %sub3A_1132 = arith.subf %mul3A_1122, %convert_element_type3A_1131 : vector<16xf32>
        %convert_element_type3A_1133 = arith.sitofp %convert_element_type3A_1128 : vector<16xi32> to vector<16xf32>
        %sub3A_1134 = arith.subf %mul3A_1125, %convert_element_type3A_1133 : vector<16xf32>
        %add3A_1135 = arith.constant 1 : i32
        %add3A_1136 = vector.broadcast %add3A_1135 : i32 to vector<16xi32>
        %add3A_1137 = arith.addi %convert_element_type3A_1126, %add3A_1136 : vector<16xi32>
        %mul3A_1138 = arith.constant -1640531535 : i32
        %mul3A_1139 = vector.broadcast %mul3A_1138 : i32 to vector<16xi32>
        %mul3A_1140 = arith.muli %convert_element_type3A_1127, %mul3A_1139 : vector<16xi32>
        %add3A_1141 = arith.constant 1 : i32
        %add3A_1142 = vector.broadcast %add3A_1141 : i32 to vector<16xi32>
        %add3A_1143 = arith.addi %convert_element_type3A_1127, %add3A_1142 : vector<16xi32>
        %mul3A_1144 = arith.constant -1640531535 : i32
        %mul3A_1145 = vector.broadcast %mul3A_1144 : i32 to vector<16xi32>
        %mul3A_1146 = arith.muli %add3A_1143, %mul3A_1145 : vector<16xi32>
        %mul3A_1147 = arith.constant 805459861 : i32
        %mul3A_1148 = vector.broadcast %mul3A_1147 : i32 to vector<16xi32>
        %mul3A_1149 = arith.muli %convert_element_type3A_1128, %mul3A_1148 : vector<16xi32>
        %add3A_1150 = arith.constant 1 : i32
        %add3A_1151 = vector.broadcast %add3A_1150 : i32 to vector<16xi32>
        %add3A_1152 = arith.addi %convert_element_type3A_1128, %add3A_1151 : vector<16xi32>
        %mul3A_1153 = arith.constant 805459861 : i32
        %mul3A_1154 = vector.broadcast %mul3A_1153 : i32 to vector<16xi32>
        %mul3A_1155 = arith.muli %add3A_1152, %mul3A_1154 : vector<16xi32>
        %xor3A_1156 = arith.xori %convert_element_type3A_1126, %mul3A_1140 : vector<16xi32>
        %xor3A_1157 = arith.xori %convert_element_type3A_1126, %mul3A_1146 : vector<16xi32>
        %xor3A_1158 = arith.xori %add3A_1137, %mul3A_1140 : vector<16xi32>
        %xor3A_1159 = arith.xori %add3A_1137, %mul3A_1146 : vector<16xi32>
        %xor3A_1160 = arith.xori %xor3A_1156, %mul3A_1149 : vector<16xi32>
        %and3A_1161 = arith.constant 524287 : i32
        %and3A_1162 = vector.broadcast %and3A_1161 : i32 to vector<16xi32>
        %and3A_1163 = arith.andi %xor3A_1160, %and3A_1162 : vector<16xi32>
        %add3A_1164 = vector.broadcast %shift_left3A_37 : i32 to vector<16xi32>
        %add3A_1165 = arith.addi %and3A_1163, %add3A_1164 : vector<16xi32>
        %swap3A_1166 = arith.constant 384 : index
        %swap3A_1167 = tpu.vector_load %arg14[%swap3A_1166] {strides = array<i32>} : memref<512xi32, #tpu.memory_space<vmem>>, vector<16xi32>,
        tpu.vector_store %arg14[%swap3A_1166], %add3A_1165 {strides = array<i32>} : memref<512xi32, #tpu.memory_space<vmem>>, vector<16xi32>,
        %xor3A_1168 = arith.xori %xor3A_1156, %mul3A_1155 : vector<16xi32>
        %and3A_1169 = arith.constant 524287 : i32
        %and3A_1170 = vector.broadcast %and3A_1169 : i32 to vector<16xi32>
        %and3A_1171 = arith.andi %xor3A_1168, %and3A_1170 : vector<16xi32>
        %add3A_1172 = vector.broadcast %shift_left3A_37 : i32 to vector<16xi32>
        %add3A_1173 = arith.addi %and3A_1171, %add3A_1172 : vector<16xi32>
        %swap3A_1174 = arith.constant 400 : index
        %swap3A_1175 = tpu.vector_load %arg14[%swap3A_1174] {strides = array<i32>} : memref<512xi32, #tpu.memory_space<vmem>>, vector<16xi32>,
        tpu.vector_store %arg14[%swap3A_1174], %add3A_1173 {strides = array<i32>} : memref<512xi32, #tpu.memory_space<vmem>>, vector<16xi32>,
        %xor3A_1176 = arith.xori %xor3A_1157, %mul3A_1149 : vector<16xi32>
        %and3A_1177 = arith.constant 524287 : i32
        %and3A_1178 = vector.broadcast %and3A_1177 : i32 to vector<16xi32>
        %and3A_1179 = arith.andi %xor3A_1176, %and3A_1178 : vector<16xi32>
        %add3A_1180 = vector.broadcast %shift_left3A_37 : i32 to vector<16xi32>
        %add3A_1181 = arith.addi %and3A_1179, %add3A_1180 : vector<16xi32>
        %swap3A_1182 = arith.constant 416 : index
        %swap3A_1183 = tpu.vector_load %arg14[%swap3A_1182] {strides = array<i32>} : memref<512xi32, #tpu.memory_space<vmem>>, vector<16xi32>,
        tpu.vector_store %arg14[%swap3A_1182], %add3A_1181 {strides = array<i32>} : memref<512xi32, #tpu.memory_space<vmem>>, vector<16xi32>,
        %xor3A_1184 = arith.xori %xor3A_1157, %mul3A_1155 : vector<16xi32>
        %and3A_1185 = arith.constant 524287 : i32
        %and3A_1186 = vector.broadcast %and3A_1185 : i32 to vector<16xi32>
        %and3A_1187 = arith.andi %xor3A_1184, %and3A_1186 : vector<16xi32>
        %add3A_1188 = vector.broadcast %shift_left3A_37 : i32 to vector<16xi32>
        %add3A_1189 = arith.addi %and3A_1187, %add3A_1188 : vector<16xi32>
        %swap3A_1190 = arith.constant 432 : index
        %swap3A_1191 = tpu.vector_load %arg14[%swap3A_1190] {strides = array<i32>} : memref<512xi32, #tpu.memory_space<vmem>>, vector<16xi32>,
        tpu.vector_store %arg14[%swap3A_1190], %add3A_1189 {strides = array<i32>} : memref<512xi32, #tpu.memory_space<vmem>>, vector<16xi32>,
        %xor3A_1192 = arith.xori %xor3A_1158, %mul3A_1149 : vector<16xi32>
        %and3A_1193 = arith.constant 524287 : i32
        %and3A_1194 = vector.broadcast %and3A_1193 : i32 to vector<16xi32>
        %and3A_1195 = arith.andi %xor3A_1192, %and3A_1194 : vector<16xi32>
        %add3A_1196 = vector.broadcast %shift_left3A_37 : i32 to vector<16xi32>
        %add3A_1197 = arith.addi %and3A_1195, %add3A_1196 : vector<16xi32>
        %swap3A_1198 = arith.constant 448 : index
        %swap3A_1199 = tpu.vector_load %arg14[%swap3A_1198] {strides = array<i32>} : memref<512xi32, #tpu.memory_space<vmem>>, vector<16xi32>,
        tpu.vector_store %arg14[%swap3A_1198], %add3A_1197 {strides = array<i32>} : memref<512xi32, #tpu.memory_space<vmem>>, vector<16xi32>,
        %xor3A_1200 = arith.xori %xor3A_1158, %mul3A_1155 : vector<16xi32>
        %and3A_1201 = arith.constant 524287 : i32
        %and3A_1202 = vector.broadcast %and3A_1201 : i32 to vector<16xi32>
        %and3A_1203 = arith.andi %xor3A_1200, %and3A_1202 : vector<16xi32>
        %add3A_1204 = vector.broadcast %shift_left3A_37 : i32 to vector<16xi32>
        %add3A_1205 = arith.addi %and3A_1203, %add3A_1204 : vector<16xi32>
        %swap3A_1206 = arith.constant 464 : index
        %swap3A_1207 = tpu.vector_load %arg14[%swap3A_1206] {strides = array<i32>} : memref<512xi32, #tpu.memory_space<vmem>>, vector<16xi32>,
        tpu.vector_store %arg14[%swap3A_1206], %add3A_1205 {strides = array<i32>} : memref<512xi32, #tpu.memory_space<vmem>>, vector<16xi32>,
        %xor3A_1208 = arith.xori %xor3A_1159, %mul3A_1149 : vector<16xi32>
        %and3A_1209 = arith.constant 524287 : i32
        %and3A_1210 = vector.broadcast %and3A_1209 : i32 to vector<16xi32>
        %and3A_1211 = arith.andi %xor3A_1208, %and3A_1210 : vector<16xi32>
        %add3A_1212 = vector.broadcast %shift_left3A_37 : i32 to vector<16xi32>
        %add3A_1213 = arith.addi %and3A_1211, %add3A_1212 : vector<16xi32>
        %swap3A_1214 = arith.constant 480 : index
        %swap3A_1215 = tpu.vector_load %arg14[%swap3A_1214] {strides = array<i32>} : memref<512xi32, #tpu.memory_space<vmem>>, vector<16xi32>,
        tpu.vector_store %arg14[%swap3A_1214], %add3A_1213 {strides = array<i32>} : memref<512xi32, #tpu.memory_space<vmem>>, vector<16xi32>,
        %xor3A_1216 = arith.xori %xor3A_1159, %mul3A_1155 : vector<16xi32>
        %and3A_1217 = arith.constant 524287 : i32
        %and3A_1218 = vector.broadcast %and3A_1217 : i32 to vector<16xi32>
        %and3A_1219 = arith.andi %xor3A_1216, %and3A_1218 : vector<16xi32>
        %add3A_1220 = vector.broadcast %shift_left3A_37 : i32 to vector<16xi32>
        %add3A_1221 = arith.addi %and3A_1219, %add3A_1220 : vector<16xi32>
        %swap3A_1222 = arith.constant 496 : index
        %swap3A_1223 = tpu.vector_load %arg14[%swap3A_1222] {strides = array<i32>} : memref<512xi32, #tpu.memory_space<vmem>>, vector<16xi32>,
        tpu.vector_store %arg14[%swap3A_1222], %add3A_1221 {strides = array<i32>} : memref<512xi32, #tpu.memory_space<vmem>>, vector<16xi32>,
        %dma_start3A_1224 = arith.constant 0 : i32
        %dma_start3A_1225 = tpu.memref_slice %arg5[%dma_start3A_1224] : memref<8388608xf32, #tpu.memory_space<hbm>> -> memref<8388608xf32, #tpu.memory_space<hbm>>
        tpu.enqueue_indirect_dma source(%dma_start3A_1225 : memref<8388608xf32, #tpu.memory_space<hbm>>) target(%arg15 : memref<512xf32, #tpu.memory_space<vmem>>) offsets(%arg14 : memref<512xi32, #tpu.memory_space<vmem>>) semaphore(%arg19 : memref<!tpu.dma_semaphore, #tpu.memory_space<semaphore_mem>>)
        %dma_start3A_1226 = arith.constant 0 : i32
        %dma_start3A_1227 = tpu.memref_slice %arg6[%dma_start3A_1226] : memref<8388608xf32, #tpu.memory_space<hbm>> -> memref<8388608xf32, #tpu.memory_space<hbm>>
        tpu.enqueue_indirect_dma source(%dma_start3A_1227 : memref<8388608xf32, #tpu.memory_space<hbm>>) target(%arg16 : memref<512xf32, #tpu.memory_space<vmem>>) offsets(%arg14 : memref<512xi32, #tpu.memory_space<vmem>>) semaphore(%arg19 : memref<!tpu.dma_semaphore, #tpu.memory_space<semaphore_mem>>)
        %dma_wait3A = arith.constant 0 : i32
        %dma_wait3A_1228 = tpu.memref_slice %arg3[%dma_wait3A] : memref<8388608xf32, #tpu.memory_space<hbm>> -> memref<8388608xf32, #tpu.memory_space<hbm>>
        tpu.wait_indirect_dma semaphore(%arg18 : memref<!tpu.dma_semaphore, #tpu.memory_space<semaphore_mem>>) src(%dma_wait3A_1228 : memref<8388608xf32, #tpu.memory_space<hbm>>) dst(%arg12 : memref<1024xf32, #tpu.memory_space<vmem>>)
        %dma_wait3A_1229 = arith.constant 0 : i32
        %dma_wait3A_1230 = tpu.memref_slice %arg4[%dma_wait3A_1229] : memref<8388608xf32, #tpu.memory_space<hbm>> -> memref<8388608xf32, #tpu.memory_space<hbm>>
        tpu.wait_indirect_dma semaphore(%arg18 : memref<!tpu.dma_semaphore, #tpu.memory_space<semaphore_mem>>) src(%dma_wait3A_1230 : memref<8388608xf32, #tpu.memory_space<hbm>>) dst(%arg13 : memref<1024xf32, #tpu.memory_space<vmem>>)
        %mul3A_1231 = arith.constant 2 : i32
        %mul3A_1232 = arith.muli %mul3A_1231, %scan3A_34 : i32
        %broadcast_in_dim3A_1233 = vector.broadcast %mul3A_1232 : i32 to vector<16xi32>
        %add3A_1234 = arith.constant 1 : i32
        %add3A_1235 = vector.broadcast %add3A_1234 : i32 to vector<16xi32>
        %add3A_1236 = arith.addi %broadcast_in_dim3A_1233, %add3A_1235 : vector<16xi32>
        %sub3A_1237 = arith.constant 1.000000e+00 : f32
        %sub3A_1238 = vector.broadcast %sub3A_1237 : f32 to vector<16xf32>
        %sub3A_1239 = arith.subf %sub3A_1238, %sub3A : vector<16xf32>
        %sub3A_1240 = arith.constant 1.000000e+00 : f32
        %sub3A_1241 = vector.broadcast %sub3A_1240 : f32 to vector<16xf32>
        %sub3A_1242 = arith.subf %sub3A_1241, %sub3A_55 : vector<16xf32>
        %sub3A_1243 = arith.constant 1.000000e+00 : f32
        %sub3A_1244 = vector.broadcast %sub3A_1243 : f32 to vector<16xf32>
        %sub3A_1245 = arith.subf %sub3A_1244, %sub3A_57 : vector<16xf32>
        %sub3A_1246 = arith.constant 1.000000e+00 : f32
        %sub3A_1247 = vector.broadcast %sub3A_1246 : f32 to vector<16xf32>
        %sub3A_1248 = arith.subf %sub3A_1247, %sub3A_59 : vector<16xf32>
        %broadcast_in_dim3A_1249 = arith.constant 0.000000e+00 : f32
        %broadcast_in_dim3A_1250 = vector.broadcast %broadcast_in_dim3A_1249 : f32 to vector<16xf32>
        %broadcast_in_dim3A_1251 = arith.constant 0.000000e+00 : f32
        %broadcast_in_dim3A_1252 = vector.broadcast %broadcast_in_dim3A_1251 : f32 to vector<16xf32>
        %mul3A_1253 = arith.mulf %sub3A_1239, %sub3A_1242 : vector<16xf32>
        %mul3A_1254 = arith.mulf %mul3A_1253, %sub3A_1245 : vector<16xf32>
        %mul3A_1255 = arith.mulf %mul3A_1254, %sub3A_1248 : vector<16xf32>
        %get3A_1256 = arith.constant 0 : index
        %get3A_1257 = tpu.vector_load %arg12[%get3A_1256] {strides = array<i32>} : memref<1024xf32, #tpu.memory_space<vmem>>, vector<16xf32>,
        %get3A_1258 = arith.constant 0 : index
        %get3A_1259 = tpu.vector_load %arg13[%get3A_1258] {strides = array<i32>} : memref<1024xf32, #tpu.memory_space<vmem>>, vector<16xf32>,
        %mul3A_1260 = arith.mulf %mul3A_1255, %get3A_1257 : vector<16xf32>
        %add3A_1261 = arith.addf %broadcast_in_dim3A_1250, %mul3A_1260 : vector<16xf32>
        %mul3A_1262 = arith.mulf %mul3A_1255, %get3A_1259 : vector<16xf32>
        %add3A_1263 = arith.addf %broadcast_in_dim3A_1252, %mul3A_1262 : vector<16xf32>
        %mul3A_1264 = arith.mulf %sub3A_1239, %sub3A_1242 : vector<16xf32>
        %mul3A_1265 = arith.mulf %mul3A_1264, %sub3A_1245 : vector<16xf32>
        %mul3A_1266 = arith.mulf %mul3A_1265, %sub3A_59 : vector<16xf32>
        %get3A_1267 = arith.constant 16 : index
        %get3A_1268 = tpu.vector_load %arg12[%get3A_1267] {strides = array<i32>} : memref<1024xf32, #tpu.memory_space<vmem>>, vector<16xf32>,
        %get3A_1269 = arith.constant 16 : index
        %get3A_1270 = tpu.vector_load %arg13[%get3A_1269] {strides = array<i32>} : memref<1024xf32, #tpu.memory_space<vmem>>, vector<16xf32>,
        %mul3A_1271 = arith.mulf %mul3A_1266, %get3A_1268 : vector<16xf32>
        %add3A_1272 = arith.addf %add3A_1261, %mul3A_1271 : vector<16xf32>
        %mul3A_1273 = arith.mulf %mul3A_1266, %get3A_1270 : vector<16xf32>
        %add3A_1274 = arith.addf %add3A_1263, %mul3A_1273 : vector<16xf32>
        %mul3A_1275 = arith.mulf %sub3A_1239, %sub3A_1242 : vector<16xf32>
        %mul3A_1276 = arith.mulf %mul3A_1275, %sub3A_57 : vector<16xf32>
        %mul3A_1277 = arith.mulf %mul3A_1276, %sub3A_1248 : vector<16xf32>
        %get3A_1278 = arith.constant 32 : index
        %get3A_1279 = tpu.vector_load %arg12[%get3A_1278] {strides = array<i32>} : memref<1024xf32, #tpu.memory_space<vmem>>, vector<16xf32>,
        %get3A_1280 = arith.constant 32 : index
        %get3A_1281 = tpu.vector_load %arg13[%get3A_1280] {strides = array<i32>} : memref<1024xf32, #tpu.memory_space<vmem>>, vector<16xf32>,
        %mul3A_1282 = arith.mulf %mul3A_1277, %get3A_1279 : vector<16xf32>
        %add3A_1283 = arith.addf %add3A_1272, %mul3A_1282 : vector<16xf32>
        %mul3A_1284 = arith.mulf %mul3A_1277, %get3A_1281 : vector<16xf32>
        %add3A_1285 = arith.addf %add3A_1274, %mul3A_1284 : vector<16xf32>
        %mul3A_1286 = arith.mulf %sub3A_1239, %sub3A_1242 : vector<16xf32>
        %mul3A_1287 = arith.mulf %mul3A_1286, %sub3A_57 : vector<16xf32>
        %mul3A_1288 = arith.mulf %mul3A_1287, %sub3A_59 : vector<16xf32>
        %get3A_1289 = arith.constant 48 : index
        %get3A_1290 = tpu.vector_load %arg12[%get3A_1289] {strides = array<i32>} : memref<1024xf32, #tpu.memory_space<vmem>>, vector<16xf32>,
        %get3A_1291 = arith.constant 48 : index
        %get3A_1292 = tpu.vector_load %arg13[%get3A_1291] {strides = array<i32>} : memref<1024xf32, #tpu.memory_space<vmem>>, vector<16xf32>,
        %mul3A_1293 = arith.mulf %mul3A_1288, %get3A_1290 : vector<16xf32>
        %add3A_1294 = arith.addf %add3A_1283, %mul3A_1293 : vector<16xf32>
        %mul3A_1295 = arith.mulf %mul3A_1288, %get3A_1292 : vector<16xf32>
        %add3A_1296 = arith.addf %add3A_1285, %mul3A_1295 : vector<16xf32>
        %mul3A_1297 = arith.mulf %sub3A_1239, %sub3A_55 : vector<16xf32>
        %mul3A_1298 = arith.mulf %mul3A_1297, %sub3A_1245 : vector<16xf32>
        %mul3A_1299 = arith.mulf %mul3A_1298, %sub3A_1248 : vector<16xf32>
        %get3A_1300 = arith.constant 64 : index
        %get3A_1301 = tpu.vector_load %arg12[%get3A_1300] {strides = array<i32>} : memref<1024xf32, #tpu.memory_space<vmem>>, vector<16xf32>,
        %get3A_1302 = arith.constant 64 : index
        %get3A_1303 = tpu.vector_load %arg13[%get3A_1302] {strides = array<i32>} : memref<1024xf32, #tpu.memory_space<vmem>>, vector<16xf32>,
        %mul3A_1304 = arith.mulf %mul3A_1299, %get3A_1301 : vector<16xf32>
        %add3A_1305 = arith.addf %add3A_1294, %mul3A_1304 : vector<16xf32>
        %mul3A_1306 = arith.mulf %mul3A_1299, %get3A_1303 : vector<16xf32>
        %add3A_1307 = arith.addf %add3A_1296, %mul3A_1306 : vector<16xf32>
        %mul3A_1308 = arith.mulf %sub3A_1239, %sub3A_55 : vector<16xf32>
        %mul3A_1309 = arith.mulf %mul3A_1308, %sub3A_1245 : vector<16xf32>
        %mul3A_1310 = arith.mulf %mul3A_1309, %sub3A_59 : vector<16xf32>
        %get3A_1311 = arith.constant 80 : index
        %get3A_1312 = tpu.vector_load %arg12[%get3A_1311] {strides = array<i32>} : memref<1024xf32, #tpu.memory_space<vmem>>, vector<16xf32>,
        %get3A_1313 = arith.constant 80 : index
        %get3A_1314 = tpu.vector_load %arg13[%get3A_1313] {strides = array<i32>} : memref<1024xf32, #tpu.memory_space<vmem>>, vector<16xf32>,
        %mul3A_1315 = arith.mulf %mul3A_1310, %get3A_1312 : vector<16xf32>
        %add3A_1316 = arith.addf %add3A_1305, %mul3A_1315 : vector<16xf32>
        %mul3A_1317 = arith.mulf %mul3A_1310, %get3A_1314 : vector<16xf32>
        %add3A_1318 = arith.addf %add3A_1307, %mul3A_1317 : vector<16xf32>
        %mul3A_1319 = arith.mulf %sub3A_1239, %sub3A_55 : vector<16xf32>
        %mul3A_1320 = arith.mulf %mul3A_1319, %sub3A_57 : vector<16xf32>
        %mul3A_1321 = arith.mulf %mul3A_1320, %sub3A_1248 : vector<16xf32>
        %get3A_1322 = arith.constant 96 : index
        %get3A_1323 = tpu.vector_load %arg12[%get3A_1322] {strides = array<i32>} : memref<1024xf32, #tpu.memory_space<vmem>>, vector<16xf32>,
        %get3A_1324 = arith.constant 96 : index
        %get3A_1325 = tpu.vector_load %arg13[%get3A_1324] {strides = array<i32>} : memref<1024xf32, #tpu.memory_space<vmem>>, vector<16xf32>,
        %mul3A_1326 = arith.mulf %mul3A_1321, %get3A_1323 : vector<16xf32>
        %add3A_1327 = arith.addf %add3A_1316, %mul3A_1326 : vector<16xf32>
        %mul3A_1328 = arith.mulf %mul3A_1321, %get3A_1325 : vector<16xf32>
        %add3A_1329 = arith.addf %add3A_1318, %mul3A_1328 : vector<16xf32>
        %mul3A_1330 = arith.mulf %sub3A_1239, %sub3A_55 : vector<16xf32>
        %mul3A_1331 = arith.mulf %mul3A_1330, %sub3A_57 : vector<16xf32>
        %mul3A_1332 = arith.mulf %mul3A_1331, %sub3A_59 : vector<16xf32>
        %get3A_1333 = arith.constant 112 : index
        %get3A_1334 = tpu.vector_load %arg12[%get3A_1333] {strides = array<i32>} : memref<1024xf32, #tpu.memory_space<vmem>>, vector<16xf32>,
        %get3A_1335 = arith.constant 112 : index
        %get3A_1336 = tpu.vector_load %arg13[%get3A_1335] {strides = array<i32>} : memref<1024xf32, #tpu.memory_space<vmem>>, vector<16xf32>,
        %mul3A_1337 = arith.mulf %mul3A_1332, %get3A_1334 : vector<16xf32>
        %add3A_1338 = arith.addf %add3A_1327, %mul3A_1337 : vector<16xf32>
        %mul3A_1339 = arith.mulf %mul3A_1332, %get3A_1336 : vector<16xf32>
        %add3A_1340 = arith.addf %add3A_1329, %mul3A_1339 : vector<16xf32>
        %mul3A_1341 = arith.mulf %sub3A, %sub3A_1242 : vector<16xf32>
        %mul3A_1342 = arith.mulf %mul3A_1341, %sub3A_1245 : vector<16xf32>
        %mul3A_1343 = arith.mulf %mul3A_1342, %sub3A_1248 : vector<16xf32>
        %get3A_1344 = arith.constant 128 : index
        %get3A_1345 = tpu.vector_load %arg12[%get3A_1344] {strides = array<i32>} : memref<1024xf32, #tpu.memory_space<vmem>>, vector<16xf32>,
        %get3A_1346 = arith.constant 128 : index
        %get3A_1347 = tpu.vector_load %arg13[%get3A_1346] {strides = array<i32>} : memref<1024xf32, #tpu.memory_space<vmem>>, vector<16xf32>,
        %mul3A_1348 = arith.mulf %mul3A_1343, %get3A_1345 : vector<16xf32>
        %add3A_1349 = arith.addf %add3A_1338, %mul3A_1348 : vector<16xf32>
        %mul3A_1350 = arith.mulf %mul3A_1343, %get3A_1347 : vector<16xf32>
        %add3A_1351 = arith.addf %add3A_1340, %mul3A_1350 : vector<16xf32>
        %mul3A_1352 = arith.mulf %sub3A, %sub3A_1242 : vector<16xf32>
        %mul3A_1353 = arith.mulf %mul3A_1352, %sub3A_1245 : vector<16xf32>
        %mul3A_1354 = arith.mulf %mul3A_1353, %sub3A_59 : vector<16xf32>
        %get3A_1355 = arith.constant 144 : index
        %get3A_1356 = tpu.vector_load %arg12[%get3A_1355] {strides = array<i32>} : memref<1024xf32, #tpu.memory_space<vmem>>, vector<16xf32>,
        %get3A_1357 = arith.constant 144 : index
        %get3A_1358 = tpu.vector_load %arg13[%get3A_1357] {strides = array<i32>} : memref<1024xf32, #tpu.memory_space<vmem>>, vector<16xf32>,
        %mul3A_1359 = arith.mulf %mul3A_1354, %get3A_1356 : vector<16xf32>
        %add3A_1360 = arith.addf %add3A_1349, %mul3A_1359 : vector<16xf32>
        %mul3A_1361 = arith.mulf %mul3A_1354, %get3A_1358 : vector<16xf32>
        %add3A_1362 = arith.addf %add3A_1351, %mul3A_1361 : vector<16xf32>
        %mul3A_1363 = arith.mulf %sub3A, %sub3A_1242 : vector<16xf32>
        %mul3A_1364 = arith.mulf %mul3A_1363, %sub3A_57 : vector<16xf32>
        %mul3A_1365 = arith.mulf %mul3A_1364, %sub3A_1248 : vector<16xf32>
        %get3A_1366 = arith.constant 160 : index
        %get3A_1367 = tpu.vector_load %arg12[%get3A_1366] {strides = array<i32>} : memref<1024xf32, #tpu.memory_space<vmem>>, vector<16xf32>,
        %get3A_1368 = arith.constant 160 : index
        %get3A_1369 = tpu.vector_load %arg13[%get3A_1368] {strides = array<i32>} : memref<1024xf32, #tpu.memory_space<vmem>>, vector<16xf32>,
        %mul3A_1370 = arith.mulf %mul3A_1365, %get3A_1367 : vector<16xf32>
        %add3A_1371 = arith.addf %add3A_1360, %mul3A_1370 : vector<16xf32>
        %mul3A_1372 = arith.mulf %mul3A_1365, %get3A_1369 : vector<16xf32>
        %add3A_1373 = arith.addf %add3A_1362, %mul3A_1372 : vector<16xf32>
        %mul3A_1374 = arith.mulf %sub3A, %sub3A_1242 : vector<16xf32>
        %mul3A_1375 = arith.mulf %mul3A_1374, %sub3A_57 : vector<16xf32>
        %mul3A_1376 = arith.mulf %mul3A_1375, %sub3A_59 : vector<16xf32>
        %get3A_1377 = arith.constant 176 : index
        %get3A_1378 = tpu.vector_load %arg12[%get3A_1377] {strides = array<i32>} : memref<1024xf32, #tpu.memory_space<vmem>>, vector<16xf32>,
        %get3A_1379 = arith.constant 176 : index
        %get3A_1380 = tpu.vector_load %arg13[%get3A_1379] {strides = array<i32>} : memref<1024xf32, #tpu.memory_space<vmem>>, vector<16xf32>,
        %mul3A_1381 = arith.mulf %mul3A_1376, %get3A_1378 : vector<16xf32>
        %add3A_1382 = arith.addf %add3A_1371, %mul3A_1381 : vector<16xf32>
        %mul3A_1383 = arith.mulf %mul3A_1376, %get3A_1380 : vector<16xf32>
        %add3A_1384 = arith.addf %add3A_1373, %mul3A_1383 : vector<16xf32>
        %mul3A_1385 = arith.mulf %sub3A, %sub3A_55 : vector<16xf32>
        %mul3A_1386 = arith.mulf %mul3A_1385, %sub3A_1245 : vector<16xf32>
        %mul3A_1387 = arith.mulf %mul3A_1386, %sub3A_1248 : vector<16xf32>
        %get3A_1388 = arith.constant 192 : index
        %get3A_1389 = tpu.vector_load %arg12[%get3A_1388] {strides = array<i32>} : memref<1024xf32, #tpu.memory_space<vmem>>, vector<16xf32>,
        %get3A_1390 = arith.constant 192 : index
        %get3A_1391 = tpu.vector_load %arg13[%get3A_1390] {strides = array<i32>} : memref<1024xf32, #tpu.memory_space<vmem>>, vector<16xf32>,
        %mul3A_1392 = arith.mulf %mul3A_1387, %get3A_1389 : vector<16xf32>
        %add3A_1393 = arith.addf %add3A_1382, %mul3A_1392 : vector<16xf32>
        %mul3A_1394 = arith.mulf %mul3A_1387, %get3A_1391 : vector<16xf32>
        %add3A_1395 = arith.addf %add3A_1384, %mul3A_1394 : vector<16xf32>
        %mul3A_1396 = arith.mulf %sub3A, %sub3A_55 : vector<16xf32>
        %mul3A_1397 = arith.mulf %mul3A_1396, %sub3A_1245 : vector<16xf32>
        %mul3A_1398 = arith.mulf %mul3A_1397, %sub3A_59 : vector<16xf32>
        %get3A_1399 = arith.constant 208 : index
        %get3A_1400 = tpu.vector_load %arg12[%get3A_1399] {strides = array<i32>} : memref<1024xf32, #tpu.memory_space<vmem>>, vector<16xf32>,
        %get3A_1401 = arith.constant 208 : index
        %get3A_1402 = tpu.vector_load %arg13[%get3A_1401] {strides = array<i32>} : memref<1024xf32, #tpu.memory_space<vmem>>, vector<16xf32>,
        %mul3A_1403 = arith.mulf %mul3A_1398, %get3A_1400 : vector<16xf32>
        %add3A_1404 = arith.addf %add3A_1393, %mul3A_1403 : vector<16xf32>
        %mul3A_1405 = arith.mulf %mul3A_1398, %get3A_1402 : vector<16xf32>
        %add3A_1406 = arith.addf %add3A_1395, %mul3A_1405 : vector<16xf32>
        %mul3A_1407 = arith.mulf %sub3A, %sub3A_55 : vector<16xf32>
        %mul3A_1408 = arith.mulf %mul3A_1407, %sub3A_57 : vector<16xf32>
        %mul3A_1409 = arith.mulf %mul3A_1408, %sub3A_1248 : vector<16xf32>
        %get3A_1410 = arith.constant 224 : index
        %get3A_1411 = tpu.vector_load %arg12[%get3A_1410] {strides = array<i32>} : memref<1024xf32, #tpu.memory_space<vmem>>, vector<16xf32>,
        %get3A_1412 = arith.constant 224 : index
        %get3A_1413 = tpu.vector_load %arg13[%get3A_1412] {strides = array<i32>} : memref<1024xf32, #tpu.memory_space<vmem>>, vector<16xf32>,
        %mul3A_1414 = arith.mulf %mul3A_1409, %get3A_1411 : vector<16xf32>
        %add3A_1415 = arith.addf %add3A_1404, %mul3A_1414 : vector<16xf32>
        %mul3A_1416 = arith.mulf %mul3A_1409, %get3A_1413 : vector<16xf32>
        %add3A_1417 = arith.addf %add3A_1406, %mul3A_1416 : vector<16xf32>
        %mul3A_1418 = arith.mulf %sub3A, %sub3A_55 : vector<16xf32>
        %mul3A_1419 = arith.mulf %mul3A_1418, %sub3A_57 : vector<16xf32>
        %mul3A_1420 = arith.mulf %mul3A_1419, %sub3A_59 : vector<16xf32>
        %get3A_1421 = arith.constant 240 : index
        %get3A_1422 = tpu.vector_load %arg12[%get3A_1421] {strides = array<i32>} : memref<1024xf32, #tpu.memory_space<vmem>>, vector<16xf32>,
        %get3A_1423 = arith.constant 240 : index
        %get3A_1424 = tpu.vector_load %arg13[%get3A_1423] {strides = array<i32>} : memref<1024xf32, #tpu.memory_space<vmem>>, vector<16xf32>,
        %mul3A_1425 = arith.mulf %mul3A_1420, %get3A_1422 : vector<16xf32>
        %add3A_1426 = arith.addf %add3A_1415, %mul3A_1425 : vector<16xf32>
        %mul3A_1427 = arith.mulf %mul3A_1420, %get3A_1424 : vector<16xf32>
        %add3A_1428 = arith.addf %add3A_1417, %mul3A_1427 : vector<16xf32>
        %add3A_1429 = arith.constant 0 : i32
        %add3A_1430 = vector.broadcast %add3A_1429 : i32 to vector<16xi32>
        %add3A_1431 = arith.addi %iota3A, %add3A_1430 : vector<16xi32>
        %mul3A_1432 = arith.constant 64 : i32
        %mul3A_1433 = vector.broadcast %mul3A_1432 : i32 to vector<16xi32>
        %mul3A_1434 = arith.muli %add3A_1431, %mul3A_1433 : vector<16xi32>
        %add3A_1435 = arith.addi %mul3A_1434, %broadcast_in_dim3A_1233 : vector<16xi32>
        tpu.vector_store_idx %arg17[%add3A_1435], %add3A_1426 : memref<4096xf32, #tpu.memory_space<vmem>>[vector<16xi32>], vector<16xf32>,
        %add3A_1436 = arith.addi %mul3A_1434, %add3A_1236 : vector<16xi32>
        tpu.vector_store_idx %arg17[%add3A_1436], %add3A_1428 : memref<4096xf32, #tpu.memory_space<vmem>>[vector<16xi32>], vector<16xf32>,
        %sub3A_1437 = arith.constant 1.000000e+00 : f32
        %sub3A_1438 = vector.broadcast %sub3A_1437 : f32 to vector<16xf32>
        %sub3A_1439 = arith.subf %sub3A_1438, %sub3A_240 : vector<16xf32>
        %sub3A_1440 = arith.constant 1.000000e+00 : f32
        %sub3A_1441 = vector.broadcast %sub3A_1440 : f32 to vector<16xf32>
        %sub3A_1442 = arith.subf %sub3A_1441, %sub3A_242 : vector<16xf32>
        %sub3A_1443 = arith.constant 1.000000e+00 : f32
        %sub3A_1444 = vector.broadcast %sub3A_1443 : f32 to vector<16xf32>
        %sub3A_1445 = arith.subf %sub3A_1444, %sub3A_244 : vector<16xf32>
        %sub3A_1446 = arith.constant 1.000000e+00 : f32
        %sub3A_1447 = vector.broadcast %sub3A_1446 : f32 to vector<16xf32>
        %sub3A_1448 = arith.subf %sub3A_1447, %sub3A_246 : vector<16xf32>
        %broadcast_in_dim3A_1449 = arith.constant 0.000000e+00 : f32
        %broadcast_in_dim3A_1450 = vector.broadcast %broadcast_in_dim3A_1449 : f32 to vector<16xf32>
        %broadcast_in_dim3A_1451 = arith.constant 0.000000e+00 : f32
        %broadcast_in_dim3A_1452 = vector.broadcast %broadcast_in_dim3A_1451 : f32 to vector<16xf32>
        %mul3A_1453 = arith.mulf %sub3A_1439, %sub3A_1442 : vector<16xf32>
        %mul3A_1454 = arith.mulf %mul3A_1453, %sub3A_1445 : vector<16xf32>
        %mul3A_1455 = arith.mulf %mul3A_1454, %sub3A_1448 : vector<16xf32>
        %get3A_1456 = arith.constant 256 : index
        %get3A_1457 = tpu.vector_load %arg12[%get3A_1456] {strides = array<i32>} : memref<1024xf32, #tpu.memory_space<vmem>>, vector<16xf32>,
        %get3A_1458 = arith.constant 256 : index
        %get3A_1459 = tpu.vector_load %arg13[%get3A_1458] {strides = array<i32>} : memref<1024xf32, #tpu.memory_space<vmem>>, vector<16xf32>,
        %mul3A_1460 = arith.mulf %mul3A_1455, %get3A_1457 : vector<16xf32>
        %add3A_1461 = arith.addf %broadcast_in_dim3A_1450, %mul3A_1460 : vector<16xf32>
        %mul3A_1462 = arith.mulf %mul3A_1455, %get3A_1459 : vector<16xf32>
        %add3A_1463 = arith.addf %broadcast_in_dim3A_1452, %mul3A_1462 : vector<16xf32>
        %mul3A_1464 = arith.mulf %sub3A_1439, %sub3A_1442 : vector<16xf32>
        %mul3A_1465 = arith.mulf %mul3A_1464, %sub3A_1445 : vector<16xf32>
        %mul3A_1466 = arith.mulf %mul3A_1465, %sub3A_246 : vector<16xf32>
        %get3A_1467 = arith.constant 272 : index
        %get3A_1468 = tpu.vector_load %arg12[%get3A_1467] {strides = array<i32>} : memref<1024xf32, #tpu.memory_space<vmem>>, vector<16xf32>,
        %get3A_1469 = arith.constant 272 : index
        %get3A_1470 = tpu.vector_load %arg13[%get3A_1469] {strides = array<i32>} : memref<1024xf32, #tpu.memory_space<vmem>>, vector<16xf32>,
        %mul3A_1471 = arith.mulf %mul3A_1466, %get3A_1468 : vector<16xf32>
        %add3A_1472 = arith.addf %add3A_1461, %mul3A_1471 : vector<16xf32>
        %mul3A_1473 = arith.mulf %mul3A_1466, %get3A_1470 : vector<16xf32>
        %add3A_1474 = arith.addf %add3A_1463, %mul3A_1473 : vector<16xf32>
        %mul3A_1475 = arith.mulf %sub3A_1439, %sub3A_1442 : vector<16xf32>
        %mul3A_1476 = arith.mulf %mul3A_1475, %sub3A_244 : vector<16xf32>
        %mul3A_1477 = arith.mulf %mul3A_1476, %sub3A_1448 : vector<16xf32>
        %get3A_1478 = arith.constant 288 : index
        %get3A_1479 = tpu.vector_load %arg12[%get3A_1478] {strides = array<i32>} : memref<1024xf32, #tpu.memory_space<vmem>>, vector<16xf32>,
        %get3A_1480 = arith.constant 288 : index
        %get3A_1481 = tpu.vector_load %arg13[%get3A_1480] {strides = array<i32>} : memref<1024xf32, #tpu.memory_space<vmem>>, vector<16xf32>,
        %mul3A_1482 = arith.mulf %mul3A_1477, %get3A_1479 : vector<16xf32>
        %add3A_1483 = arith.addf %add3A_1472, %mul3A_1482 : vector<16xf32>
        %mul3A_1484 = arith.mulf %mul3A_1477, %get3A_1481 : vector<16xf32>
        %add3A_1485 = arith.addf %add3A_1474, %mul3A_1484 : vector<16xf32>
        %mul3A_1486 = arith.mulf %sub3A_1439, %sub3A_1442 : vector<16xf32>
        %mul3A_1487 = arith.mulf %mul3A_1486, %sub3A_244 : vector<16xf32>
        %mul3A_1488 = arith.mulf %mul3A_1487, %sub3A_246 : vector<16xf32>
        %get3A_1489 = arith.constant 304 : index
        %get3A_1490 = tpu.vector_load %arg12[%get3A_1489] {strides = array<i32>} : memref<1024xf32, #tpu.memory_space<vmem>>, vector<16xf32>,
        %get3A_1491 = arith.constant 304 : index
        %get3A_1492 = tpu.vector_load %arg13[%get3A_1491] {strides = array<i32>} : memref<1024xf32, #tpu.memory_space<vmem>>, vector<16xf32>,
        %mul3A_1493 = arith.mulf %mul3A_1488, %get3A_1490 : vector<16xf32>
        %add3A_1494 = arith.addf %add3A_1483, %mul3A_1493 : vector<16xf32>
        %mul3A_1495 = arith.mulf %mul3A_1488, %get3A_1492 : vector<16xf32>
        %add3A_1496 = arith.addf %add3A_1485, %mul3A_1495 : vector<16xf32>
        %mul3A_1497 = arith.mulf %sub3A_1439, %sub3A_242 : vector<16xf32>
        %mul3A_1498 = arith.mulf %mul3A_1497, %sub3A_1445 : vector<16xf32>
        %mul3A_1499 = arith.mulf %mul3A_1498, %sub3A_1448 : vector<16xf32>
        %get3A_1500 = arith.constant 320 : index
        %get3A_1501 = tpu.vector_load %arg12[%get3A_1500] {strides = array<i32>} : memref<1024xf32, #tpu.memory_space<vmem>>, vector<16xf32>,
        %get3A_1502 = arith.constant 320 : index
        %get3A_1503 = tpu.vector_load %arg13[%get3A_1502] {strides = array<i32>} : memref<1024xf32, #tpu.memory_space<vmem>>, vector<16xf32>,
        %mul3A_1504 = arith.mulf %mul3A_1499, %get3A_1501 : vector<16xf32>
        %add3A_1505 = arith.addf %add3A_1494, %mul3A_1504 : vector<16xf32>
        %mul3A_1506 = arith.mulf %mul3A_1499, %get3A_1503 : vector<16xf32>
        %add3A_1507 = arith.addf %add3A_1496, %mul3A_1506 : vector<16xf32>
        %mul3A_1508 = arith.mulf %sub3A_1439, %sub3A_242 : vector<16xf32>
        %mul3A_1509 = arith.mulf %mul3A_1508, %sub3A_1445 : vector<16xf32>
        %mul3A_1510 = arith.mulf %mul3A_1509, %sub3A_246 : vector<16xf32>
        %get3A_1511 = arith.constant 336 : index
        %get3A_1512 = tpu.vector_load %arg12[%get3A_1511] {strides = array<i32>} : memref<1024xf32, #tpu.memory_space<vmem>>, vector<16xf32>,
        %get3A_1513 = arith.constant 336 : index
        %get3A_1514 = tpu.vector_load %arg13[%get3A_1513] {strides = array<i32>} : memref<1024xf32, #tpu.memory_space<vmem>>, vector<16xf32>,
        %mul3A_1515 = arith.mulf %mul3A_1510, %get3A_1512 : vector<16xf32>
        %add3A_1516 = arith.addf %add3A_1505, %mul3A_1515 : vector<16xf32>
        %mul3A_1517 = arith.mulf %mul3A_1510, %get3A_1514 : vector<16xf32>
        %add3A_1518 = arith.addf %add3A_1507, %mul3A_1517 : vector<16xf32>
        %mul3A_1519 = arith.mulf %sub3A_1439, %sub3A_242 : vector<16xf32>
        %mul3A_1520 = arith.mulf %mul3A_1519, %sub3A_244 : vector<16xf32>
        %mul3A_1521 = arith.mulf %mul3A_1520, %sub3A_1448 : vector<16xf32>
        %get3A_1522 = arith.constant 352 : index
        %get3A_1523 = tpu.vector_load %arg12[%get3A_1522] {strides = array<i32>} : memref<1024xf32, #tpu.memory_space<vmem>>, vector<16xf32>,
        %get3A_1524 = arith.constant 352 : index
        %get3A_1525 = tpu.vector_load %arg13[%get3A_1524] {strides = array<i32>} : memref<1024xf32, #tpu.memory_space<vmem>>, vector<16xf32>,
        %mul3A_1526 = arith.mulf %mul3A_1521, %get3A_1523 : vector<16xf32>
        %add3A_1527 = arith.addf %add3A_1516, %mul3A_1526 : vector<16xf32>
        %mul3A_1528 = arith.mulf %mul3A_1521, %get3A_1525 : vector<16xf32>
        %add3A_1529 = arith.addf %add3A_1518, %mul3A_1528 : vector<16xf32>
        %mul3A_1530 = arith.mulf %sub3A_1439, %sub3A_242 : vector<16xf32>
        %mul3A_1531 = arith.mulf %mul3A_1530, %sub3A_244 : vector<16xf32>
        %mul3A_1532 = arith.mulf %mul3A_1531, %sub3A_246 : vector<16xf32>
        %get3A_1533 = arith.constant 368 : index
        %get3A_1534 = tpu.vector_load %arg12[%get3A_1533] {strides = array<i32>} : memref<1024xf32, #tpu.memory_space<vmem>>, vector<16xf32>,
        %get3A_1535 = arith.constant 368 : index
        %get3A_1536 = tpu.vector_load %arg13[%get3A_1535] {strides = array<i32>} : memref<1024xf32, #tpu.memory_space<vmem>>, vector<16xf32>,
        %mul3A_1537 = arith.mulf %mul3A_1532, %get3A_1534 : vector<16xf32>
        %add3A_1538 = arith.addf %add3A_1527, %mul3A_1537 : vector<16xf32>
        %mul3A_1539 = arith.mulf %mul3A_1532, %get3A_1536 : vector<16xf32>
        %add3A_1540 = arith.addf %add3A_1529, %mul3A_1539 : vector<16xf32>
        %mul3A_1541 = arith.mulf %sub3A_240, %sub3A_1442 : vector<16xf32>
        %mul3A_1542 = arith.mulf %mul3A_1541, %sub3A_1445 : vector<16xf32>
        %mul3A_1543 = arith.mulf %mul3A_1542, %sub3A_1448 : vector<16xf32>
        %get3A_1544 = arith.constant 384 : index
        %get3A_1545 = tpu.vector_load %arg12[%get3A_1544] {strides = array<i32>} : memref<1024xf32, #tpu.memory_space<vmem>>, vector<16xf32>,
        %get3A_1546 = arith.constant 384 : index
        %get3A_1547 = tpu.vector_load %arg13[%get3A_1546] {strides = array<i32>} : memref<1024xf32, #tpu.memory_space<vmem>>, vector<16xf32>,
        %mul3A_1548 = arith.mulf %mul3A_1543, %get3A_1545 : vector<16xf32>
        %add3A_1549 = arith.addf %add3A_1538, %mul3A_1548 : vector<16xf32>
        %mul3A_1550 = arith.mulf %mul3A_1543, %get3A_1547 : vector<16xf32>
        %add3A_1551 = arith.addf %add3A_1540, %mul3A_1550 : vector<16xf32>
        %mul3A_1552 = arith.mulf %sub3A_240, %sub3A_1442 : vector<16xf32>
        %mul3A_1553 = arith.mulf %mul3A_1552, %sub3A_1445 : vector<16xf32>
        %mul3A_1554 = arith.mulf %mul3A_1553, %sub3A_246 : vector<16xf32>
        %get3A_1555 = arith.constant 400 : index
        %get3A_1556 = tpu.vector_load %arg12[%get3A_1555] {strides = array<i32>} : memref<1024xf32, #tpu.memory_space<vmem>>, vector<16xf32>,
        %get3A_1557 = arith.constant 400 : index
        %get3A_1558 = tpu.vector_load %arg13[%get3A_1557] {strides = array<i32>} : memref<1024xf32, #tpu.memory_space<vmem>>, vector<16xf32>,
        %mul3A_1559 = arith.mulf %mul3A_1554, %get3A_1556 : vector<16xf32>
        %add3A_1560 = arith.addf %add3A_1549, %mul3A_1559 : vector<16xf32>
        %mul3A_1561 = arith.mulf %mul3A_1554, %get3A_1558 : vector<16xf32>
        %add3A_1562 = arith.addf %add3A_1551, %mul3A_1561 : vector<16xf32>
        %mul3A_1563 = arith.mulf %sub3A_240, %sub3A_1442 : vector<16xf32>
        %mul3A_1564 = arith.mulf %mul3A_1563, %sub3A_244 : vector<16xf32>
        %mul3A_1565 = arith.mulf %mul3A_1564, %sub3A_1448 : vector<16xf32>
        %get3A_1566 = arith.constant 416 : index
        %get3A_1567 = tpu.vector_load %arg12[%get3A_1566] {strides = array<i32>} : memref<1024xf32, #tpu.memory_space<vmem>>, vector<16xf32>,
        %get3A_1568 = arith.constant 416 : index
        %get3A_1569 = tpu.vector_load %arg13[%get3A_1568] {strides = array<i32>} : memref<1024xf32, #tpu.memory_space<vmem>>, vector<16xf32>,
        %mul3A_1570 = arith.mulf %mul3A_1565, %get3A_1567 : vector<16xf32>
        %add3A_1571 = arith.addf %add3A_1560, %mul3A_1570 : vector<16xf32>
        %mul3A_1572 = arith.mulf %mul3A_1565, %get3A_1569 : vector<16xf32>
        %add3A_1573 = arith.addf %add3A_1562, %mul3A_1572 : vector<16xf32>
        %mul3A_1574 = arith.mulf %sub3A_240, %sub3A_1442 : vector<16xf32>
        %mul3A_1575 = arith.mulf %mul3A_1574, %sub3A_244 : vector<16xf32>
        %mul3A_1576 = arith.mulf %mul3A_1575, %sub3A_246 : vector<16xf32>
        %get3A_1577 = arith.constant 432 : index
        %get3A_1578 = tpu.vector_load %arg12[%get3A_1577] {strides = array<i32>} : memref<1024xf32, #tpu.memory_space<vmem>>, vector<16xf32>,
        %get3A_1579 = arith.constant 432 : index
        %get3A_1580 = tpu.vector_load %arg13[%get3A_1579] {strides = array<i32>} : memref<1024xf32, #tpu.memory_space<vmem>>, vector<16xf32>,
        %mul3A_1581 = arith.mulf %mul3A_1576, %get3A_1578 : vector<16xf32>
        %add3A_1582 = arith.addf %add3A_1571, %mul3A_1581 : vector<16xf32>
        %mul3A_1583 = arith.mulf %mul3A_1576, %get3A_1580 : vector<16xf32>
        %add3A_1584 = arith.addf %add3A_1573, %mul3A_1583 : vector<16xf32>
        %mul3A_1585 = arith.mulf %sub3A_240, %sub3A_242 : vector<16xf32>
        %mul3A_1586 = arith.mulf %mul3A_1585, %sub3A_1445 : vector<16xf32>
        %mul3A_1587 = arith.mulf %mul3A_1586, %sub3A_1448 : vector<16xf32>
        %get3A_1588 = arith.constant 448 : index
        %get3A_1589 = tpu.vector_load %arg12[%get3A_1588] {strides = array<i32>} : memref<1024xf32, #tpu.memory_space<vmem>>, vector<16xf32>,
        %get3A_1590 = arith.constant 448 : index
        %get3A_1591 = tpu.vector_load %arg13[%get3A_1590] {strides = array<i32>} : memref<1024xf32, #tpu.memory_space<vmem>>, vector<16xf32>,
        %mul3A_1592 = arith.mulf %mul3A_1587, %get3A_1589 : vector<16xf32>
        %add3A_1593 = arith.addf %add3A_1582, %mul3A_1592 : vector<16xf32>
        %mul3A_1594 = arith.mulf %mul3A_1587, %get3A_1591 : vector<16xf32>
        %add3A_1595 = arith.addf %add3A_1584, %mul3A_1594 : vector<16xf32>
        %mul3A_1596 = arith.mulf %sub3A_240, %sub3A_242 : vector<16xf32>
        %mul3A_1597 = arith.mulf %mul3A_1596, %sub3A_1445 : vector<16xf32>
        %mul3A_1598 = arith.mulf %mul3A_1597, %sub3A_246 : vector<16xf32>
        %get3A_1599 = arith.constant 464 : index
        %get3A_1600 = tpu.vector_load %arg12[%get3A_1599] {strides = array<i32>} : memref<1024xf32, #tpu.memory_space<vmem>>, vector<16xf32>,
        %get3A_1601 = arith.constant 464 : index
        %get3A_1602 = tpu.vector_load %arg13[%get3A_1601] {strides = array<i32>} : memref<1024xf32, #tpu.memory_space<vmem>>, vector<16xf32>,
        %mul3A_1603 = arith.mulf %mul3A_1598, %get3A_1600 : vector<16xf32>
        %add3A_1604 = arith.addf %add3A_1593, %mul3A_1603 : vector<16xf32>
        %mul3A_1605 = arith.mulf %mul3A_1598, %get3A_1602 : vector<16xf32>
        %add3A_1606 = arith.addf %add3A_1595, %mul3A_1605 : vector<16xf32>
        %mul3A_1607 = arith.mulf %sub3A_240, %sub3A_242 : vector<16xf32>
        %mul3A_1608 = arith.mulf %mul3A_1607, %sub3A_244 : vector<16xf32>
        %mul3A_1609 = arith.mulf %mul3A_1608, %sub3A_1448 : vector<16xf32>
        %get3A_1610 = arith.constant 480 : index
        %get3A_1611 = tpu.vector_load %arg12[%get3A_1610] {strides = array<i32>} : memref<1024xf32, #tpu.memory_space<vmem>>, vector<16xf32>,
        %get3A_1612 = arith.constant 480 : index
        %get3A_1613 = tpu.vector_load %arg13[%get3A_1612] {strides = array<i32>} : memref<1024xf32, #tpu.memory_space<vmem>>, vector<16xf32>,
        %mul3A_1614 = arith.mulf %mul3A_1609, %get3A_1611 : vector<16xf32>
        %add3A_1615 = arith.addf %add3A_1604, %mul3A_1614 : vector<16xf32>
        %mul3A_1616 = arith.mulf %mul3A_1609, %get3A_1613 : vector<16xf32>
        %add3A_1617 = arith.addf %add3A_1606, %mul3A_1616 : vector<16xf32>
        %mul3A_1618 = arith.mulf %sub3A_240, %sub3A_242 : vector<16xf32>
        %mul3A_1619 = arith.mulf %mul3A_1618, %sub3A_244 : vector<16xf32>
        %mul3A_1620 = arith.mulf %mul3A_1619, %sub3A_246 : vector<16xf32>
        %get3A_1621 = arith.constant 496 : index
        %get3A_1622 = tpu.vector_load %arg12[%get3A_1621] {strides = array<i32>} : memref<1024xf32, #tpu.memory_space<vmem>>, vector<16xf32>,
        %get3A_1623 = arith.constant 496 : index
        %get3A_1624 = tpu.vector_load %arg13[%get3A_1623] {strides = array<i32>} : memref<1024xf32, #tpu.memory_space<vmem>>, vector<16xf32>,
        %mul3A_1625 = arith.mulf %mul3A_1620, %get3A_1622 : vector<16xf32>
        %add3A_1626 = arith.addf %add3A_1615, %mul3A_1625 : vector<16xf32>
        %mul3A_1627 = arith.mulf %mul3A_1620, %get3A_1624 : vector<16xf32>
        %add3A_1628 = arith.addf %add3A_1617, %mul3A_1627 : vector<16xf32>
        %add3A_1629 = arith.constant 16 : i32
        %add3A_1630 = vector.broadcast %add3A_1629 : i32 to vector<16xi32>
        %add3A_1631 = arith.addi %iota3A, %add3A_1630 : vector<16xi32>
        %mul3A_1632 = arith.constant 64 : i32
        %mul3A_1633 = vector.broadcast %mul3A_1632 : i32 to vector<16xi32>
        %mul3A_1634 = arith.muli %add3A_1631, %mul3A_1633 : vector<16xi32>
        %add3A_1635 = arith.addi %mul3A_1634, %broadcast_in_dim3A_1233 : vector<16xi32>
        tpu.vector_store_idx %arg17[%add3A_1635], %add3A_1626 : memref<4096xf32, #tpu.memory_space<vmem>>[vector<16xi32>], vector<16xf32>,
        %add3A_1636 = arith.addi %mul3A_1634, %add3A_1236 : vector<16xi32>
        tpu.vector_store_idx %arg17[%add3A_1636], %add3A_1628 : memref<4096xf32, #tpu.memory_space<vmem>>[vector<16xi32>], vector<16xf32>,
        %sub3A_1637 = arith.constant 1.000000e+00 : f32
        %sub3A_1638 = vector.broadcast %sub3A_1637 : f32 to vector<16xf32>
        %sub3A_1639 = arith.subf %sub3A_1638, %sub3A_430 : vector<16xf32>
        %sub3A_1640 = arith.constant 1.000000e+00 : f32
        %sub3A_1641 = vector.broadcast %sub3A_1640 : f32 to vector<16xf32>
        %sub3A_1642 = arith.subf %sub3A_1641, %sub3A_432 : vector<16xf32>
        %sub3A_1643 = arith.constant 1.000000e+00 : f32
        %sub3A_1644 = vector.broadcast %sub3A_1643 : f32 to vector<16xf32>
        %sub3A_1645 = arith.subf %sub3A_1644, %sub3A_434 : vector<16xf32>
        %sub3A_1646 = arith.constant 1.000000e+00 : f32
        %sub3A_1647 = vector.broadcast %sub3A_1646 : f32 to vector<16xf32>
        %sub3A_1648 = arith.subf %sub3A_1647, %sub3A_436 : vector<16xf32>
        %broadcast_in_dim3A_1649 = arith.constant 0.000000e+00 : f32
        %broadcast_in_dim3A_1650 = vector.broadcast %broadcast_in_dim3A_1649 : f32 to vector<16xf32>
        %broadcast_in_dim3A_1651 = arith.constant 0.000000e+00 : f32
        %broadcast_in_dim3A_1652 = vector.broadcast %broadcast_in_dim3A_1651 : f32 to vector<16xf32>
        %mul3A_1653 = arith.mulf %sub3A_1639, %sub3A_1642 : vector<16xf32>
        %mul3A_1654 = arith.mulf %mul3A_1653, %sub3A_1645 : vector<16xf32>
        %mul3A_1655 = arith.mulf %mul3A_1654, %sub3A_1648 : vector<16xf32>
        %get3A_1656 = arith.constant 512 : index
        %get3A_1657 = tpu.vector_load %arg12[%get3A_1656] {strides = array<i32>} : memref<1024xf32, #tpu.memory_space<vmem>>, vector<16xf32>,
        %get3A_1658 = arith.constant 512 : index
        %get3A_1659 = tpu.vector_load %arg13[%get3A_1658] {strides = array<i32>} : memref<1024xf32, #tpu.memory_space<vmem>>, vector<16xf32>,
        %mul3A_1660 = arith.mulf %mul3A_1655, %get3A_1657 : vector<16xf32>
        %add3A_1661 = arith.addf %broadcast_in_dim3A_1650, %mul3A_1660 : vector<16xf32>
        %mul3A_1662 = arith.mulf %mul3A_1655, %get3A_1659 : vector<16xf32>
        %add3A_1663 = arith.addf %broadcast_in_dim3A_1652, %mul3A_1662 : vector<16xf32>
        %mul3A_1664 = arith.mulf %sub3A_1639, %sub3A_1642 : vector<16xf32>
        %mul3A_1665 = arith.mulf %mul3A_1664, %sub3A_1645 : vector<16xf32>
        %mul3A_1666 = arith.mulf %mul3A_1665, %sub3A_436 : vector<16xf32>
        %get3A_1667 = arith.constant 528 : index
        %get3A_1668 = tpu.vector_load %arg12[%get3A_1667] {strides = array<i32>} : memref<1024xf32, #tpu.memory_space<vmem>>, vector<16xf32>,
        %get3A_1669 = arith.constant 528 : index
        %get3A_1670 = tpu.vector_load %arg13[%get3A_1669] {strides = array<i32>} : memref<1024xf32, #tpu.memory_space<vmem>>, vector<16xf32>,
        %mul3A_1671 = arith.mulf %mul3A_1666, %get3A_1668 : vector<16xf32>
        %add3A_1672 = arith.addf %add3A_1661, %mul3A_1671 : vector<16xf32>
        %mul3A_1673 = arith.mulf %mul3A_1666, %get3A_1670 : vector<16xf32>
        %add3A_1674 = arith.addf %add3A_1663, %mul3A_1673 : vector<16xf32>
        %mul3A_1675 = arith.mulf %sub3A_1639, %sub3A_1642 : vector<16xf32>
        %mul3A_1676 = arith.mulf %mul3A_1675, %sub3A_434 : vector<16xf32>
        %mul3A_1677 = arith.mulf %mul3A_1676, %sub3A_1648 : vector<16xf32>
        %get3A_1678 = arith.constant 544 : index
        %get3A_1679 = tpu.vector_load %arg12[%get3A_1678] {strides = array<i32>} : memref<1024xf32, #tpu.memory_space<vmem>>, vector<16xf32>,
        %get3A_1680 = arith.constant 544 : index
        %get3A_1681 = tpu.vector_load %arg13[%get3A_1680] {strides = array<i32>} : memref<1024xf32, #tpu.memory_space<vmem>>, vector<16xf32>,
        %mul3A_1682 = arith.mulf %mul3A_1677, %get3A_1679 : vector<16xf32>
        %add3A_1683 = arith.addf %add3A_1672, %mul3A_1682 : vector<16xf32>
        %mul3A_1684 = arith.mulf %mul3A_1677, %get3A_1681 : vector<16xf32>
        %add3A_1685 = arith.addf %add3A_1674, %mul3A_1684 : vector<16xf32>
        %mul3A_1686 = arith.mulf %sub3A_1639, %sub3A_1642 : vector<16xf32>
        %mul3A_1687 = arith.mulf %mul3A_1686, %sub3A_434 : vector<16xf32>
        %mul3A_1688 = arith.mulf %mul3A_1687, %sub3A_436 : vector<16xf32>
        %get3A_1689 = arith.constant 560 : index
        %get3A_1690 = tpu.vector_load %arg12[%get3A_1689] {strides = array<i32>} : memref<1024xf32, #tpu.memory_space<vmem>>, vector<16xf32>,
        %get3A_1691 = arith.constant 560 : index
        %get3A_1692 = tpu.vector_load %arg13[%get3A_1691] {strides = array<i32>} : memref<1024xf32, #tpu.memory_space<vmem>>, vector<16xf32>,
        %mul3A_1693 = arith.mulf %mul3A_1688, %get3A_1690 : vector<16xf32>
        %add3A_1694 = arith.addf %add3A_1683, %mul3A_1693 : vector<16xf32>
        %mul3A_1695 = arith.mulf %mul3A_1688, %get3A_1692 : vector<16xf32>
        %add3A_1696 = arith.addf %add3A_1685, %mul3A_1695 : vector<16xf32>
        %mul3A_1697 = arith.mulf %sub3A_1639, %sub3A_432 : vector<16xf32>
        %mul3A_1698 = arith.mulf %mul3A_1697, %sub3A_1645 : vector<16xf32>
        %mul3A_1699 = arith.mulf %mul3A_1698, %sub3A_1648 : vector<16xf32>
        %get3A_1700 = arith.constant 576 : index
        %get3A_1701 = tpu.vector_load %arg12[%get3A_1700] {strides = array<i32>} : memref<1024xf32, #tpu.memory_space<vmem>>, vector<16xf32>,
        %get3A_1702 = arith.constant 576 : index
        %get3A_1703 = tpu.vector_load %arg13[%get3A_1702] {strides = array<i32>} : memref<1024xf32, #tpu.memory_space<vmem>>, vector<16xf32>,
        %mul3A_1704 = arith.mulf %mul3A_1699, %get3A_1701 : vector<16xf32>
        %add3A_1705 = arith.addf %add3A_1694, %mul3A_1704 : vector<16xf32>
        %mul3A_1706 = arith.mulf %mul3A_1699, %get3A_1703 : vector<16xf32>
        %add3A_1707 = arith.addf %add3A_1696, %mul3A_1706 : vector<16xf32>
        %mul3A_1708 = arith.mulf %sub3A_1639, %sub3A_432 : vector<16xf32>
        %mul3A_1709 = arith.mulf %mul3A_1708, %sub3A_1645 : vector<16xf32>
        %mul3A_1710 = arith.mulf %mul3A_1709, %sub3A_436 : vector<16xf32>
        %get3A_1711 = arith.constant 592 : index
        %get3A_1712 = tpu.vector_load %arg12[%get3A_1711] {strides = array<i32>} : memref<1024xf32, #tpu.memory_space<vmem>>, vector<16xf32>,
        %get3A_1713 = arith.constant 592 : index
        %get3A_1714 = tpu.vector_load %arg13[%get3A_1713] {strides = array<i32>} : memref<1024xf32, #tpu.memory_space<vmem>>, vector<16xf32>,
        %mul3A_1715 = arith.mulf %mul3A_1710, %get3A_1712 : vector<16xf32>
        %add3A_1716 = arith.addf %add3A_1705, %mul3A_1715 : vector<16xf32>
        %mul3A_1717 = arith.mulf %mul3A_1710, %get3A_1714 : vector<16xf32>
        %add3A_1718 = arith.addf %add3A_1707, %mul3A_1717 : vector<16xf32>
        %mul3A_1719 = arith.mulf %sub3A_1639, %sub3A_432 : vector<16xf32>
        %mul3A_1720 = arith.mulf %mul3A_1719, %sub3A_434 : vector<16xf32>
        %mul3A_1721 = arith.mulf %mul3A_1720, %sub3A_1648 : vector<16xf32>
        %get3A_1722 = arith.constant 608 : index
        %get3A_1723 = tpu.vector_load %arg12[%get3A_1722] {strides = array<i32>} : memref<1024xf32, #tpu.memory_space<vmem>>, vector<16xf32>,
        %get3A_1724 = arith.constant 608 : index
        %get3A_1725 = tpu.vector_load %arg13[%get3A_1724] {strides = array<i32>} : memref<1024xf32, #tpu.memory_space<vmem>>, vector<16xf32>,
        %mul3A_1726 = arith.mulf %mul3A_1721, %get3A_1723 : vector<16xf32>
        %add3A_1727 = arith.addf %add3A_1716, %mul3A_1726 : vector<16xf32>
        %mul3A_1728 = arith.mulf %mul3A_1721, %get3A_1725 : vector<16xf32>
        %add3A_1729 = arith.addf %add3A_1718, %mul3A_1728 : vector<16xf32>
        %mul3A_1730 = arith.mulf %sub3A_1639, %sub3A_432 : vector<16xf32>
        %mul3A_1731 = arith.mulf %mul3A_1730, %sub3A_434 : vector<16xf32>
        %mul3A_1732 = arith.mulf %mul3A_1731, %sub3A_436 : vector<16xf32>
        %get3A_1733 = arith.constant 624 : index
        %get3A_1734 = tpu.vector_load %arg12[%get3A_1733] {strides = array<i32>} : memref<1024xf32, #tpu.memory_space<vmem>>, vector<16xf32>,
        %get3A_1735 = arith.constant 624 : index
        %get3A_1736 = tpu.vector_load %arg13[%get3A_1735] {strides = array<i32>} : memref<1024xf32, #tpu.memory_space<vmem>>, vector<16xf32>,
        %mul3A_1737 = arith.mulf %mul3A_1732, %get3A_1734 : vector<16xf32>
        %add3A_1738 = arith.addf %add3A_1727, %mul3A_1737 : vector<16xf32>
        %mul3A_1739 = arith.mulf %mul3A_1732, %get3A_1736 : vector<16xf32>
        %add3A_1740 = arith.addf %add3A_1729, %mul3A_1739 : vector<16xf32>
        %mul3A_1741 = arith.mulf %sub3A_430, %sub3A_1642 : vector<16xf32>
        %mul3A_1742 = arith.mulf %mul3A_1741, %sub3A_1645 : vector<16xf32>
        %mul3A_1743 = arith.mulf %mul3A_1742, %sub3A_1648 : vector<16xf32>
        %get3A_1744 = arith.constant 640 : index
        %get3A_1745 = tpu.vector_load %arg12[%get3A_1744] {strides = array<i32>} : memref<1024xf32, #tpu.memory_space<vmem>>, vector<16xf32>,
        %get3A_1746 = arith.constant 640 : index
        %get3A_1747 = tpu.vector_load %arg13[%get3A_1746] {strides = array<i32>} : memref<1024xf32, #tpu.memory_space<vmem>>, vector<16xf32>,
        %mul3A_1748 = arith.mulf %mul3A_1743, %get3A_1745 : vector<16xf32>
        %add3A_1749 = arith.addf %add3A_1738, %mul3A_1748 : vector<16xf32>
        %mul3A_1750 = arith.mulf %mul3A_1743, %get3A_1747 : vector<16xf32>
        %add3A_1751 = arith.addf %add3A_1740, %mul3A_1750 : vector<16xf32>
        %mul3A_1752 = arith.mulf %sub3A_430, %sub3A_1642 : vector<16xf32>
        %mul3A_1753 = arith.mulf %mul3A_1752, %sub3A_1645 : vector<16xf32>
        %mul3A_1754 = arith.mulf %mul3A_1753, %sub3A_436 : vector<16xf32>
        %get3A_1755 = arith.constant 656 : index
        %get3A_1756 = tpu.vector_load %arg12[%get3A_1755] {strides = array<i32>} : memref<1024xf32, #tpu.memory_space<vmem>>, vector<16xf32>,
        %get3A_1757 = arith.constant 656 : index
        %get3A_1758 = tpu.vector_load %arg13[%get3A_1757] {strides = array<i32>} : memref<1024xf32, #tpu.memory_space<vmem>>, vector<16xf32>,
        %mul3A_1759 = arith.mulf %mul3A_1754, %get3A_1756 : vector<16xf32>
        %add3A_1760 = arith.addf %add3A_1749, %mul3A_1759 : vector<16xf32>
        %mul3A_1761 = arith.mulf %mul3A_1754, %get3A_1758 : vector<16xf32>
        %add3A_1762 = arith.addf %add3A_1751, %mul3A_1761 : vector<16xf32>
        %mul3A_1763 = arith.mulf %sub3A_430, %sub3A_1642 : vector<16xf32>
        %mul3A_1764 = arith.mulf %mul3A_1763, %sub3A_434 : vector<16xf32>
        %mul3A_1765 = arith.mulf %mul3A_1764, %sub3A_1648 : vector<16xf32>
        %get3A_1766 = arith.constant 672 : index
        %get3A_1767 = tpu.vector_load %arg12[%get3A_1766] {strides = array<i32>} : memref<1024xf32, #tpu.memory_space<vmem>>, vector<16xf32>,
        %get3A_1768 = arith.constant 672 : index
        %get3A_1769 = tpu.vector_load %arg13[%get3A_1768] {strides = array<i32>} : memref<1024xf32, #tpu.memory_space<vmem>>, vector<16xf32>,
        %mul3A_1770 = arith.mulf %mul3A_1765, %get3A_1767 : vector<16xf32>
        %add3A_1771 = arith.addf %add3A_1760, %mul3A_1770 : vector<16xf32>
        %mul3A_1772 = arith.mulf %mul3A_1765, %get3A_1769 : vector<16xf32>
        %add3A_1773 = arith.addf %add3A_1762, %mul3A_1772 : vector<16xf32>
        %mul3A_1774 = arith.mulf %sub3A_430, %sub3A_1642 : vector<16xf32>
        %mul3A_1775 = arith.mulf %mul3A_1774, %sub3A_434 : vector<16xf32>
        %mul3A_1776 = arith.mulf %mul3A_1775, %sub3A_436 : vector<16xf32>
        %get3A_1777 = arith.constant 688 : index
        %get3A_1778 = tpu.vector_load %arg12[%get3A_1777] {strides = array<i32>} : memref<1024xf32, #tpu.memory_space<vmem>>, vector<16xf32>,
        %get3A_1779 = arith.constant 688 : index
        %get3A_1780 = tpu.vector_load %arg13[%get3A_1779] {strides = array<i32>} : memref<1024xf32, #tpu.memory_space<vmem>>, vector<16xf32>,
        %mul3A_1781 = arith.mulf %mul3A_1776, %get3A_1778 : vector<16xf32>
        %add3A_1782 = arith.addf %add3A_1771, %mul3A_1781 : vector<16xf32>
        %mul3A_1783 = arith.mulf %mul3A_1776, %get3A_1780 : vector<16xf32>
        %add3A_1784 = arith.addf %add3A_1773, %mul3A_1783 : vector<16xf32>
        %mul3A_1785 = arith.mulf %sub3A_430, %sub3A_432 : vector<16xf32>
        %mul3A_1786 = arith.mulf %mul3A_1785, %sub3A_1645 : vector<16xf32>
        %mul3A_1787 = arith.mulf %mul3A_1786, %sub3A_1648 : vector<16xf32>
        %get3A_1788 = arith.constant 704 : index
        %get3A_1789 = tpu.vector_load %arg12[%get3A_1788] {strides = array<i32>} : memref<1024xf32, #tpu.memory_space<vmem>>, vector<16xf32>,
        %get3A_1790 = arith.constant 704 : index
        %get3A_1791 = tpu.vector_load %arg13[%get3A_1790] {strides = array<i32>} : memref<1024xf32, #tpu.memory_space<vmem>>, vector<16xf32>,
        %mul3A_1792 = arith.mulf %mul3A_1787, %get3A_1789 : vector<16xf32>
        %add3A_1793 = arith.addf %add3A_1782, %mul3A_1792 : vector<16xf32>
        %mul3A_1794 = arith.mulf %mul3A_1787, %get3A_1791 : vector<16xf32>
        %add3A_1795 = arith.addf %add3A_1784, %mul3A_1794 : vector<16xf32>
        %mul3A_1796 = arith.mulf %sub3A_430, %sub3A_432 : vector<16xf32>
        %mul3A_1797 = arith.mulf %mul3A_1796, %sub3A_1645 : vector<16xf32>
        %mul3A_1798 = arith.mulf %mul3A_1797, %sub3A_436 : vector<16xf32>
        %get3A_1799 = arith.constant 720 : index
        %get3A_1800 = tpu.vector_load %arg12[%get3A_1799] {strides = array<i32>} : memref<1024xf32, #tpu.memory_space<vmem>>, vector<16xf32>,
        %get3A_1801 = arith.constant 720 : index
        %get3A_1802 = tpu.vector_load %arg13[%get3A_1801] {strides = array<i32>} : memref<1024xf32, #tpu.memory_space<vmem>>, vector<16xf32>,
        %mul3A_1803 = arith.mulf %mul3A_1798, %get3A_1800 : vector<16xf32>
        %add3A_1804 = arith.addf %add3A_1793, %mul3A_1803 : vector<16xf32>
        %mul3A_1805 = arith.mulf %mul3A_1798, %get3A_1802 : vector<16xf32>
        %add3A_1806 = arith.addf %add3A_1795, %mul3A_1805 : vector<16xf32>
        %mul3A_1807 = arith.mulf %sub3A_430, %sub3A_432 : vector<16xf32>
        %mul3A_1808 = arith.mulf %mul3A_1807, %sub3A_434 : vector<16xf32>
        %mul3A_1809 = arith.mulf %mul3A_1808, %sub3A_1648 : vector<16xf32>
        %get3A_1810 = arith.constant 736 : index
        %get3A_1811 = tpu.vector_load %arg12[%get3A_1810] {strides = array<i32>} : memref<1024xf32, #tpu.memory_space<vmem>>, vector<16xf32>,
        %get3A_1812 = arith.constant 736 : index
        %get3A_1813 = tpu.vector_load %arg13[%get3A_1812] {strides = array<i32>} : memref<1024xf32, #tpu.memory_space<vmem>>, vector<16xf32>,
        %mul3A_1814 = arith.mulf %mul3A_1809, %get3A_1811 : vector<16xf32>
        %add3A_1815 = arith.addf %add3A_1804, %mul3A_1814 : vector<16xf32>
        %mul3A_1816 = arith.mulf %mul3A_1809, %get3A_1813 : vector<16xf32>
        %add3A_1817 = arith.addf %add3A_1806, %mul3A_1816 : vector<16xf32>
        %mul3A_1818 = arith.mulf %sub3A_430, %sub3A_432 : vector<16xf32>
        %mul3A_1819 = arith.mulf %mul3A_1818, %sub3A_434 : vector<16xf32>
        %mul3A_1820 = arith.mulf %mul3A_1819, %sub3A_436 : vector<16xf32>
        %get3A_1821 = arith.constant 752 : index
        %get3A_1822 = tpu.vector_load %arg12[%get3A_1821] {strides = array<i32>} : memref<1024xf32, #tpu.memory_space<vmem>>, vector<16xf32>,
        %get3A_1823 = arith.constant 752 : index
        %get3A_1824 = tpu.vector_load %arg13[%get3A_1823] {strides = array<i32>} : memref<1024xf32, #tpu.memory_space<vmem>>, vector<16xf32>,
        %mul3A_1825 = arith.mulf %mul3A_1820, %get3A_1822 : vector<16xf32>
        %add3A_1826 = arith.addf %add3A_1815, %mul3A_1825 : vector<16xf32>
        %mul3A_1827 = arith.mulf %mul3A_1820, %get3A_1824 : vector<16xf32>
        %add3A_1828 = arith.addf %add3A_1817, %mul3A_1827 : vector<16xf32>
        %add3A_1829 = arith.constant 32 : i32
        %add3A_1830 = vector.broadcast %add3A_1829 : i32 to vector<16xi32>
        %add3A_1831 = arith.addi %iota3A, %add3A_1830 : vector<16xi32>
        %mul3A_1832 = arith.constant 64 : i32
        %mul3A_1833 = vector.broadcast %mul3A_1832 : i32 to vector<16xi32>
        %mul3A_1834 = arith.muli %add3A_1831, %mul3A_1833 : vector<16xi32>
        %add3A_1835 = arith.addi %mul3A_1834, %broadcast_in_dim3A_1233 : vector<16xi32>
        tpu.vector_store_idx %arg17[%add3A_1835], %add3A_1826 : memref<4096xf32, #tpu.memory_space<vmem>>[vector<16xi32>], vector<16xf32>,
        %add3A_1836 = arith.addi %mul3A_1834, %add3A_1236 : vector<16xi32>
        tpu.vector_store_idx %arg17[%add3A_1836], %add3A_1828 : memref<4096xf32, #tpu.memory_space<vmem>>[vector<16xi32>], vector<16xf32>,
        %sub3A_1837 = arith.constant 1.000000e+00 : f32
        %sub3A_1838 = vector.broadcast %sub3A_1837 : f32 to vector<16xf32>
        %sub3A_1839 = arith.subf %sub3A_1838, %sub3A_620 : vector<16xf32>
        %sub3A_1840 = arith.constant 1.000000e+00 : f32
        %sub3A_1841 = vector.broadcast %sub3A_1840 : f32 to vector<16xf32>
        %sub3A_1842 = arith.subf %sub3A_1841, %sub3A_622 : vector<16xf32>
        %sub3A_1843 = arith.constant 1.000000e+00 : f32
        %sub3A_1844 = vector.broadcast %sub3A_1843 : f32 to vector<16xf32>
        %sub3A_1845 = arith.subf %sub3A_1844, %sub3A_624 : vector<16xf32>
        %sub3A_1846 = arith.constant 1.000000e+00 : f32
        %sub3A_1847 = vector.broadcast %sub3A_1846 : f32 to vector<16xf32>
        %sub3A_1848 = arith.subf %sub3A_1847, %sub3A_626 : vector<16xf32>
        %broadcast_in_dim3A_1849 = arith.constant 0.000000e+00 : f32
        %broadcast_in_dim3A_1850 = vector.broadcast %broadcast_in_dim3A_1849 : f32 to vector<16xf32>
        %broadcast_in_dim3A_1851 = arith.constant 0.000000e+00 : f32
        %broadcast_in_dim3A_1852 = vector.broadcast %broadcast_in_dim3A_1851 : f32 to vector<16xf32>
        %mul3A_1853 = arith.mulf %sub3A_1839, %sub3A_1842 : vector<16xf32>
        %mul3A_1854 = arith.mulf %mul3A_1853, %sub3A_1845 : vector<16xf32>
        %mul3A_1855 = arith.mulf %mul3A_1854, %sub3A_1848 : vector<16xf32>
        %get3A_1856 = arith.constant 768 : index
        %get3A_1857 = tpu.vector_load %arg12[%get3A_1856] {strides = array<i32>} : memref<1024xf32, #tpu.memory_space<vmem>>, vector<16xf32>,
        %get3A_1858 = arith.constant 768 : index
        %get3A_1859 = tpu.vector_load %arg13[%get3A_1858] {strides = array<i32>} : memref<1024xf32, #tpu.memory_space<vmem>>, vector<16xf32>,
        %mul3A_1860 = arith.mulf %mul3A_1855, %get3A_1857 : vector<16xf32>
        %add3A_1861 = arith.addf %broadcast_in_dim3A_1850, %mul3A_1860 : vector<16xf32>
        %mul3A_1862 = arith.mulf %mul3A_1855, %get3A_1859 : vector<16xf32>
        %add3A_1863 = arith.addf %broadcast_in_dim3A_1852, %mul3A_1862 : vector<16xf32>
        %mul3A_1864 = arith.mulf %sub3A_1839, %sub3A_1842 : vector<16xf32>
        %mul3A_1865 = arith.mulf %mul3A_1864, %sub3A_1845 : vector<16xf32>
        %mul3A_1866 = arith.mulf %mul3A_1865, %sub3A_626 : vector<16xf32>
        %get3A_1867 = arith.constant 784 : index
        %get3A_1868 = tpu.vector_load %arg12[%get3A_1867] {strides = array<i32>} : memref<1024xf32, #tpu.memory_space<vmem>>, vector<16xf32>,
        %get3A_1869 = arith.constant 784 : index
        %get3A_1870 = tpu.vector_load %arg13[%get3A_1869] {strides = array<i32>} : memref<1024xf32, #tpu.memory_space<vmem>>, vector<16xf32>,
        %mul3A_1871 = arith.mulf %mul3A_1866, %get3A_1868 : vector<16xf32>
        %add3A_1872 = arith.addf %add3A_1861, %mul3A_1871 : vector<16xf32>
        %mul3A_1873 = arith.mulf %mul3A_1866, %get3A_1870 : vector<16xf32>
        %add3A_1874 = arith.addf %add3A_1863, %mul3A_1873 : vector<16xf32>
        %mul3A_1875 = arith.mulf %sub3A_1839, %sub3A_1842 : vector<16xf32>
        %mul3A_1876 = arith.mulf %mul3A_1875, %sub3A_624 : vector<16xf32>
        %mul3A_1877 = arith.mulf %mul3A_1876, %sub3A_1848 : vector<16xf32>
        %get3A_1878 = arith.constant 800 : index
        %get3A_1879 = tpu.vector_load %arg12[%get3A_1878] {strides = array<i32>} : memref<1024xf32, #tpu.memory_space<vmem>>, vector<16xf32>,
        %get3A_1880 = arith.constant 800 : index
        %get3A_1881 = tpu.vector_load %arg13[%get3A_1880] {strides = array<i32>} : memref<1024xf32, #tpu.memory_space<vmem>>, vector<16xf32>,
        %mul3A_1882 = arith.mulf %mul3A_1877, %get3A_1879 : vector<16xf32>
        %add3A_1883 = arith.addf %add3A_1872, %mul3A_1882 : vector<16xf32>
        %mul3A_1884 = arith.mulf %mul3A_1877, %get3A_1881 : vector<16xf32>
        %add3A_1885 = arith.addf %add3A_1874, %mul3A_1884 : vector<16xf32>
        %mul3A_1886 = arith.mulf %sub3A_1839, %sub3A_1842 : vector<16xf32>
        %mul3A_1887 = arith.mulf %mul3A_1886, %sub3A_624 : vector<16xf32>
        %mul3A_1888 = arith.mulf %mul3A_1887, %sub3A_626 : vector<16xf32>
        %get3A_1889 = arith.constant 816 : index
        %get3A_1890 = tpu.vector_load %arg12[%get3A_1889] {strides = array<i32>} : memref<1024xf32, #tpu.memory_space<vmem>>, vector<16xf32>,
        %get3A_1891 = arith.constant 816 : index
        %get3A_1892 = tpu.vector_load %arg13[%get3A_1891] {strides = array<i32>} : memref<1024xf32, #tpu.memory_space<vmem>>, vector<16xf32>,
        %mul3A_1893 = arith.mulf %mul3A_1888, %get3A_1890 : vector<16xf32>
        %add3A_1894 = arith.addf %add3A_1883, %mul3A_1893 : vector<16xf32>
        %mul3A_1895 = arith.mulf %mul3A_1888, %get3A_1892 : vector<16xf32>
        %add3A_1896 = arith.addf %add3A_1885, %mul3A_1895 : vector<16xf32>
        %mul3A_1897 = arith.mulf %sub3A_1839, %sub3A_622 : vector<16xf32>
        %mul3A_1898 = arith.mulf %mul3A_1897, %sub3A_1845 : vector<16xf32>
        %mul3A_1899 = arith.mulf %mul3A_1898, %sub3A_1848 : vector<16xf32>
        %get3A_1900 = arith.constant 832 : index
        %get3A_1901 = tpu.vector_load %arg12[%get3A_1900] {strides = array<i32>} : memref<1024xf32, #tpu.memory_space<vmem>>, vector<16xf32>,
        %get3A_1902 = arith.constant 832 : index
        %get3A_1903 = tpu.vector_load %arg13[%get3A_1902] {strides = array<i32>} : memref<1024xf32, #tpu.memory_space<vmem>>, vector<16xf32>,
        %mul3A_1904 = arith.mulf %mul3A_1899, %get3A_1901 : vector<16xf32>
        %add3A_1905 = arith.addf %add3A_1894, %mul3A_1904 : vector<16xf32>
        %mul3A_1906 = arith.mulf %mul3A_1899, %get3A_1903 : vector<16xf32>
        %add3A_1907 = arith.addf %add3A_1896, %mul3A_1906 : vector<16xf32>
        %mul3A_1908 = arith.mulf %sub3A_1839, %sub3A_622 : vector<16xf32>
        %mul3A_1909 = arith.mulf %mul3A_1908, %sub3A_1845 : vector<16xf32>
        %mul3A_1910 = arith.mulf %mul3A_1909, %sub3A_626 : vector<16xf32>
        %get3A_1911 = arith.constant 848 : index
        %get3A_1912 = tpu.vector_load %arg12[%get3A_1911] {strides = array<i32>} : memref<1024xf32, #tpu.memory_space<vmem>>, vector<16xf32>,
        %get3A_1913 = arith.constant 848 : index
        %get3A_1914 = tpu.vector_load %arg13[%get3A_1913] {strides = array<i32>} : memref<1024xf32, #tpu.memory_space<vmem>>, vector<16xf32>,
        %mul3A_1915 = arith.mulf %mul3A_1910, %get3A_1912 : vector<16xf32>
        %add3A_1916 = arith.addf %add3A_1905, %mul3A_1915 : vector<16xf32>
        %mul3A_1917 = arith.mulf %mul3A_1910, %get3A_1914 : vector<16xf32>
        %add3A_1918 = arith.addf %add3A_1907, %mul3A_1917 : vector<16xf32>
        %mul3A_1919 = arith.mulf %sub3A_1839, %sub3A_622 : vector<16xf32>
        %mul3A_1920 = arith.mulf %mul3A_1919, %sub3A_624 : vector<16xf32>
        %mul3A_1921 = arith.mulf %mul3A_1920, %sub3A_1848 : vector<16xf32>
        %get3A_1922 = arith.constant 864 : index
        %get3A_1923 = tpu.vector_load %arg12[%get3A_1922] {strides = array<i32>} : memref<1024xf32, #tpu.memory_space<vmem>>, vector<16xf32>,
        %get3A_1924 = arith.constant 864 : index
        %get3A_1925 = tpu.vector_load %arg13[%get3A_1924] {strides = array<i32>} : memref<1024xf32, #tpu.memory_space<vmem>>, vector<16xf32>,
        %mul3A_1926 = arith.mulf %mul3A_1921, %get3A_1923 : vector<16xf32>
        %add3A_1927 = arith.addf %add3A_1916, %mul3A_1926 : vector<16xf32>
        %mul3A_1928 = arith.mulf %mul3A_1921, %get3A_1925 : vector<16xf32>
        %add3A_1929 = arith.addf %add3A_1918, %mul3A_1928 : vector<16xf32>
        %mul3A_1930 = arith.mulf %sub3A_1839, %sub3A_622 : vector<16xf32>
        %mul3A_1931 = arith.mulf %mul3A_1930, %sub3A_624 : vector<16xf32>
        %mul3A_1932 = arith.mulf %mul3A_1931, %sub3A_626 : vector<16xf32>
        %get3A_1933 = arith.constant 880 : index
        %get3A_1934 = tpu.vector_load %arg12[%get3A_1933] {strides = array<i32>} : memref<1024xf32, #tpu.memory_space<vmem>>, vector<16xf32>,
        %get3A_1935 = arith.constant 880 : index
        %get3A_1936 = tpu.vector_load %arg13[%get3A_1935] {strides = array<i32>} : memref<1024xf32, #tpu.memory_space<vmem>>, vector<16xf32>,
        %mul3A_1937 = arith.mulf %mul3A_1932, %get3A_1934 : vector<16xf32>
        %add3A_1938 = arith.addf %add3A_1927, %mul3A_1937 : vector<16xf32>
        %mul3A_1939 = arith.mulf %mul3A_1932, %get3A_1936 : vector<16xf32>
        %add3A_1940 = arith.addf %add3A_1929, %mul3A_1939 : vector<16xf32>
        %mul3A_1941 = arith.mulf %sub3A_620, %sub3A_1842 : vector<16xf32>
        %mul3A_1942 = arith.mulf %mul3A_1941, %sub3A_1845 : vector<16xf32>
        %mul3A_1943 = arith.mulf %mul3A_1942, %sub3A_1848 : vector<16xf32>
        %get3A_1944 = arith.constant 896 : index
        %get3A_1945 = tpu.vector_load %arg12[%get3A_1944] {strides = array<i32>} : memref<1024xf32, #tpu.memory_space<vmem>>, vector<16xf32>,
        %get3A_1946 = arith.constant 896 : index
        %get3A_1947 = tpu.vector_load %arg13[%get3A_1946] {strides = array<i32>} : memref<1024xf32, #tpu.memory_space<vmem>>, vector<16xf32>,
        %mul3A_1948 = arith.mulf %mul3A_1943, %get3A_1945 : vector<16xf32>
        %add3A_1949 = arith.addf %add3A_1938, %mul3A_1948 : vector<16xf32>
        %mul3A_1950 = arith.mulf %mul3A_1943, %get3A_1947 : vector<16xf32>
        %add3A_1951 = arith.addf %add3A_1940, %mul3A_1950 : vector<16xf32>
        %mul3A_1952 = arith.mulf %sub3A_620, %sub3A_1842 : vector<16xf32>
        %mul3A_1953 = arith.mulf %mul3A_1952, %sub3A_1845 : vector<16xf32>
        %mul3A_1954 = arith.mulf %mul3A_1953, %sub3A_626 : vector<16xf32>
        %get3A_1955 = arith.constant 912 : index
        %get3A_1956 = tpu.vector_load %arg12[%get3A_1955] {strides = array<i32>} : memref<1024xf32, #tpu.memory_space<vmem>>, vector<16xf32>,
        %get3A_1957 = arith.constant 912 : index
        %get3A_1958 = tpu.vector_load %arg13[%get3A_1957] {strides = array<i32>} : memref<1024xf32, #tpu.memory_space<vmem>>, vector<16xf32>,
        %mul3A_1959 = arith.mulf %mul3A_1954, %get3A_1956 : vector<16xf32>
        %add3A_1960 = arith.addf %add3A_1949, %mul3A_1959 : vector<16xf32>
        %mul3A_1961 = arith.mulf %mul3A_1954, %get3A_1958 : vector<16xf32>
        %add3A_1962 = arith.addf %add3A_1951, %mul3A_1961 : vector<16xf32>
        %mul3A_1963 = arith.mulf %sub3A_620, %sub3A_1842 : vector<16xf32>
        %mul3A_1964 = arith.mulf %mul3A_1963, %sub3A_624 : vector<16xf32>
        %mul3A_1965 = arith.mulf %mul3A_1964, %sub3A_1848 : vector<16xf32>
        %get3A_1966 = arith.constant 928 : index
        %get3A_1967 = tpu.vector_load %arg12[%get3A_1966] {strides = array<i32>} : memref<1024xf32, #tpu.memory_space<vmem>>, vector<16xf32>,
        %get3A_1968 = arith.constant 928 : index
        %get3A_1969 = tpu.vector_load %arg13[%get3A_1968] {strides = array<i32>} : memref<1024xf32, #tpu.memory_space<vmem>>, vector<16xf32>,
        %mul3A_1970 = arith.mulf %mul3A_1965, %get3A_1967 : vector<16xf32>
        %add3A_1971 = arith.addf %add3A_1960, %mul3A_1970 : vector<16xf32>
        %mul3A_1972 = arith.mulf %mul3A_1965, %get3A_1969 : vector<16xf32>
        %add3A_1973 = arith.addf %add3A_1962, %mul3A_1972 : vector<16xf32>
        %mul3A_1974 = arith.mulf %sub3A_620, %sub3A_1842 : vector<16xf32>
        %mul3A_1975 = arith.mulf %mul3A_1974, %sub3A_624 : vector<16xf32>
        %mul3A_1976 = arith.mulf %mul3A_1975, %sub3A_626 : vector<16xf32>
        %get3A_1977 = arith.constant 944 : index
        %get3A_1978 = tpu.vector_load %arg12[%get3A_1977] {strides = array<i32>} : memref<1024xf32, #tpu.memory_space<vmem>>, vector<16xf32>,
        %get3A_1979 = arith.constant 944 : index
        %get3A_1980 = tpu.vector_load %arg13[%get3A_1979] {strides = array<i32>} : memref<1024xf32, #tpu.memory_space<vmem>>, vector<16xf32>,
        %mul3A_1981 = arith.mulf %mul3A_1976, %get3A_1978 : vector<16xf32>
        %add3A_1982 = arith.addf %add3A_1971, %mul3A_1981 : vector<16xf32>
        %mul3A_1983 = arith.mulf %mul3A_1976, %get3A_1980 : vector<16xf32>
        %add3A_1984 = arith.addf %add3A_1973, %mul3A_1983 : vector<16xf32>
        %mul3A_1985 = arith.mulf %sub3A_620, %sub3A_622 : vector<16xf32>
        %mul3A_1986 = arith.mulf %mul3A_1985, %sub3A_1845 : vector<16xf32>
        %mul3A_1987 = arith.mulf %mul3A_1986, %sub3A_1848 : vector<16xf32>
        %get3A_1988 = arith.constant 960 : index
        %get3A_1989 = tpu.vector_load %arg12[%get3A_1988] {strides = array<i32>} : memref<1024xf32, #tpu.memory_space<vmem>>, vector<16xf32>,
        %get3A_1990 = arith.constant 960 : index
        %get3A_1991 = tpu.vector_load %arg13[%get3A_1990] {strides = array<i32>} : memref<1024xf32, #tpu.memory_space<vmem>>, vector<16xf32>,
        %mul3A_1992 = arith.mulf %mul3A_1987, %get3A_1989 : vector<16xf32>
        %add3A_1993 = arith.addf %add3A_1982, %mul3A_1992 : vector<16xf32>
        %mul3A_1994 = arith.mulf %mul3A_1987, %get3A_1991 : vector<16xf32>
        %add3A_1995 = arith.addf %add3A_1984, %mul3A_1994 : vector<16xf32>
        %mul3A_1996 = arith.mulf %sub3A_620, %sub3A_622 : vector<16xf32>
        %mul3A_1997 = arith.mulf %mul3A_1996, %sub3A_1845 : vector<16xf32>
        %mul3A_1998 = arith.mulf %mul3A_1997, %sub3A_626 : vector<16xf32>
        %get3A_1999 = arith.constant 976 : index
        %get3A_2000 = tpu.vector_load %arg12[%get3A_1999] {strides = array<i32>} : memref<1024xf32, #tpu.memory_space<vmem>>, vector<16xf32>,
        %get3A_2001 = arith.constant 976 : index
        %get3A_2002 = tpu.vector_load %arg13[%get3A_2001] {strides = array<i32>} : memref<1024xf32, #tpu.memory_space<vmem>>, vector<16xf32>,
        %mul3A_2003 = arith.mulf %mul3A_1998, %get3A_2000 : vector<16xf32>
        %add3A_2004 = arith.addf %add3A_1993, %mul3A_2003 : vector<16xf32>
        %mul3A_2005 = arith.mulf %mul3A_1998, %get3A_2002 : vector<16xf32>
        %add3A_2006 = arith.addf %add3A_1995, %mul3A_2005 : vector<16xf32>
        %mul3A_2007 = arith.mulf %sub3A_620, %sub3A_622 : vector<16xf32>
        %mul3A_2008 = arith.mulf %mul3A_2007, %sub3A_624 : vector<16xf32>
        %mul3A_2009 = arith.mulf %mul3A_2008, %sub3A_1848 : vector<16xf32>
        %get3A_2010 = arith.constant 992 : index
        %get3A_2011 = tpu.vector_load %arg12[%get3A_2010] {strides = array<i32>} : memref<1024xf32, #tpu.memory_space<vmem>>, vector<16xf32>,
        %get3A_2012 = arith.constant 992 : index
        %get3A_2013 = tpu.vector_load %arg13[%get3A_2012] {strides = array<i32>} : memref<1024xf32, #tpu.memory_space<vmem>>, vector<16xf32>,
        %mul3A_2014 = arith.mulf %mul3A_2009, %get3A_2011 : vector<16xf32>
        %add3A_2015 = arith.addf %add3A_2004, %mul3A_2014 : vector<16xf32>
        %mul3A_2016 = arith.mulf %mul3A_2009, %get3A_2013 : vector<16xf32>
        %add3A_2017 = arith.addf %add3A_2006, %mul3A_2016 : vector<16xf32>
        %mul3A_2018 = arith.mulf %sub3A_620, %sub3A_622 : vector<16xf32>
        %mul3A_2019 = arith.mulf %mul3A_2018, %sub3A_624 : vector<16xf32>
        %mul3A_2020 = arith.mulf %mul3A_2019, %sub3A_626 : vector<16xf32>
        %get3A_2021 = arith.constant 1008 : index
        %get3A_2022 = tpu.vector_load %arg12[%get3A_2021] {strides = array<i32>} : memref<1024xf32, #tpu.memory_space<vmem>>, vector<16xf32>,
        %get3A_2023 = arith.constant 1008 : index
        %get3A_2024 = tpu.vector_load %arg13[%get3A_2023] {strides = array<i32>} : memref<1024xf32, #tpu.memory_space<vmem>>, vector<16xf32>,
        %mul3A_2025 = arith.mulf %mul3A_2020, %get3A_2022 : vector<16xf32>
        %add3A_2026 = arith.addf %add3A_2015, %mul3A_2025 : vector<16xf32>
        %mul3A_2027 = arith.mulf %mul3A_2020, %get3A_2024 : vector<16xf32>
        %add3A_2028 = arith.addf %add3A_2017, %mul3A_2027 : vector<16xf32>
        %add3A_2029 = arith.constant 48 : i32
        %add3A_2030 = vector.broadcast %add3A_2029 : i32 to vector<16xi32>
        %add3A_2031 = arith.addi %iota3A, %add3A_2030 : vector<16xi32>
        %mul3A_2032 = arith.constant 64 : i32
        %mul3A_2033 = vector.broadcast %mul3A_2032 : i32 to vector<16xi32>
        %mul3A_2034 = arith.muli %add3A_2031, %mul3A_2033 : vector<16xi32>
        %add3A_2035 = arith.addi %mul3A_2034, %broadcast_in_dim3A_1233 : vector<16xi32>
        tpu.vector_store_idx %arg17[%add3A_2035], %add3A_2026 : memref<4096xf32, #tpu.memory_space<vmem>>[vector<16xi32>], vector<16xf32>,
        %add3A_2036 = arith.addi %mul3A_2034, %add3A_1236 : vector<16xi32>
        tpu.vector_store_idx %arg17[%add3A_2036], %add3A_2028 : memref<4096xf32, #tpu.memory_space<vmem>>[vector<16xi32>], vector<16xf32>,
        %dma_wait3A_2037 = arith.constant 0 : i32
        %dma_wait3A_2038 = tpu.memref_slice %arg5[%dma_wait3A_2037] : memref<8388608xf32, #tpu.memory_space<hbm>> -> memref<8388608xf32, #tpu.memory_space<hbm>>
        tpu.wait_indirect_dma semaphore(%arg19 : memref<!tpu.dma_semaphore, #tpu.memory_space<semaphore_mem>>) src(%dma_wait3A_2038 : memref<8388608xf32, #tpu.memory_space<hbm>>) dst(%arg15 : memref<512xf32, #tpu.memory_space<vmem>>)
        %dma_wait3A_2039 = arith.constant 0 : i32
        %dma_wait3A_2040 = tpu.memref_slice %arg6[%dma_wait3A_2039] : memref<8388608xf32, #tpu.memory_space<hbm>> -> memref<8388608xf32, #tpu.memory_space<hbm>>
        tpu.wait_indirect_dma semaphore(%arg19 : memref<!tpu.dma_semaphore, #tpu.memory_space<semaphore_mem>>) src(%dma_wait3A_2040 : memref<8388608xf32, #tpu.memory_space<hbm>>) dst(%arg16 : memref<512xf32, #tpu.memory_space<vmem>>)
        %add3A_2041 = arith.constant 32 : i32
        %add3A_2042 = vector.broadcast %add3A_2041 : i32 to vector<16xi32>
        %add3A_2043 = arith.addi %broadcast_in_dim3A_1233, %add3A_2042 : vector<16xi32>
        %add3A_2044 = arith.constant 32 : i32
        %add3A_2045 = vector.broadcast %add3A_2044 : i32 to vector<16xi32>
        %add3A_2046 = arith.addi %add3A_1236, %add3A_2045 : vector<16xi32>
        %sub3A_2047 = arith.constant 1.000000e+00 : f32
        %sub3A_2048 = vector.broadcast %sub3A_2047 : f32 to vector<16xf32>
        %sub3A_2049 = arith.subf %sub3A_2048, %sub3A_809 : vector<16xf32>
        %sub3A_2050 = arith.constant 1.000000e+00 : f32
        %sub3A_2051 = vector.broadcast %sub3A_2050 : f32 to vector<16xf32>
        %sub3A_2052 = arith.subf %sub3A_2051, %sub3A_811 : vector<16xf32>
        %sub3A_2053 = arith.constant 1.000000e+00 : f32
        %sub3A_2054 = vector.broadcast %sub3A_2053 : f32 to vector<16xf32>
        %sub3A_2055 = arith.subf %sub3A_2054, %sub3A_813 : vector<16xf32>
        %broadcast_in_dim3A_2056 = arith.constant 0.000000e+00 : f32
        %broadcast_in_dim3A_2057 = vector.broadcast %broadcast_in_dim3A_2056 : f32 to vector<16xf32>
        %broadcast_in_dim3A_2058 = arith.constant 0.000000e+00 : f32
        %broadcast_in_dim3A_2059 = vector.broadcast %broadcast_in_dim3A_2058 : f32 to vector<16xf32>
        %mul3A_2060 = arith.mulf %sub3A_2049, %sub3A_2052 : vector<16xf32>
        %mul3A_2061 = arith.mulf %mul3A_2060, %sub3A_2055 : vector<16xf32>
        %get3A_2062 = arith.constant 0 : index
        %get3A_2063 = tpu.vector_load %arg15[%get3A_2062] {strides = array<i32>} : memref<512xf32, #tpu.memory_space<vmem>>, vector<16xf32>,
        %get3A_2064 = arith.constant 0 : index
        %get3A_2065 = tpu.vector_load %arg16[%get3A_2064] {strides = array<i32>} : memref<512xf32, #tpu.memory_space<vmem>>, vector<16xf32>,
        %mul3A_2066 = arith.mulf %mul3A_2061, %get3A_2063 : vector<16xf32>
        %add3A_2067 = arith.addf %broadcast_in_dim3A_2057, %mul3A_2066 : vector<16xf32>
        %mul3A_2068 = arith.mulf %mul3A_2061, %get3A_2065 : vector<16xf32>
        %add3A_2069 = arith.addf %broadcast_in_dim3A_2059, %mul3A_2068 : vector<16xf32>
        %mul3A_2070 = arith.mulf %sub3A_2049, %sub3A_2052 : vector<16xf32>
        %mul3A_2071 = arith.mulf %mul3A_2070, %sub3A_813 : vector<16xf32>
        %get3A_2072 = arith.constant 16 : index
        %get3A_2073 = tpu.vector_load %arg15[%get3A_2072] {strides = array<i32>} : memref<512xf32, #tpu.memory_space<vmem>>, vector<16xf32>,
        %get3A_2074 = arith.constant 16 : index
        %get3A_2075 = tpu.vector_load %arg16[%get3A_2074] {strides = array<i32>} : memref<512xf32, #tpu.memory_space<vmem>>, vector<16xf32>,
        %mul3A_2076 = arith.mulf %mul3A_2071, %get3A_2073 : vector<16xf32>
        %add3A_2077 = arith.addf %add3A_2067, %mul3A_2076 : vector<16xf32>
        %mul3A_2078 = arith.mulf %mul3A_2071, %get3A_2075 : vector<16xf32>
        %add3A_2079 = arith.addf %add3A_2069, %mul3A_2078 : vector<16xf32>
        %mul3A_2080 = arith.mulf %sub3A_2049, %sub3A_811 : vector<16xf32>
        %mul3A_2081 = arith.mulf %mul3A_2080, %sub3A_2055 : vector<16xf32>
        %get3A_2082 = arith.constant 32 : index
        %get3A_2083 = tpu.vector_load %arg15[%get3A_2082] {strides = array<i32>} : memref<512xf32, #tpu.memory_space<vmem>>, vector<16xf32>,
        %get3A_2084 = arith.constant 32 : index
        %get3A_2085 = tpu.vector_load %arg16[%get3A_2084] {strides = array<i32>} : memref<512xf32, #tpu.memory_space<vmem>>, vector<16xf32>,
        %mul3A_2086 = arith.mulf %mul3A_2081, %get3A_2083 : vector<16xf32>
        %add3A_2087 = arith.addf %add3A_2077, %mul3A_2086 : vector<16xf32>
        %mul3A_2088 = arith.mulf %mul3A_2081, %get3A_2085 : vector<16xf32>
        %add3A_2089 = arith.addf %add3A_2079, %mul3A_2088 : vector<16xf32>
        %mul3A_2090 = arith.mulf %sub3A_2049, %sub3A_811 : vector<16xf32>
        %mul3A_2091 = arith.mulf %mul3A_2090, %sub3A_813 : vector<16xf32>
        %get3A_2092 = arith.constant 48 : index
        %get3A_2093 = tpu.vector_load %arg15[%get3A_2092] {strides = array<i32>} : memref<512xf32, #tpu.memory_space<vmem>>, vector<16xf32>,
        %get3A_2094 = arith.constant 48 : index
        %get3A_2095 = tpu.vector_load %arg16[%get3A_2094] {strides = array<i32>} : memref<512xf32, #tpu.memory_space<vmem>>, vector<16xf32>,
        %mul3A_2096 = arith.mulf %mul3A_2091, %get3A_2093 : vector<16xf32>
        %add3A_2097 = arith.addf %add3A_2087, %mul3A_2096 : vector<16xf32>
        %mul3A_2098 = arith.mulf %mul3A_2091, %get3A_2095 : vector<16xf32>
        %add3A_2099 = arith.addf %add3A_2089, %mul3A_2098 : vector<16xf32>
        %mul3A_2100 = arith.mulf %sub3A_809, %sub3A_2052 : vector<16xf32>
        %mul3A_2101 = arith.mulf %mul3A_2100, %sub3A_2055 : vector<16xf32>
        %get3A_2102 = arith.constant 64 : index
        %get3A_2103 = tpu.vector_load %arg15[%get3A_2102] {strides = array<i32>} : memref<512xf32, #tpu.memory_space<vmem>>, vector<16xf32>,
        %get3A_2104 = arith.constant 64 : index
        %get3A_2105 = tpu.vector_load %arg16[%get3A_2104] {strides = array<i32>} : memref<512xf32, #tpu.memory_space<vmem>>, vector<16xf32>,
        %mul3A_2106 = arith.mulf %mul3A_2101, %get3A_2103 : vector<16xf32>
        %add3A_2107 = arith.addf %add3A_2097, %mul3A_2106 : vector<16xf32>
        %mul3A_2108 = arith.mulf %mul3A_2101, %get3A_2105 : vector<16xf32>
        %add3A_2109 = arith.addf %add3A_2099, %mul3A_2108 : vector<16xf32>
        %mul3A_2110 = arith.mulf %sub3A_809, %sub3A_2052 : vector<16xf32>
        %mul3A_2111 = arith.mulf %mul3A_2110, %sub3A_813 : vector<16xf32>
        %get3A_2112 = arith.constant 80 : index
        %get3A_2113 = tpu.vector_load %arg15[%get3A_2112] {strides = array<i32>} : memref<512xf32, #tpu.memory_space<vmem>>, vector<16xf32>,
        %get3A_2114 = arith.constant 80 : index
        %get3A_2115 = tpu.vector_load %arg16[%get3A_2114] {strides = array<i32>} : memref<512xf32, #tpu.memory_space<vmem>>, vector<16xf32>,
        %mul3A_2116 = arith.mulf %mul3A_2111, %get3A_2113 : vector<16xf32>
        %add3A_2117 = arith.addf %add3A_2107, %mul3A_2116 : vector<16xf32>
        %mul3A_2118 = arith.mulf %mul3A_2111, %get3A_2115 : vector<16xf32>
        %add3A_2119 = arith.addf %add3A_2109, %mul3A_2118 : vector<16xf32>
        %mul3A_2120 = arith.mulf %sub3A_809, %sub3A_811 : vector<16xf32>
        %mul3A_2121 = arith.mulf %mul3A_2120, %sub3A_2055 : vector<16xf32>
        %get3A_2122 = arith.constant 96 : index
        %get3A_2123 = tpu.vector_load %arg15[%get3A_2122] {strides = array<i32>} : memref<512xf32, #tpu.memory_space<vmem>>, vector<16xf32>,
        %get3A_2124 = arith.constant 96 : index
        %get3A_2125 = tpu.vector_load %arg16[%get3A_2124] {strides = array<i32>} : memref<512xf32, #tpu.memory_space<vmem>>, vector<16xf32>,
        %mul3A_2126 = arith.mulf %mul3A_2121, %get3A_2123 : vector<16xf32>
        %add3A_2127 = arith.addf %add3A_2117, %mul3A_2126 : vector<16xf32>
        %mul3A_2128 = arith.mulf %mul3A_2121, %get3A_2125 : vector<16xf32>
        %add3A_2129 = arith.addf %add3A_2119, %mul3A_2128 : vector<16xf32>
        %mul3A_2130 = arith.mulf %sub3A_809, %sub3A_811 : vector<16xf32>
        %mul3A_2131 = arith.mulf %mul3A_2130, %sub3A_813 : vector<16xf32>
        %get3A_2132 = arith.constant 112 : index
        %get3A_2133 = tpu.vector_load %arg15[%get3A_2132] {strides = array<i32>} : memref<512xf32, #tpu.memory_space<vmem>>, vector<16xf32>,
        %get3A_2134 = arith.constant 112 : index
        %get3A_2135 = tpu.vector_load %arg16[%get3A_2134] {strides = array<i32>} : memref<512xf32, #tpu.memory_space<vmem>>, vector<16xf32>,
        %mul3A_2136 = arith.mulf %mul3A_2131, %get3A_2133 : vector<16xf32>
        %add3A_2137 = arith.addf %add3A_2127, %mul3A_2136 : vector<16xf32>
        %mul3A_2138 = arith.mulf %mul3A_2131, %get3A_2135 : vector<16xf32>
        %add3A_2139 = arith.addf %add3A_2129, %mul3A_2138 : vector<16xf32>
        %add3A_2140 = arith.constant 0 : i32
        %add3A_2141 = vector.broadcast %add3A_2140 : i32 to vector<16xi32>
        %add3A_2142 = arith.addi %iota3A, %add3A_2141 : vector<16xi32>
        %mul3A_2143 = arith.constant 64 : i32
        %mul3A_2144 = vector.broadcast %mul3A_2143 : i32 to vector<16xi32>
        %mul3A_2145 = arith.muli %add3A_2142, %mul3A_2144 : vector<16xi32>
        %add3A_2146 = arith.addi %mul3A_2145, %add3A_2043 : vector<16xi32>
        tpu.vector_store_idx %arg17[%add3A_2146], %add3A_2137 : memref<4096xf32, #tpu.memory_space<vmem>>[vector<16xi32>], vector<16xf32>,
        %add3A_2147 = arith.addi %mul3A_2145, %add3A_2046 : vector<16xi32>
        tpu.vector_store_idx %arg17[%add3A_2147], %add3A_2139 : memref<4096xf32, #tpu.memory_space<vmem>>[vector<16xi32>], vector<16xf32>,
        %sub3A_2148 = arith.constant 1.000000e+00 : f32
        %sub3A_2149 = vector.broadcast %sub3A_2148 : f32 to vector<16xf32>
        %sub3A_2150 = arith.subf %sub3A_2149, %sub3A_916 : vector<16xf32>
        %sub3A_2151 = arith.constant 1.000000e+00 : f32
        %sub3A_2152 = vector.broadcast %sub3A_2151 : f32 to vector<16xf32>
        %sub3A_2153 = arith.subf %sub3A_2152, %sub3A_918 : vector<16xf32>
        %sub3A_2154 = arith.constant 1.000000e+00 : f32
        %sub3A_2155 = vector.broadcast %sub3A_2154 : f32 to vector<16xf32>
        %sub3A_2156 = arith.subf %sub3A_2155, %sub3A_920 : vector<16xf32>
        %broadcast_in_dim3A_2157 = arith.constant 0.000000e+00 : f32
        %broadcast_in_dim3A_2158 = vector.broadcast %broadcast_in_dim3A_2157 : f32 to vector<16xf32>
        %broadcast_in_dim3A_2159 = arith.constant 0.000000e+00 : f32
        %broadcast_in_dim3A_2160 = vector.broadcast %broadcast_in_dim3A_2159 : f32 to vector<16xf32>
        %mul3A_2161 = arith.mulf %sub3A_2150, %sub3A_2153 : vector<16xf32>
        %mul3A_2162 = arith.mulf %mul3A_2161, %sub3A_2156 : vector<16xf32>
        %get3A_2163 = arith.constant 128 : index
        %get3A_2164 = tpu.vector_load %arg15[%get3A_2163] {strides = array<i32>} : memref<512xf32, #tpu.memory_space<vmem>>, vector<16xf32>,
        %get3A_2165 = arith.constant 128 : index
        %get3A_2166 = tpu.vector_load %arg16[%get3A_2165] {strides = array<i32>} : memref<512xf32, #tpu.memory_space<vmem>>, vector<16xf32>,
        %mul3A_2167 = arith.mulf %mul3A_2162, %get3A_2164 : vector<16xf32>
        %add3A_2168 = arith.addf %broadcast_in_dim3A_2158, %mul3A_2167 : vector<16xf32>
        %mul3A_2169 = arith.mulf %mul3A_2162, %get3A_2166 : vector<16xf32>
        %add3A_2170 = arith.addf %broadcast_in_dim3A_2160, %mul3A_2169 : vector<16xf32>
        %mul3A_2171 = arith.mulf %sub3A_2150, %sub3A_2153 : vector<16xf32>
        %mul3A_2172 = arith.mulf %mul3A_2171, %sub3A_920 : vector<16xf32>
        %get3A_2173 = arith.constant 144 : index
        %get3A_2174 = tpu.vector_load %arg15[%get3A_2173] {strides = array<i32>} : memref<512xf32, #tpu.memory_space<vmem>>, vector<16xf32>,
        %get3A_2175 = arith.constant 144 : index
        %get3A_2176 = tpu.vector_load %arg16[%get3A_2175] {strides = array<i32>} : memref<512xf32, #tpu.memory_space<vmem>>, vector<16xf32>,
        %mul3A_2177 = arith.mulf %mul3A_2172, %get3A_2174 : vector<16xf32>
        %add3A_2178 = arith.addf %add3A_2168, %mul3A_2177 : vector<16xf32>
        %mul3A_2179 = arith.mulf %mul3A_2172, %get3A_2176 : vector<16xf32>
        %add3A_2180 = arith.addf %add3A_2170, %mul3A_2179 : vector<16xf32>
        %mul3A_2181 = arith.mulf %sub3A_2150, %sub3A_918 : vector<16xf32>
        %mul3A_2182 = arith.mulf %mul3A_2181, %sub3A_2156 : vector<16xf32>
        %get3A_2183 = arith.constant 160 : index
        %get3A_2184 = tpu.vector_load %arg15[%get3A_2183] {strides = array<i32>} : memref<512xf32, #tpu.memory_space<vmem>>, vector<16xf32>,
        %get3A_2185 = arith.constant 160 : index
        %get3A_2186 = tpu.vector_load %arg16[%get3A_2185] {strides = array<i32>} : memref<512xf32, #tpu.memory_space<vmem>>, vector<16xf32>,
        %mul3A_2187 = arith.mulf %mul3A_2182, %get3A_2184 : vector<16xf32>
        %add3A_2188 = arith.addf %add3A_2178, %mul3A_2187 : vector<16xf32>
        %mul3A_2189 = arith.mulf %mul3A_2182, %get3A_2186 : vector<16xf32>
        %add3A_2190 = arith.addf %add3A_2180, %mul3A_2189 : vector<16xf32>
        %mul3A_2191 = arith.mulf %sub3A_2150, %sub3A_918 : vector<16xf32>
        %mul3A_2192 = arith.mulf %mul3A_2191, %sub3A_920 : vector<16xf32>
        %get3A_2193 = arith.constant 176 : index
        %get3A_2194 = tpu.vector_load %arg15[%get3A_2193] {strides = array<i32>} : memref<512xf32, #tpu.memory_space<vmem>>, vector<16xf32>,
        %get3A_2195 = arith.constant 176 : index
        %get3A_2196 = tpu.vector_load %arg16[%get3A_2195] {strides = array<i32>} : memref<512xf32, #tpu.memory_space<vmem>>, vector<16xf32>,
        %mul3A_2197 = arith.mulf %mul3A_2192, %get3A_2194 : vector<16xf32>
        %add3A_2198 = arith.addf %add3A_2188, %mul3A_2197 : vector<16xf32>
        %mul3A_2199 = arith.mulf %mul3A_2192, %get3A_2196 : vector<16xf32>
        %add3A_2200 = arith.addf %add3A_2190, %mul3A_2199 : vector<16xf32>
        %mul3A_2201 = arith.mulf %sub3A_916, %sub3A_2153 : vector<16xf32>
        %mul3A_2202 = arith.mulf %mul3A_2201, %sub3A_2156 : vector<16xf32>
        %get3A_2203 = arith.constant 192 : index
        %get3A_2204 = tpu.vector_load %arg15[%get3A_2203] {strides = array<i32>} : memref<512xf32, #tpu.memory_space<vmem>>, vector<16xf32>,
        %get3A_2205 = arith.constant 192 : index
        %get3A_2206 = tpu.vector_load %arg16[%get3A_2205] {strides = array<i32>} : memref<512xf32, #tpu.memory_space<vmem>>, vector<16xf32>,
        %mul3A_2207 = arith.mulf %mul3A_2202, %get3A_2204 : vector<16xf32>
        %add3A_2208 = arith.addf %add3A_2198, %mul3A_2207 : vector<16xf32>
        %mul3A_2209 = arith.mulf %mul3A_2202, %get3A_2206 : vector<16xf32>
        %add3A_2210 = arith.addf %add3A_2200, %mul3A_2209 : vector<16xf32>
        %mul3A_2211 = arith.mulf %sub3A_916, %sub3A_2153 : vector<16xf32>
        %mul3A_2212 = arith.mulf %mul3A_2211, %sub3A_920 : vector<16xf32>
        %get3A_2213 = arith.constant 208 : index
        %get3A_2214 = tpu.vector_load %arg15[%get3A_2213] {strides = array<i32>} : memref<512xf32, #tpu.memory_space<vmem>>, vector<16xf32>,
        %get3A_2215 = arith.constant 208 : index
        %get3A_2216 = tpu.vector_load %arg16[%get3A_2215] {strides = array<i32>} : memref<512xf32, #tpu.memory_space<vmem>>, vector<16xf32>,
        %mul3A_2217 = arith.mulf %mul3A_2212, %get3A_2214 : vector<16xf32>
        %add3A_2218 = arith.addf %add3A_2208, %mul3A_2217 : vector<16xf32>
        %mul3A_2219 = arith.mulf %mul3A_2212, %get3A_2216 : vector<16xf32>
        %add3A_2220 = arith.addf %add3A_2210, %mul3A_2219 : vector<16xf32>
        %mul3A_2221 = arith.mulf %sub3A_916, %sub3A_918 : vector<16xf32>
        %mul3A_2222 = arith.mulf %mul3A_2221, %sub3A_2156 : vector<16xf32>
        %get3A_2223 = arith.constant 224 : index
        %get3A_2224 = tpu.vector_load %arg15[%get3A_2223] {strides = array<i32>} : memref<512xf32, #tpu.memory_space<vmem>>, vector<16xf32>,
        %get3A_2225 = arith.constant 224 : index
        %get3A_2226 = tpu.vector_load %arg16[%get3A_2225] {strides = array<i32>} : memref<512xf32, #tpu.memory_space<vmem>>, vector<16xf32>,
        %mul3A_2227 = arith.mulf %mul3A_2222, %get3A_2224 : vector<16xf32>
        %add3A_2228 = arith.addf %add3A_2218, %mul3A_2227 : vector<16xf32>
        %mul3A_2229 = arith.mulf %mul3A_2222, %get3A_2226 : vector<16xf32>
        %add3A_2230 = arith.addf %add3A_2220, %mul3A_2229 : vector<16xf32>
        %mul3A_2231 = arith.mulf %sub3A_916, %sub3A_918 : vector<16xf32>
        %mul3A_2232 = arith.mulf %mul3A_2231, %sub3A_920 : vector<16xf32>
        %get3A_2233 = arith.constant 240 : index
        %get3A_2234 = tpu.vector_load %arg15[%get3A_2233] {strides = array<i32>} : memref<512xf32, #tpu.memory_space<vmem>>, vector<16xf32>,
        %get3A_2235 = arith.constant 240 : index
        %get3A_2236 = tpu.vector_load %arg16[%get3A_2235] {strides = array<i32>} : memref<512xf32, #tpu.memory_space<vmem>>, vector<16xf32>,
        %mul3A_2237 = arith.mulf %mul3A_2232, %get3A_2234 : vector<16xf32>
        %add3A_2238 = arith.addf %add3A_2228, %mul3A_2237 : vector<16xf32>
        %mul3A_2239 = arith.mulf %mul3A_2232, %get3A_2236 : vector<16xf32>
        %add3A_2240 = arith.addf %add3A_2230, %mul3A_2239 : vector<16xf32>
        %add3A_2241 = arith.constant 16 : i32
        %add3A_2242 = vector.broadcast %add3A_2241 : i32 to vector<16xi32>
        %add3A_2243 = arith.addi %iota3A, %add3A_2242 : vector<16xi32>
        %mul3A_2244 = arith.constant 64 : i32
        %mul3A_2245 = vector.broadcast %mul3A_2244 : i32 to vector<16xi32>
        %mul3A_2246 = arith.muli %add3A_2243, %mul3A_2245 : vector<16xi32>
        %add3A_2247 = arith.addi %mul3A_2246, %add3A_2043 : vector<16xi32>
        tpu.vector_store_idx %arg17[%add3A_2247], %add3A_2238 : memref<4096xf32, #tpu.memory_space<vmem>>[vector<16xi32>], vector<16xf32>,
        %add3A_2248 = arith.addi %mul3A_2246, %add3A_2046 : vector<16xi32>
        tpu.vector_store_idx %arg17[%add3A_2248], %add3A_2240 : memref<4096xf32, #tpu.memory_space<vmem>>[vector<16xi32>], vector<16xf32>,
        %sub3A_2249 = arith.constant 1.000000e+00 : f32
        %sub3A_2250 = vector.broadcast %sub3A_2249 : f32 to vector<16xf32>
        %sub3A_2251 = arith.subf %sub3A_2250, %sub3A_1023 : vector<16xf32>
        %sub3A_2252 = arith.constant 1.000000e+00 : f32
        %sub3A_2253 = vector.broadcast %sub3A_2252 : f32 to vector<16xf32>
        %sub3A_2254 = arith.subf %sub3A_2253, %sub3A_1025 : vector<16xf32>
        %sub3A_2255 = arith.constant 1.000000e+00 : f32
        %sub3A_2256 = vector.broadcast %sub3A_2255 : f32 to vector<16xf32>
        %sub3A_2257 = arith.subf %sub3A_2256, %sub3A_1027 : vector<16xf32>
        %broadcast_in_dim3A_2258 = arith.constant 0.000000e+00 : f32
        %broadcast_in_dim3A_2259 = vector.broadcast %broadcast_in_dim3A_2258 : f32 to vector<16xf32>
        %broadcast_in_dim3A_2260 = arith.constant 0.000000e+00 : f32
        %broadcast_in_dim3A_2261 = vector.broadcast %broadcast_in_dim3A_2260 : f32 to vector<16xf32>
        %mul3A_2262 = arith.mulf %sub3A_2251, %sub3A_2254 : vector<16xf32>
        %mul3A_2263 = arith.mulf %mul3A_2262, %sub3A_2257 : vector<16xf32>
        %get3A_2264 = arith.constant 256 : index
        %get3A_2265 = tpu.vector_load %arg15[%get3A_2264] {strides = array<i32>} : memref<512xf32, #tpu.memory_space<vmem>>, vector<16xf32>,
        %get3A_2266 = arith.constant 256 : index
        %get3A_2267 = tpu.vector_load %arg16[%get3A_2266] {strides = array<i32>} : memref<512xf32, #tpu.memory_space<vmem>>, vector<16xf32>,
        %mul3A_2268 = arith.mulf %mul3A_2263, %get3A_2265 : vector<16xf32>
        %add3A_2269 = arith.addf %broadcast_in_dim3A_2259, %mul3A_2268 : vector<16xf32>
        %mul3A_2270 = arith.mulf %mul3A_2263, %get3A_2267 : vector<16xf32>
        %add3A_2271 = arith.addf %broadcast_in_dim3A_2261, %mul3A_2270 : vector<16xf32>
        %mul3A_2272 = arith.mulf %sub3A_2251, %sub3A_2254 : vector<16xf32>
        %mul3A_2273 = arith.mulf %mul3A_2272, %sub3A_1027 : vector<16xf32>
        %get3A_2274 = arith.constant 272 : index
        %get3A_2275 = tpu.vector_load %arg15[%get3A_2274] {strides = array<i32>} : memref<512xf32, #tpu.memory_space<vmem>>, vector<16xf32>,
        %get3A_2276 = arith.constant 272 : index
        %get3A_2277 = tpu.vector_load %arg16[%get3A_2276] {strides = array<i32>} : memref<512xf32, #tpu.memory_space<vmem>>, vector<16xf32>,
        %mul3A_2278 = arith.mulf %mul3A_2273, %get3A_2275 : vector<16xf32>
        %add3A_2279 = arith.addf %add3A_2269, %mul3A_2278 : vector<16xf32>
        %mul3A_2280 = arith.mulf %mul3A_2273, %get3A_2277 : vector<16xf32>
        %add3A_2281 = arith.addf %add3A_2271, %mul3A_2280 : vector<16xf32>
        %mul3A_2282 = arith.mulf %sub3A_2251, %sub3A_1025 : vector<16xf32>
        %mul3A_2283 = arith.mulf %mul3A_2282, %sub3A_2257 : vector<16xf32>
        %get3A_2284 = arith.constant 288 : index
        %get3A_2285 = tpu.vector_load %arg15[%get3A_2284] {strides = array<i32>} : memref<512xf32, #tpu.memory_space<vmem>>, vector<16xf32>,
        %get3A_2286 = arith.constant 288 : index
        %get3A_2287 = tpu.vector_load %arg16[%get3A_2286] {strides = array<i32>} : memref<512xf32, #tpu.memory_space<vmem>>, vector<16xf32>,
        %mul3A_2288 = arith.mulf %mul3A_2283, %get3A_2285 : vector<16xf32>
        %add3A_2289 = arith.addf %add3A_2279, %mul3A_2288 : vector<16xf32>
        %mul3A_2290 = arith.mulf %mul3A_2283, %get3A_2287 : vector<16xf32>
        %add3A_2291 = arith.addf %add3A_2281, %mul3A_2290 : vector<16xf32>
        %mul3A_2292 = arith.mulf %sub3A_2251, %sub3A_1025 : vector<16xf32>
        %mul3A_2293 = arith.mulf %mul3A_2292, %sub3A_1027 : vector<16xf32>
        %get3A_2294 = arith.constant 304 : index
        %get3A_2295 = tpu.vector_load %arg15[%get3A_2294] {strides = array<i32>} : memref<512xf32, #tpu.memory_space<vmem>>, vector<16xf32>,
        %get3A_2296 = arith.constant 304 : index
        %get3A_2297 = tpu.vector_load %arg16[%get3A_2296] {strides = array<i32>} : memref<512xf32, #tpu.memory_space<vmem>>, vector<16xf32>,
        %mul3A_2298 = arith.mulf %mul3A_2293, %get3A_2295 : vector<16xf32>
        %add3A_2299 = arith.addf %add3A_2289, %mul3A_2298 : vector<16xf32>
        %mul3A_2300 = arith.mulf %mul3A_2293, %get3A_2297 : vector<16xf32>
        %add3A_2301 = arith.addf %add3A_2291, %mul3A_2300 : vector<16xf32>
        %mul3A_2302 = arith.mulf %sub3A_1023, %sub3A_2254 : vector<16xf32>
        %mul3A_2303 = arith.mulf %mul3A_2302, %sub3A_2257 : vector<16xf32>
        %get3A_2304 = arith.constant 320 : index
        %get3A_2305 = tpu.vector_load %arg15[%get3A_2304] {strides = array<i32>} : memref<512xf32, #tpu.memory_space<vmem>>, vector<16xf32>,
        %get3A_2306 = arith.constant 320 : index
        %get3A_2307 = tpu.vector_load %arg16[%get3A_2306] {strides = array<i32>} : memref<512xf32, #tpu.memory_space<vmem>>, vector<16xf32>,
        %mul3A_2308 = arith.mulf %mul3A_2303, %get3A_2305 : vector<16xf32>
        %add3A_2309 = arith.addf %add3A_2299, %mul3A_2308 : vector<16xf32>
        %mul3A_2310 = arith.mulf %mul3A_2303, %get3A_2307 : vector<16xf32>
        %add3A_2311 = arith.addf %add3A_2301, %mul3A_2310 : vector<16xf32>
        %mul3A_2312 = arith.mulf %sub3A_1023, %sub3A_2254 : vector<16xf32>
        %mul3A_2313 = arith.mulf %mul3A_2312, %sub3A_1027 : vector<16xf32>
        %get3A_2314 = arith.constant 336 : index
        %get3A_2315 = tpu.vector_load %arg15[%get3A_2314] {strides = array<i32>} : memref<512xf32, #tpu.memory_space<vmem>>, vector<16xf32>,
        %get3A_2316 = arith.constant 336 : index
        %get3A_2317 = tpu.vector_load %arg16[%get3A_2316] {strides = array<i32>} : memref<512xf32, #tpu.memory_space<vmem>>, vector<16xf32>,
        %mul3A_2318 = arith.mulf %mul3A_2313, %get3A_2315 : vector<16xf32>
        %add3A_2319 = arith.addf %add3A_2309, %mul3A_2318 : vector<16xf32>
        %mul3A_2320 = arith.mulf %mul3A_2313, %get3A_2317 : vector<16xf32>
        %add3A_2321 = arith.addf %add3A_2311, %mul3A_2320 : vector<16xf32>
        %mul3A_2322 = arith.mulf %sub3A_1023, %sub3A_1025 : vector<16xf32>
        %mul3A_2323 = arith.mulf %mul3A_2322, %sub3A_2257 : vector<16xf32>
        %get3A_2324 = arith.constant 352 : index
        %get3A_2325 = tpu.vector_load %arg15[%get3A_2324] {strides = array<i32>} : memref<512xf32, #tpu.memory_space<vmem>>, vector<16xf32>,
        %get3A_2326 = arith.constant 352 : index
        %get3A_2327 = tpu.vector_load %arg16[%get3A_2326] {strides = array<i32>} : memref<512xf32, #tpu.memory_space<vmem>>, vector<16xf32>,
        %mul3A_2328 = arith.mulf %mul3A_2323, %get3A_2325 : vector<16xf32>
        %add3A_2329 = arith.addf %add3A_2319, %mul3A_2328 : vector<16xf32>
        %mul3A_2330 = arith.mulf %mul3A_2323, %get3A_2327 : vector<16xf32>
        %add3A_2331 = arith.addf %add3A_2321, %mul3A_2330 : vector<16xf32>
        %mul3A_2332 = arith.mulf %sub3A_1023, %sub3A_1025 : vector<16xf32>
        %mul3A_2333 = arith.mulf %mul3A_2332, %sub3A_1027 : vector<16xf32>
        %get3A_2334 = arith.constant 368 : index
        %get3A_2335 = tpu.vector_load %arg15[%get3A_2334] {strides = array<i32>} : memref<512xf32, #tpu.memory_space<vmem>>, vector<16xf32>,
        %get3A_2336 = arith.constant 368 : index
        %get3A_2337 = tpu.vector_load %arg16[%get3A_2336] {strides = array<i32>} : memref<512xf32, #tpu.memory_space<vmem>>, vector<16xf32>,
        %mul3A_2338 = arith.mulf %mul3A_2333, %get3A_2335 : vector<16xf32>
        %add3A_2339 = arith.addf %add3A_2329, %mul3A_2338 : vector<16xf32>
        %mul3A_2340 = arith.mulf %mul3A_2333, %get3A_2337 : vector<16xf32>
        %add3A_2341 = arith.addf %add3A_2331, %mul3A_2340 : vector<16xf32>
        %add3A_2342 = arith.constant 32 : i32
        %add3A_2343 = vector.broadcast %add3A_2342 : i32 to vector<16xi32>
        %add3A_2344 = arith.addi %iota3A, %add3A_2343 : vector<16xi32>
        %mul3A_2345 = arith.constant 64 : i32
        %mul3A_2346 = vector.broadcast %mul3A_2345 : i32 to vector<16xi32>
        %mul3A_2347 = arith.muli %add3A_2344, %mul3A_2346 : vector<16xi32>
        %add3A_2348 = arith.addi %mul3A_2347, %add3A_2043 : vector<16xi32>
        tpu.vector_store_idx %arg17[%add3A_2348], %add3A_2339 : memref<4096xf32, #tpu.memory_space<vmem>>[vector<16xi32>], vector<16xf32>,
        %add3A_2349 = arith.addi %mul3A_2347, %add3A_2046 : vector<16xi32>
        tpu.vector_store_idx %arg17[%add3A_2349], %add3A_2341 : memref<4096xf32, #tpu.memory_space<vmem>>[vector<16xi32>], vector<16xf32>,
        %sub3A_2350 = arith.constant 1.000000e+00 : f32
        %sub3A_2351 = vector.broadcast %sub3A_2350 : f32 to vector<16xf32>
        %sub3A_2352 = arith.subf %sub3A_2351, %sub3A_1130 : vector<16xf32>
        %sub3A_2353 = arith.constant 1.000000e+00 : f32
        %sub3A_2354 = vector.broadcast %sub3A_2353 : f32 to vector<16xf32>
        %sub3A_2355 = arith.subf %sub3A_2354, %sub3A_1132 : vector<16xf32>
        %sub3A_2356 = arith.constant 1.000000e+00 : f32
        %sub3A_2357 = vector.broadcast %sub3A_2356 : f32 to vector<16xf32>
        %sub3A_2358 = arith.subf %sub3A_2357, %sub3A_1134 : vector<16xf32>
        %broadcast_in_dim3A_2359 = arith.constant 0.000000e+00 : f32
        %broadcast_in_dim3A_2360 = vector.broadcast %broadcast_in_dim3A_2359 : f32 to vector<16xf32>
        %broadcast_in_dim3A_2361 = arith.constant 0.000000e+00 : f32
        %broadcast_in_dim3A_2362 = vector.broadcast %broadcast_in_dim3A_2361 : f32 to vector<16xf32>
        %mul3A_2363 = arith.mulf %sub3A_2352, %sub3A_2355 : vector<16xf32>
        %mul3A_2364 = arith.mulf %mul3A_2363, %sub3A_2358 : vector<16xf32>
        %get3A_2365 = arith.constant 384 : index
        %get3A_2366 = tpu.vector_load %arg15[%get3A_2365] {strides = array<i32>} : memref<512xf32, #tpu.memory_space<vmem>>, vector<16xf32>,
        %get3A_2367 = arith.constant 384 : index
        %get3A_2368 = tpu.vector_load %arg16[%get3A_2367] {strides = array<i32>} : memref<512xf32, #tpu.memory_space<vmem>>, vector<16xf32>,
        %mul3A_2369 = arith.mulf %mul3A_2364, %get3A_2366 : vector<16xf32>
        %add3A_2370 = arith.addf %broadcast_in_dim3A_2360, %mul3A_2369 : vector<16xf32>
        %mul3A_2371 = arith.mulf %mul3A_2364, %get3A_2368 : vector<16xf32>
        %add3A_2372 = arith.addf %broadcast_in_dim3A_2362, %mul3A_2371 : vector<16xf32>
        %mul3A_2373 = arith.mulf %sub3A_2352, %sub3A_2355 : vector<16xf32>
        %mul3A_2374 = arith.mulf %mul3A_2373, %sub3A_1134 : vector<16xf32>
        %get3A_2375 = arith.constant 400 : index
        %get3A_2376 = tpu.vector_load %arg15[%get3A_2375] {strides = array<i32>} : memref<512xf32, #tpu.memory_space<vmem>>, vector<16xf32>,
        %get3A_2377 = arith.constant 400 : index
        %get3A_2378 = tpu.vector_load %arg16[%get3A_2377] {strides = array<i32>} : memref<512xf32, #tpu.memory_space<vmem>>, vector<16xf32>,
        %mul3A_2379 = arith.mulf %mul3A_2374, %get3A_2376 : vector<16xf32>
        %add3A_2380 = arith.addf %add3A_2370, %mul3A_2379 : vector<16xf32>
        %mul3A_2381 = arith.mulf %mul3A_2374, %get3A_2378 : vector<16xf32>
        %add3A_2382 = arith.addf %add3A_2372, %mul3A_2381 : vector<16xf32>
        %mul3A_2383 = arith.mulf %sub3A_2352, %sub3A_1132 : vector<16xf32>
        %mul3A_2384 = arith.mulf %mul3A_2383, %sub3A_2358 : vector<16xf32>
        %get3A_2385 = arith.constant 416 : index
        %get3A_2386 = tpu.vector_load %arg15[%get3A_2385] {strides = array<i32>} : memref<512xf32, #tpu.memory_space<vmem>>, vector<16xf32>,
        %get3A_2387 = arith.constant 416 : index
        %get3A_2388 = tpu.vector_load %arg16[%get3A_2387] {strides = array<i32>} : memref<512xf32, #tpu.memory_space<vmem>>, vector<16xf32>,
        %mul3A_2389 = arith.mulf %mul3A_2384, %get3A_2386 : vector<16xf32>
        %add3A_2390 = arith.addf %add3A_2380, %mul3A_2389 : vector<16xf32>
        %mul3A_2391 = arith.mulf %mul3A_2384, %get3A_2388 : vector<16xf32>
        %add3A_2392 = arith.addf %add3A_2382, %mul3A_2391 : vector<16xf32>
        %mul3A_2393 = arith.mulf %sub3A_2352, %sub3A_1132 : vector<16xf32>
        %mul3A_2394 = arith.mulf %mul3A_2393, %sub3A_1134 : vector<16xf32>
        %get3A_2395 = arith.constant 432 : index
        %get3A_2396 = tpu.vector_load %arg15[%get3A_2395] {strides = array<i32>} : memref<512xf32, #tpu.memory_space<vmem>>, vector<16xf32>,
        %get3A_2397 = arith.constant 432 : index
        %get3A_2398 = tpu.vector_load %arg16[%get3A_2397] {strides = array<i32>} : memref<512xf32, #tpu.memory_space<vmem>>, vector<16xf32>,
        %mul3A_2399 = arith.mulf %mul3A_2394, %get3A_2396 : vector<16xf32>
        %add3A_2400 = arith.addf %add3A_2390, %mul3A_2399 : vector<16xf32>
        %mul3A_2401 = arith.mulf %mul3A_2394, %get3A_2398 : vector<16xf32>
        %add3A_2402 = arith.addf %add3A_2392, %mul3A_2401 : vector<16xf32>
        %mul3A_2403 = arith.mulf %sub3A_1130, %sub3A_2355 : vector<16xf32>
        %mul3A_2404 = arith.mulf %mul3A_2403, %sub3A_2358 : vector<16xf32>
        %get3A_2405 = arith.constant 448 : index
        %get3A_2406 = tpu.vector_load %arg15[%get3A_2405] {strides = array<i32>} : memref<512xf32, #tpu.memory_space<vmem>>, vector<16xf32>,
        %get3A_2407 = arith.constant 448 : index
        %get3A_2408 = tpu.vector_load %arg16[%get3A_2407] {strides = array<i32>} : memref<512xf32, #tpu.memory_space<vmem>>, vector<16xf32>,
        %mul3A_2409 = arith.mulf %mul3A_2404, %get3A_2406 : vector<16xf32>
        %add3A_2410 = arith.addf %add3A_2400, %mul3A_2409 : vector<16xf32>
        %mul3A_2411 = arith.mulf %mul3A_2404, %get3A_2408 : vector<16xf32>
        %add3A_2412 = arith.addf %add3A_2402, %mul3A_2411 : vector<16xf32>
        %mul3A_2413 = arith.mulf %sub3A_1130, %sub3A_2355 : vector<16xf32>
        %mul3A_2414 = arith.mulf %mul3A_2413, %sub3A_1134 : vector<16xf32>
        %get3A_2415 = arith.constant 464 : index
        %get3A_2416 = tpu.vector_load %arg15[%get3A_2415] {strides = array<i32>} : memref<512xf32, #tpu.memory_space<vmem>>, vector<16xf32>,
        %get3A_2417 = arith.constant 464 : index
        %get3A_2418 = tpu.vector_load %arg16[%get3A_2417] {strides = array<i32>} : memref<512xf32, #tpu.memory_space<vmem>>, vector<16xf32>,
        %mul3A_2419 = arith.mulf %mul3A_2414, %get3A_2416 : vector<16xf32>
        %add3A_2420 = arith.addf %add3A_2410, %mul3A_2419 : vector<16xf32>
        %mul3A_2421 = arith.mulf %mul3A_2414, %get3A_2418 : vector<16xf32>
        %add3A_2422 = arith.addf %add3A_2412, %mul3A_2421 : vector<16xf32>
        %mul3A_2423 = arith.mulf %sub3A_1130, %sub3A_1132 : vector<16xf32>
        %mul3A_2424 = arith.mulf %mul3A_2423, %sub3A_2358 : vector<16xf32>
        %get3A_2425 = arith.constant 480 : index
        %get3A_2426 = tpu.vector_load %arg15[%get3A_2425] {strides = array<i32>} : memref<512xf32, #tpu.memory_space<vmem>>, vector<16xf32>,
        %get3A_2427 = arith.constant 480 : index
        %get3A_2428 = tpu.vector_load %arg16[%get3A_2427] {strides = array<i32>} : memref<512xf32, #tpu.memory_space<vmem>>, vector<16xf32>,
        %mul3A_2429 = arith.mulf %mul3A_2424, %get3A_2426 : vector<16xf32>
        %add3A_2430 = arith.addf %add3A_2420, %mul3A_2429 : vector<16xf32>
        %mul3A_2431 = arith.mulf %mul3A_2424, %get3A_2428 : vector<16xf32>
        %add3A_2432 = arith.addf %add3A_2422, %mul3A_2431 : vector<16xf32>
        %mul3A_2433 = arith.mulf %sub3A_1130, %sub3A_1132 : vector<16xf32>
        %mul3A_2434 = arith.mulf %mul3A_2433, %sub3A_1134 : vector<16xf32>
        %get3A_2435 = arith.constant 496 : index
        %get3A_2436 = tpu.vector_load %arg15[%get3A_2435] {strides = array<i32>} : memref<512xf32, #tpu.memory_space<vmem>>, vector<16xf32>,
        %get3A_2437 = arith.constant 496 : index
        %get3A_2438 = tpu.vector_load %arg16[%get3A_2437] {strides = array<i32>} : memref<512xf32, #tpu.memory_space<vmem>>, vector<16xf32>,
        %mul3A_2439 = arith.mulf %mul3A_2434, %get3A_2436 : vector<16xf32>
        %add3A_2440 = arith.addf %add3A_2430, %mul3A_2439 : vector<16xf32>
        %mul3A_2441 = arith.mulf %mul3A_2434, %get3A_2438 : vector<16xf32>
        %add3A_2442 = arith.addf %add3A_2432, %mul3A_2441 : vector<16xf32>
        %add3A_2443 = arith.constant 48 : i32
        %add3A_2444 = vector.broadcast %add3A_2443 : i32 to vector<16xi32>
        %add3A_2445 = arith.addi %iota3A, %add3A_2444 : vector<16xi32>
        %mul3A_2446 = arith.constant 64 : i32
        %mul3A_2447 = vector.broadcast %mul3A_2446 : i32 to vector<16xi32>
        %mul3A_2448 = arith.muli %add3A_2445, %mul3A_2447 : vector<16xi32>
        %add3A_2449 = arith.addi %mul3A_2448, %add3A_2043 : vector<16xi32>
        tpu.vector_store_idx %arg17[%add3A_2449], %add3A_2440 : memref<4096xf32, #tpu.memory_space<vmem>>[vector<16xi32>], vector<16xf32>,
        %add3A_2450 = arith.addi %mul3A_2448, %add3A_2046 : vector<16xi32>
        tpu.vector_store_idx %arg17[%add3A_2450], %add3A_2442 : memref<4096xf32, #tpu.memory_space<vmem>>[vector<16xi32>], vector<16xf32>,
      }
      %scan3A_31 = arith.constant 16 : i32
      %mul3A_32 = arith.constant 64 : i32
      %mul3A_33 = arith.muli %add3A_11, %mul3A_32 : i32
      "tpu.region"() ({
        %run_scoped3A = tpu.sem_alloc : memref<!tpu.dma_semaphore, #tpu.memory_space<semaphore_mem>>
        %dma_start3A = tpu.memref_slice %arg8[%mul3A_33] : memref<6422528xf32, #tpu.memory_space<hbm>> -> memref<4096xf32, #tpu.memory_space<hbm>>
        %dma_start3A_34 = tpu.memref_slice %arg8[%mul3A_33] : memref<6422528xf32, #tpu.memory_space<hbm>> -> memref<4096xf32, #tpu.memory_space<hbm>>
        tpu.enqueue_dma source(%arg17 : memref<4096xf32, #tpu.memory_space<vmem>>) target(%dma_start3A_34 : memref<4096xf32, #tpu.memory_space<hbm>>) target_semaphore(%run_scoped3A : memref<!tpu.dma_semaphore, #tpu.memory_space<semaphore_mem>>)
        %dma_wait3A = tpu.memref_slice %arg8[%mul3A_33] : memref<6422528xf32, #tpu.memory_space<hbm>> -> memref<4096xf32, #tpu.memory_space<hbm>>
        %dma_wait3A_35 = tpu.memref_slice %arg8[%mul3A_33] : memref<6422528xf32, #tpu.memory_space<hbm>> -> memref<4096xf32, #tpu.memory_space<hbm>>
        tpu.wait_dma2 semaphore(%run_scoped3A : memref<!tpu.dma_semaphore, #tpu.memory_space<semaphore_mem>>) src(%arg17 : memref<4096xf32, #tpu.memory_space<vmem>>) dst(%dma_wait3A_35 : memref<4096xf32, #tpu.memory_space<hbm>>)
        tpu.yield
      }) : () -> ()
    }
    %scan3A_7 = arith.constant 49 : i32
    return
  }
}

module attributes {stable_mosaic.version = 14 : i64} {
  func.func @body(%arg0: i32, %arg1: memref<512x64xf32, #tpu.memory_space<vmem>>, %arg2: memref<64x64xf32, #tpu.memory_space<vmem>>, %arg3: memref<64x64xf32, #tpu.memory_space<vmem>>, %arg4: memref<64x9xf32, #tpu.memory_space<vmem>>, %arg5: memref<512x9xf32, #tpu.memory_space<vmem>>) attributes {dimension_semantics = [#tpu.dimension_semantics<arbitrary>], iteration_bounds = array<i64: 196>, scalar_prefetch = 0 : i64, scratch_operands = 0 : i64, tpu.core_type = #tpu.core_type<tc>, window_params = [{transform_indices = @transform_0, window_bounds = array<i64: 512, 64>}, {pipeline_mode = #tpu.pipeline_mode<synchronous>, transform_indices = @transform_1, window_bounds = array<i64: 64, 64>}, {pipeline_mode = #tpu.pipeline_mode<synchronous>, transform_indices = @transform_2, window_bounds = array<i64: 64, 64>}, {pipeline_mode = #tpu.pipeline_mode<synchronous>, transform_indices = @transform_3, window_bounds = array<i64: 64, 9>}, {transform_indices = @transform_4, window_bounds = array<i64: 512, 9>}]} {
    %get3A = arith.constant 0 : index
    %get3A_0 = arith.constant 0 : index
    %get3A_1 = vector.load %arg1[%get3A, %get3A_0] : memref<512x64xf32, #tpu.memory_space<vmem>>, vector<512x64xf32>
    %get3A_2 = arith.constant 0 : index
    %get3A_3 = arith.constant 0 : index
    %get3A_4 = vector.load %arg2[%get3A_2, %get3A_3] : memref<64x64xf32, #tpu.memory_space<vmem>>, vector<64x64xf32>
    %dot_general3A = arith.constant dense<0.000000e+00> : vector<512x64xf32>
    %dot_general3A_5 = tpu.matmul %get3A_1, %get3A_4, %dot_general3A {dimension_numbers = #tpu.dot_dimension_numbers<[1], [0], [0], [1], [0, 0, 1, 1], [], []>, transpose_lhs_hint = false} : vector<512x64xf32>, vector<64x64xf32>, vector<512x64xf32> -> vector<512x64xf32>
    %max3A = arith.constant 0.000000e+00 : f32
    %max3A_6 = vector.broadcast %max3A : f32 to vector<512x64xf32>
    %max3A_7 = arith.maximumf %dot_general3A_5, %max3A_6 : vector<512x64xf32>
    %get3A_8 = arith.constant 0 : index
    %get3A_9 = arith.constant 0 : index
    %get3A_10 = vector.load %arg3[%get3A_8, %get3A_9] : memref<64x64xf32, #tpu.memory_space<vmem>>, vector<64x64xf32>
    %dot_general3A_11 = arith.constant dense<0.000000e+00> : vector<512x64xf32>
    %dot_general3A_12 = tpu.matmul %max3A_7, %get3A_10, %dot_general3A_11 {dimension_numbers = #tpu.dot_dimension_numbers<[1], [0], [0], [1], [0, 0, 1, 1], [], []>, transpose_lhs_hint = false} : vector<512x64xf32>, vector<64x64xf32>, vector<512x64xf32> -> vector<512x64xf32>
    %max3A_13 = arith.constant 0.000000e+00 : f32
    %max3A_14 = vector.broadcast %max3A_13 : f32 to vector<512x64xf32>
    %max3A_15 = arith.maximumf %dot_general3A_12, %max3A_14 : vector<512x64xf32>
    %get3A_16 = arith.constant 0 : index
    %get3A_17 = arith.constant 0 : index
    %get3A_18 = vector.load %arg4[%get3A_16, %get3A_17] : memref<64x9xf32, #tpu.memory_space<vmem>>, vector<64x9xf32>
    %dot_general3A_19 = arith.constant dense<0.000000e+00> : vector<512x9xf32>
    %dot_general3A_20 = tpu.matmul %max3A_15, %get3A_18, %dot_general3A_19 {dimension_numbers = #tpu.dot_dimension_numbers<[1], [0], [0], [1], [0, 0, 1, 1], [], []>, transpose_lhs_hint = false} : vector<512x64xf32>, vector<64x9xf32>, vector<512x9xf32> -> vector<512x9xf32>
    %swap3A = arith.constant 0 : index
    %swap3A_21 = arith.constant 0 : index
    %swap3A_22 = vector.load %arg5[%swap3A, %swap3A_21] : memref<512x9xf32, #tpu.memory_space<vmem>>, vector<512x9xf32>
    tpu.vector_store %arg5[%swap3A, %swap3A_21], %dot_general3A_20 {strides = array<i32>} : memref<512x9xf32, #tpu.memory_space<vmem>>, vector<512x9xf32>,
    return
  }
  func.func @transform_0(%arg0: i32) -> (i32, i32) {
    %c0_i32 = arith.constant 0 : i32
    %c0_i32_0 = arith.constant 0 : i32
    return %arg0, %c0_i32 : i32, i32
  }
  func.func @transform_1(%arg0: i32) -> (i32, i32) {
    %c0_i32 = arith.constant 0 : i32
    %c0_i32_0 = arith.constant 0 : i32
    %c0_i32_1 = arith.constant 0 : i32
    return %c0_i32, %c0_i32_0 : i32, i32
  }
  func.func @transform_2(%arg0: i32) -> (i32, i32) {
    %c0_i32 = arith.constant 0 : i32
    %c0_i32_0 = arith.constant 0 : i32
    %c0_i32_1 = arith.constant 0 : i32
    return %c0_i32, %c0_i32_0 : i32, i32
  }
  func.func @transform_3(%arg0: i32) -> (i32, i32) {
    %c0_i32 = arith.constant 0 : i32
    %c0_i32_0 = arith.constant 0 : i32
    %c0_i32_1 = arith.constant 0 : i32
    return %c0_i32, %c0_i32_0 : i32, i32
  }
  func.func @transform_4(%arg0: i32) -> (i32, i32) {
    %c0_i32 = arith.constant 0 : i32
    %c0_i32_0 = arith.constant 0 : i32
    return %arg0, %c0_i32 : i32, i32
  }
}

</mosaic_0001>

<sc_bundles>
// kernel: kernel.4.cloned.1.call-start
scs
__scs_entry_jumppad:
0x0: {  	(pc) =	sbr.rel $0x88, $3  }
0x1: {  	(tag) =	ssettag $0x0;
	lr =	simm.s32 $0x1  }
0x2: {  	[smem:$0x3F99] =	sst lr;
	_ =	strace $0xD0000000  }
0x3: {  	_ = 	snop  }
0x4: {  	_ = 	snop  }
0x5: {  	_ = 	snop  }
0x6: {  	_ = 	snop  }
0x7: {  	_ = 	snop  }
__scs_overlays_trampoline_lowered:
0x8: {  	[smem:$0x3FA8] =	sst s0  }
0x9: {  	[smem:$0x3FA9] =	sst s1  }
0xa: {  	[smem:$0x3FAA] =	sst s2  }
0xb: {  	[smem:$0x3FAB] =	sst s3  }
0xc: {  	[smem:$0x3FAC] =	sst s4  }
0xd: {  	[smem:$0x3FAD] =	sst s5  }
0xe: {  	[smem:$0x3FAE] =	sst s6  }
0xf: {  	[smem:$0x3FAF] =	sst s7  }
0x10: {  	[smem:$0x3FB0] =	sst s8  }
0x11: {  	[smem:$0x3FB1] =	sst s9;
	s0 =	simm.s32 @!p0 $0x0  }
0x12: {  	s1 =	sld [smem:$0x3F97];
	s0 =	simm.s32 @p0 $0x1  }
0x13: {  	[smem:$0x3FB2] =	sst s0;
	s0 =	simm.s32 @!p1 $0x0  }
0x14: {  	s2 =	sld [smem:$0x3F96];
	s0 =	simm.s32 @p1 $0x1  }
0x15: {  	[smem:$0x3FB3] =	sst s0;
	s0 =	simm.s32 @!p2 $0x0  }
0x16: {  	s3 =	sld [smem:$0x3FDB];
	s0 =	simm.s32 @p2 $0x1  }
0x17: {  	s4 =	simm.s32 $0x1BF5;
	[smem:$0x3FB5] =	sst s0  }
0x18: {  	s0 =	sld [smem:$0x3F98];
	_ =	swait.ge [sflag:s4], $0x0  }
0x19: {  	s7 =	sld [smem:$0x3F99]  }
0x1a: {  	s8 =	sadd.s32 $0xFFFFE003, lr  }
0x1b: {  	s9 =	sadd.s32 $0xFFFFFEF7, lr;
	s5 =	simm.s32 $0xFFFFFFFF;
	p2 =	slt.u32 s8, $0xFFFFF086  }
0x1c: {  	p1 =	slt.u32 s9, $0xF7A;
	s5 =	simm.s32 @!p2 $0x0  }
0x1d: {  	s5 =	simm.s32 @p1 $0x1;
	p0 =	seq.s32 s7, s2  }
0x1e: {  	s7 =	smul.u32 @!p0 $0xF7A, s2;
	p2 =	seq.s32 @!p0 s5, $0x0  }
0x1f: {  	s9 =	smul.u32 $0xF7A, s1;
	s8 =	simm.s32 @!p0 $0x1BF5;
	p2 =	por !p2, p0  }
0x20: {  	[sflag:s8] =	ssyncset.s32 @!p0 $0xFFFFF086;
	s6 =	sadd.s32 @!p0 s3, s7;
	s7 =	simm.s32 @!p0 $0x108  }
0x21: {  	s3 =	sadd.s32 s3, s9;
	s6 =	sadd.s32 @!p0 $0x88, s6;
	s7 =	simm.s32 @p2 $0x1082  }
0x22: {  	[simem:s7], [sflag:s8] =	dma.local @!p0 [hbm:s6], $0xF7A  }
0x23: {  	s9 =	sor.u32 $0xD0000000, s2;
	s6 =	simm.s32 $0x108;
	_ =	swait.ge @!p0 [sflag:s8], $0x0  }
0x24: {  	s3 =	sadd.s32 $0x88, s3;
	s6 =	simm.s32 @!p1 $0x1082;
	[sflag:s4] =	ssyncset.s32 $0xFFFFF086  }
0x25: {  	[simem:s6], [sflag:s4] =	dma.local [hbm:s3], $0xF7A  }
0x26: {  	[smem:$0x3F99] =	sst s1;
	(tag) =	ssettag s2;
	_ =	strace s9  }
0x27: {  	s1 =	sld [smem:$0x3FA9]  }
0x28: {  	s2 =	sld [smem:$0x3FAA]  }
0x29: {  	s4 =	sld [smem:$0x3FAC]  }
0x2a: {  	p0 =	seq.s32 s5, $0x0;
	s5 =	sld [smem:$0x3FAD]  }
0x2b: {  	s6 =	sld [smem:$0x3FAE]  }
0x2c: {  	s7 =	sld [smem:$0x3FAF]  }
0x2d: {  	s3 =	simm.s32 $0x108;
	s8 =	sld [smem:$0x3FB0]  }
0x2e: {  	s3 =	simm.s32 @!p0 $0x1082;
	s9 =	sld [smem:$0x3FB1]  }
0x2f: {  	lr =	sadd.s32 s0, s3;
	s0 =	sld [smem:$0x3FA8]  }
0x30: {  	s3 =	sld [smem:$0x3FAB]  }
0x31: {  	[smem:$0x3FB4] =	sst s10  }
0x32: {  	s10 =	sld [smem:$0x3FB2];
	_ =	sdelay $0x3  }
0x33: {  	p0 =	seq.s32 s10, $0x1;
	s10 =	sld [smem:$0x3FB4];
	_ =	sdelay $0x3  }
0x34: {  	[smem:$0x3FB4] =	sst s10  }
0x35: {  	s10 =	sld [smem:$0x3FB3];
	_ =	sdelay $0x3  }
0x36: {  	p1 =	seq.s32 s10, $0x1;
	s10 =	sld [smem:$0x3FB4];
	_ =	sdelay $0x3  }
0x37: {  	[smem:$0x3FB4] =	sst s10  }
0x38: {  	s10 =	sld [smem:$0x3FB5]  }
0x39: {  	_ = 	snop;
	(pc) =	sbr.ind lr, $3  }
0x3a: {  	_ = 	snop  }
0x3b: {  	_ = 	snop  }
0x3c: {  	p2 =	seq.s32 s10, $0x1;
	s10 =	sld [smem:$0x3FB4]  }
0x3d: {  	_ =	shalt  }
0x3e: {  	_ =	shalt  }
0x3f: {  	_ =	shalt  }
0x40: {  	_ =	shalt  }
0x41: {  	_ =	shalt  }
0x42: {  	_ =	shalt  }
0x43: {  	_ =	shalt  }
0x44: {  	_ =	shalt  }
0x45: {  	_ =	shalt  }
0x46: {  	_ =	shalt  }
0x47: {  	_ =	shalt  }
0x48: {  	_ =	shalt  }
0x49: {  	_ =	shalt  }
0x4a: {  	_ =	shalt  }
0x4b: {  	_ =	shalt  }
0x4c: {  	_ =	shalt  }
0x4d: {  	_ =	shalt  }
0x4e: {  	_ =	shalt  }
0x4f: {  	_ =	shalt  }
0x50: {  	_ =	shalt  }
0x51: {  	_ =	shalt  }
0x52: {  	_ =	shalt  }
0x53: {  	_ =	shalt  }
0x54: {  	_ =	shalt  }
0x55: {  	_ =	shalt  }
0x56: {  	_ =	shalt  }
0x57: {  	_ =	shalt  }
0x58: {  	_ =	shalt  }
0x59: {  	_ =	shalt  }
0x5a: {  	_ =	shalt  }
0x5b: {  	_ =	shalt  }
0x5c: {  	_ =	shalt  }
0x5d: {  	_ =	shalt  }
0x5e: {  	_ =	shalt  }
0x5f: {  	_ =	shalt  }
0x60: {  	_ =	shalt  }
0x61: {  	_ =	shalt  }
0x62: {  	_ =	shalt  }
0x63: {  	_ =	shalt  }
0x64: {  	_ =	shalt  }
0x65: {  	_ =	shalt  }
0x66: {  	_ =	shalt  }
0x67: {  	_ =	shalt  }
0x68: {  	_ =	shalt  }
0x69: {  	_ =	shalt  }
0x6a: {  	_ =	shalt  }
0x6b: {  	_ =	shalt  }
0x6c: {  	_ =	shalt  }
0x6d: {  	_ =	shalt  }
0x6e: {  	_ =	shalt  }
0x6f: {  	_ =	shalt  }
0x70: {  	_ =	shalt  }
0x71: {  	_ =	shalt  }
0x72: {  	_ =	shalt  }
0x73: {  	_ =	shalt  }
0x74: {  	_ =	shalt  }
0x75: {  	_ =	shalt  }
0x76: {  	_ =	shalt  }
0x77: {  	_ =	shalt  }
0x78: {  	_ =	shalt  }
0x79: {  	_ =	shalt  }
0x7a: {  	_ =	shalt  }
0x7b: {  	_ =	shalt  }
0x7c: {  	_ =	shalt  }
0x7d: {  	_ =	shalt  }
0x7e: {  	_ =	shalt  }
0x7f: {  	_ =	shalt  }
0x80: {  	_ =	shalt  }
0x81: {  	_ =	shalt  }
0x82: {  	_ =	shalt  }
0x83: {  	_ =	shalt  }
0x84: {  	_ =	shalt  }
0x85: {  	_ =	shalt  }
0x86: {  	_ =	shalt  }
0x87: {  	_ =	shalt  }
.Lfunc_end0:
.L_simem_size_0:
called_computation_lowered:
.L_overlay_start_0:
0x88: {  	s2 =	sld [smem:$0x3FD9]  }
0x89: {  	s3 =	sld [smem:$0x3FFE];
	_ =	sdelay $0x1  }
0x8a: {  	s1 =	srdreg.scid  }
0x8b: {  	s0 =	sand.u32 $0x1, s1  }
0x8c: {  	s17 =	sshll.u32 s0, $0xA;
	s2 =	sadd.s32 s3, s2  }
0x8d: {  	s2 =	sadd.s32 s2, s17  }
0x8e: {  	[smem:$0x3FC0] =	sst s2  }
0x8f: {  	_ = 	snop  }
0x90: {  	s2 =	sld [smem:$0x3FD0];
	(tm) =	ssettm $0x1  }
0x91: {  	s18 =	sld [smem:$0x3FFB];
	_ =	sdelay $0x3  }
0x92: {  	_ =	strace s18  }
0x93: {  	s3 =	sld [smem:$0x3FFC];
	_ =	sdelay $0x3  }
0x94: {  	_ =	strace s3  }
0x95: {  	s3 =	sld [smem:$0x3FFD];
	_ =	sdelay $0x3  }
0x96: {  	_ =	strace s3  }
0x97: {  	_ =	strace $0x8FFFFFFF  }
0x98: {  	s19 =	sld [smem:$0x3FDB];
	_ =	sdelay $0x1  }
0x99: {  	s4 =	simm.s32 $_scs_section_size  }
0x9a: {  	s5 =	simm.s32 $_size__tile_overlayer_lowered;
	s6 =	simm.s32 $_tile_overlayer_lowered  }
0x9b: {  	s22 =	simm.s32 $0x1BFF;
	s21 =	sshll.u32 s6, $0x1;
	s3 =	sadd.s32 s4, s19  }
0x9c: {  	s7 =	simm.s32 $0x0;
	s20 =	sshll.u32 s5, $0x1;
	s5 =	sadd.s32 s21, s3  }
0x9d: {  	[timem:s7], [sflag:s22] =	dma.local [hbm:s5], s20  }
0x9e: {  	_ =	swait.ge [sflag:s22], s20  }
0x9f: {  	s4 =	ssub.s32 $0x0, s20;
	[sflag:s22] =	ssyncset.done $0x0  }
0xa0: {  	[sflag:s22] =	ssyncadd.s32 s4;
	_ =	sdelay $0x1  }
0xa1: {  	s23 =	simm.s32 $0x1B8B  }
0xa2: {  	_ =	swait.ge [sflag:s23], $0x1  }
0xa3: {  	[sflag:s23] =	ssyncset.done $0x0  }
0xa4: {  	s25 =	simm.s32 $0x1B8E;
	s24 =	sld [smem:$0x3FFE];
	[sflag:s23] =	ssyncadd.s32 $0xFFFFFFFF  }
0xa5: {  	s26 =	simm.s32 $execute0_lowered;
	[smem:$0x3FD2] =	sst s25  }
0xa6: {  	s5 =	sshll.u32 s26, $0x1;
	_ =	strace $0x80000046;
	[dreg:$0x1] =	wrdreg $0xFFFFFFFF  }
0xa7: {  	s28 =	simm.s32 $_size_execute0_lowered;
	s3 =	sadd.s32 s3, s5;
	[dreg:$0x0] =	wrdreg $0x0  }
0xa8: {  	s5 =	sshll.u32 s28, $0x1;
	[dreg:$0x2] =	wrdreg s3  }
0xa9: {  	[dreg:$0x3] =	wrdreg s5  }
0xaa: {  	[dreg:$0x4] =	wrdreg $0xC0  }
0xab: {  	_ =	task [dreg:s7], $0x5FFFF  }
0xac: {  	[dreg:$0x1] =	wrdreg $0xFFFFFFFF  }
0xad: {  	[dreg:$0x0] =	wrdreg $0x60  }
0xae: {  	[dreg:$0x2] =	wrdreg s2  }
0xaf: {  	[dreg:$0x3] =	wrdreg s24  }
0xb0: {  	[dreg:$0x4] =	wrdreg $0x9  }
0xb1: {  	_ =	task.clear_ibuf [dreg:s7], $0x5FFFF;
	_ =	strace $0x90000046  }
0xb2: {  	s29 =	simm.s32 $0x9;
	_ =	strace $0x80000048  }
0xb3: {  	_ =	swait.ge [sflag:s29], $0x1  }
0xb4: {  	[sflag:s29] =	ssyncadd.s32 $0xFFFFFFFF  }
0xb5: {  	_ =	strace $0x90000048  }
0xb6: {  	_ =	sfence  }
0xb7: {  	s30 =	sld [smem:$0x0];
	_ =	sdelay $0x2  }
0xb8: {  	s31 =	sshll.u32 s1, $0xD;
	s1 =	sshrl.u32 s1, $0x2  }
0xb9: {  	s3 =	sand.u32 $0x4000, s31;
	s1 =	sadd.s32 s1, s30  }
0xba: {  	s0 =	sor.u32 s3, s0;
	s1 =	sshll.u32 s1, $0x11  }
0xbb: {  	s0 =	sor.u32 s1, s0  }
0xbc: {  	s0 =	sadd.s32 $0x8F2B, s0  }
0xbd: {  	[sflag:s0] =	ssyncadd.remote.s32 $0x1  }
0xbe: {  	_ =	sfence.sel $0xFFFF  }
0xbf: {  	[dreg:$0x0] =	wrdreg $0xFFFFFFFF;
	(pc) =	sbr.abs _section_cstart, $3  }
0xc0: {  	[dreg:$0x1] =	wrdreg $0xFFFFFFFF  }
0xc1: {  	_ =	task.clear_ibuf [dreg:s7], $0x2FFFF;
	_ =	strace $0x9FFFFFFF  }
0xc2: {  	(tm) =	ssettm $0x7FFFFFFF  }
0xc3: {  	_ =	shalt  }
tec
execute0_lowered:
.L_overlay_start_1:
0x0: {  	(tag) =	ssettag $0x1  }
0x1: {  	v0 =	vlaneseq.u32  }
0x2: {  	s1 =	rddreg [dreg:$0x0];
	s3 =	simm.s32 $0x0;
	v59 =	vmul.u32 $0x40, v0  }
0x3: {  	[smem:$0x7FF] =	sst s3  }
0x4: {  	s2 =	rddreg [dreg:$0x1];
	_ =	strace $0x80000047;
	v61 =	vor.u32 $0x1, v59;
	[tilespmem:$0x1FF00] =	vst v59  }
0x5: {  	v47 =	vor.u32 $0x400, v59;
	[tilespmem:$0x1FF10] =	vst v61  }
0x6: {  	v48 =	vor.u32 $0x401, v59;
	[tilespmem:$0x1FF20] =	vst v47  }
0x7: {  	v40 =	vor.u32 $0x800, v59;
	[tilespmem:$0x1FF30] =	vst v48  }
0x8: {  	s0 =	srdreg.scid;
	s10 =	stileid.u32;
	s12 =	simm.s32 $0x200;
	v41 =	vor.u32 $0x801, v59;
	[tilespmem:$0x1FF40] =	vst v40  }
0x9: {  	s13 =	simm.s32 $0x3;
	s14 =	simm.s32 $0x40;
	s15 =	simm.s32 $0x80;
	v23 =	vor.u32 $0xC00, v59;
	[tilespmem:$0x1FF50] =	vst v41  }
0xa: {  	s16 =	simm.s32 $0xC0;
	s17 =	simm.s32 $0x100;
	s18 =	simm.s32 $0x140;
	v32 =	vor.u32 $0xC01, v59;
	[tilespmem:$0x1FF60] =	vst v23  }
0xb: {  	s19 =	simm.s32 $0x180;
	s20 =	simm.s32 $0x400;
	s21 =	simm.s32 $0x280;
	v28 =	vor.u32 $0x20, v59;
	[tilespmem:$0x1FF70] =	vst v32  }
0xc: {  	s22 =	simm.s32 $0x680;
	s23 =	simm.s32 $0xA80;
	s24 =	simm.s32 $0xE80;
	v29 =	vor.u32 $0x21, v59;
	[tilespmem:$0x1FF80] =	vst v28  }
0xd: {  	s25 =	simm.s32 $0x1080;
	s28 =	simm.s32 $0x1;
	s29 =	simm.s32 $0x1480;
	v27 =	vor.u32 $0x420, v59;
	[tilespmem:$0x1FF90] =	vst v29  }
0xe: {  	s30 =	simm.s32 $0x2;
	s4 =	sadd.s32 $0x100000, s2;
	s0 =	sand.u32 $0x1, s0;
	v30 =	vor.u32 $0x421, v59;
	[tilespmem:$0x1FFA0] =	vst v27  }
0xf: {  	s5 =	sadd.s32 $0x300000, s2;
	s7 =	sadd.s32 $0x200000, s2;
	s26 =	ssub.s32 $0x2, s0;
	v18 =	vor.u32 $0x820, v59;
	[tilespmem:$0x1FFB0] =	vst v30  }
0x10: {  	s6 =	sadd.s32 $0x400000, s2;
	s0 =	sshll.u32 s0, $0x4;
	s8 =	sshrl.u32 s26, $0x1;
	v19 =	vor.u32 $0x821, v59;
	[tilespmem:$0x1FFC0] =	vst v18  }
0x11: {  	[dreg:$0x3] =	wrdreg s6;
	s0 =	sor.u32 s10, s0;
	v8 =	vor.u32 $0xC20, v59;
	s6 =	ssub.s32 s26, s8;
	[tilespmem:$0x1FFD0] =	vst v19  }
0x12: {  	s9 =	sadd.s32 $0x400200, s2;
	v7 =	vor.u32 $0xC21, v59;
	s10 =	smul.u32 $0xC40, s0;
	[tilespmem:$0x1FFE0] =	vst v8;
	s31 =	smax.u32 s6, $0x1  }
0x13: {  	s26 =	simm.s32 $0x1280;
	[tilespmem:$0x1FFF0] =	vst v7;
	s6 =	simm.s32 $0x0;
	[dreg:$0x4] =	wrdreg s31  }
.LBB2_1:
0x14: {  	[dreg:$0x5] =	wrdreg s6  }
0x15: {  	s0 =	rddreg [dreg:$0x3]  }
0x16: {  	[tilespmem:s12], [sflag:$0x3] =	stream.linear.gather [hbm4b:s0+s3], $0x80, $0x38;
	[tilespmem:$0x2480] =	vst v63  }
0x17: {  	_ =	swait.ge [sflag:s13], $0x80  }
0x18: {  	[sflag:s13] =	ssyncset.done $0x0  }
0x19: {  	s0 =	simm.s32 $0x0;
	[sflag:s13] =	ssyncadd.s32 $0xFFFFFF80  }
.LBB2_2:
0x1a: {  	s6 =	sshll.u32 s0, $0x6  }
0x1b: {  	s6 =	sadd.s32 s10, s6  }
0x1c: {  	s8 =	sshrl.u32 s6, $0x3  }
0x1d: {  	s11 =	sadd.s32 s1, s8;
	s8 =	simm.s32 $0x0  }
0x1e: {  	[tilespmem:s8], [sflag:$0x3] =	stream.linear.gather [hbm4b:s11+s8], $0x40, $0x38;
	[tilespmem:$0x2480] =	vst v63  }
0x1f: {  	_ =	swait.ge [sflag:s13], $0x40  }
0x20: {  	[sflag:s13] =	ssyncset.done $0x0  }
0x21: {  	s31 =	sadd.s32 $0x3100, s11;
	[sflag:s13] =	ssyncadd.s32 $0xFFFFFFC0  }
0x22: {  	[tilespmem:s14], [sflag:$0x3] =	stream.linear.gather [hbm4b:s31+s8], $0x40, $0x38;
	[tilespmem:$0x2480] =	vst v63  }
0x23: {  	_ =	swait.ge [sflag:s13], $0x40  }
0x24: {  	[sflag:s13] =	ssyncset.done $0x0  }
0x25: {  	s31 =	sadd.s32 $0x6200, s11;
	[sflag:s13] =	ssyncadd.s32 $0xFFFFFFC0  }
0x26: {  	[tilespmem:s15], [sflag:$0x3] =	stream.linear.gather [hbm4b:s31+s8], $0x40, $0x38;
	[tilespmem:$0x2480] =	vst v63  }
0x27: {  	_ =	swait.ge [sflag:s13], $0x40  }
0x28: {  	[sflag:s13] =	ssyncset.done $0x0  }
0x29: {  	s31 =	sadd.s32 $0x9300, s11;
	[sflag:s13] =	ssyncadd.s32 $0xFFFFFFC0  }
0x2a: {  	[tilespmem:s16], [sflag:$0x3] =	stream.linear.gather [hbm4b:s31+s8], $0x40, $0x38;
	[tilespmem:$0x2480] =	vst v63  }
0x2b: {  	_ =	swait.ge [sflag:s13], $0x40  }
0x2c: {  	[sflag:s13] =	ssyncset.done $0x0  }
0x2d: {  	s31 =	sadd.s32 $0xC400, s11;
	[sflag:s13] =	ssyncadd.s32 $0xFFFFFFC0  }
0x2e: {  	[tilespmem:s17], [sflag:$0x3] =	stream.linear.gather [hbm4b:s31+s8], $0x40, $0x38;
	[tilespmem:$0x2480] =	vst v63  }
0x2f: {  	_ =	swait.ge [sflag:s13], $0x40  }
0x30: {  	[sflag:s13] =	ssyncset.done $0x0  }
0x31: {  	s31 =	sadd.s32 $0xF500, s11;
	[sflag:s13] =	ssyncadd.s32 $0xFFFFFFC0  }
0x32: {  	[tilespmem:s18], [sflag:$0x3] =	stream.linear.gather [hbm4b:s31+s8], $0x40, $0x38;
	[tilespmem:$0x2480] =	vst v63  }
0x33: {  	_ =	swait.ge [sflag:s13], $0x40  }
0x34: {  	[sflag:s13] =	ssyncset.done $0x0  }
0x35: {  	s11 =	sadd.s32 $0x12600, s11;
	[sflag:s13] =	ssyncadd.s32 $0xFFFFFFC0  }
0x36: {  	[tilespmem:s19], [sflag:$0x3] =	stream.linear.gather [hbm4b:s11+s8], $0x40, $0x38;
	[tilespmem:$0x2480] =	vst v63  }
0x37: {  	_ =	swait.ge [sflag:s13], $0x40  }
0x38: {  	[sflag:s13] =	ssyncset.done $0x0  }
0x39: {  	s31 =	simm.s32 $0x0;
	s11 =	simm.s32 $0x0;
	[sflag:s13] =	ssyncadd.s32 $0xFFFFFFC0  }
.LBB2_3:
0x3a: {  	v0 =	vld [tilespmem:$0x200]  }
0x3b: {  	v2 =	vld [tilespmem:$0x0]  }
0x3c: {  	v1 =	vld [tilespmem:$0x40]  }
0x3d: {  	v4 =	vld [tilespmem:$0x80]  }
0x3e: {  	v5 =	vld [tilespmem:$0xC0]  }
0x3f: {  	v32 =	vld [tilespmem:$0x10]  }
0x40: {  	v34 =	vld [tilespmem:$0x50]  }
0x41: {  	v3 =	vmov s31;
	v36 =	vld [tilespmem:$0x90]  }
0x42: {  	v37 =	vld [tilespmem:$0xD0];
	v17 =	vperm.xlane v0, v3;
	_ =	sdelay $0x1  }
0x43: {  	v47 =	vmul.f32 v1, v17;
	v3 =	vmul.f32 v2, v17  }
0x44: {  	v48 =	vmul.f32 v4, v17;
	v50 =	vmul.f32 v5, v17  }
0x45: {  	v56 =	vmul.f32 v34, v17;
	v59 =	vmul.f32 v32, v17  }
0x46: {  	v57 =	vmul.f32 v36, v17;
	v55 =	vmul.f32 v37, v17  }
0x47: {  	v0 =	vtrunc.f32 v47;
	v1 =	vtrunc.f32 v48  }
0x48: {  	v2 =	vtrunc.f32 v50;
	v7 =	vtrunc.f32 v3  }
0x49: {  	v11 =	vtrunc.f32 v56;
	v12 =	vtrunc.f32 v57  }
0x4a: {  	v13 =	vtrunc.f32 v55;
	v14 =	vtrunc.f32 v59  }
0x4b: {  	v5 =	vcvt.f32.s32 v0;
	v6 =	vcvt.f32.s32 v1  }
0x4c: {  	v4 =	vcvt.f32.s32 v2;
	v7 =	vcvt.f32.s32 v7  }
0x4d: {  	v62 =	vcvt.f32.s32 v11;
	v61 =	vcvt.f32.s32 v12  }
0x4e: {  	v60 =	vcvt.f32.s32 v13;
	v63 =	vcvt.f32.s32 v14  }
0x4f: {  	v16 =	vmul.u32 $0x9E3779B1, v5;
	v18 =	vmul.u32 $0x30025795, v6;
	v19 =	vmul.u32 $0xDB06C2F5, v4  }
0x50: {  	v20 =	vadd.s32 $0x1, v7;
	v15 =	vmul.u32 $0x9E3779B1, v62;
	v44 =	vmul.u32 $0x30025795, v61  }
0x51: {  	v45 =	vmul.u32 $0xDB06C2F5, v60;
	v46 =	vadd.s32 $0x1, v63;
	v21 =	vadd.s32 $0x9E3779B1, v16  }
0x52: {  	v22 =	vadd.s32 $0x30025795, v18;
	v23 =	vadd.s32 $0xDB06C2F5, v19;
	v24 =	vxor.u32 v7, v16  }
0x53: {  	v16 =	vxor.u32 v20, v16;
	v8 =	vxor.u32 v18, v19;
	v49 =	vadd.s32 $0x9E3779B1, v15  }
0x54: {  	v38 =	vadd.s32 $0x30025795, v44;
	v39 =	vadd.s32 $0xDB06C2F5, v45;
	v40 =	vxor.u32 v63, v15  }
0x55: {  	v51 =	vxor.u32 v44, v45;
	v25 =	vxor.u32 v7, v21;
	v20 =	vxor.u32 v20, v21  }
0x56: {  	v18 =	vxor.u32 v18, v23;
	v19 =	vxor.u32 v19, v22;
	v26 =	vxor.u32 v24, v8  }
0x57: {  	v22 =	vxor.u32 v22, v23;
	v31 =	vxor.u32 v16, v8;
	v41 =	vxor.u32 v63, v49  }
0x58: {  	v36 =	vxor.u32 v46, v49;
	v32 =	vxor.u32 v44, v39;
	v34 =	vxor.u32 v45, v38  }
0x59: {  	v42 =	vxor.u32 v40, v51;
	v38 =	vxor.u32 v38, v39;
	v9 =	vand.u32 $0x7FFFF, v26  }
0x5a: {  	v10 =	vxor.u32 v24, v18;
	v27 =	vxor.u32 v24, v19;
	v24 =	vxor.u32 v24, v22  }
0x5b: {  	v28 =	vxor.u32 v25, v8;
	v29 =	vxor.u32 v25, v18;
	v30 =	vxor.u32 v25, v19  }
0x5c: {  	v25 =	vxor.u32 v25, v22;
	v31 =	vand.u32 $0x7FFFF, v31;
	v33 =	vxor.u32 v16, v18  }
0x5d: {  	v35 =	vxor.u32 v16, v19;
	v16 =	vxor.u32 v16, v22;
	v21 =	vxor.u32 v20, v8  }
0x5e: {  	v18 =	vxor.u32 v20, v18;
	v19 =	vxor.u32 v20, v19;
	v20 =	vxor.u32 v20, v22  }
0x5f: {  	v22 =	vxor.u32 v46, v15;
	v52 =	vand.u32 $0x7FFFF, v42;
	v53 =	vxor.u32 v40, v32  }
0x60: {  	v43 =	vxor.u32 v40, v34;
	v40 =	vxor.u32 v40, v38;
	v44 =	vxor.u32 v41, v51  }
0x61: {  	v58 =	vxor.u32 v41, v32;
	v1 =	vxor.u32 v41, v34;
	v41 =	vxor.u32 v41, v38  }
0x62: {  	v37 =	vxor.u32 v36, v51;
	v23 =	vor.u32 s8, v9;
	v26 =	vand.u32 $0x7FFFF, v10  }
0x63: {  	v27 =	vand.u32 $0x7FFFF, v27;
	v24 =	vand.u32 $0x7FFFF, v24;
	v28 =	vand.u32 $0x7FFFF, v28  }
0x64: {  	v29 =	vand.u32 $0x7FFFF, v29;
	v30 =	vand.u32 $0x7FFFF, v30;
	v25 =	vand.u32 $0x7FFFF, v25  }
0x65: {  	v31 =	vor.u32 s8, v31;
	v33 =	vand.u32 $0x7FFFF, v33;
	v35 =	vand.u32 $0x7FFFF, v35  }
0x66: {  	v16 =	vand.u32 $0x7FFFF, v16;
	v21 =	vand.u32 $0x7FFFF, v21;
	v18 =	vand.u32 $0x7FFFF, v18  }
0x67: {  	v19 =	vand.u32 $0x7FFFF, v19;
	v20 =	vand.u32 $0x7FFFF, v20;
	v39 =	vor.u32 s8, v52  }
0x68: {  	v42 =	vand.u32 $0x7FFFF, v53;
	v43 =	vand.u32 $0x7FFFF, v43;
	v40 =	vand.u32 $0x7FFFF, v40  }
0x69: {  	v54 =	vand.u32 $0x7FFFF, v44;
	v0 =	vand.u32 $0x7FFFF, v58;
	v2 =	vand.u32 $0x7FFFF, v1  }
0x6a: {  	v8 =	vand.u32 $0x7FFFF, v41;
	v9 =	vxor.u32 v22, v51;
	v12 =	vxor.u32 v22, v32  }
0x6b: {  	v14 =	vxor.u32 v22, v34;
	v22 =	vxor.u32 v22, v38;
	v32 =	vxor.u32 v36, v32  }
0x6c: {  	v58 =	vxor.u32 v36, v34;
	v26 =	vor.u32 s8, v26;
	v27 =	vor.u32 s8, v27  }
0x6d: {  	v24 =	vor.u32 s8, v24;
	v28 =	vor.u32 s8, v28;
	v29 =	vor.u32 s8, v29;
	[tilespmem:$0x280] =	vst v23  }
0x6e: {  	v30 =	vor.u32 s8, v30;
	v25 =	vor.u32 s8, v25;
	v33 =	vor.u32 s8, v33;
	[tilespmem:$0x300] =	vst v31  }
0x6f: {  	v35 =	vor.u32 s8, v35;
	v16 =	vor.u32 s8, v16;
	v21 =	vor.u32 s8, v21;
	[tilespmem:$0x290] =	vst v26  }
0x70: {  	v45 =	vld [tilespmem:$0x60];
	v18 =	vor.u32 s8, v18;
	v19 =	vor.u32 s8, v19;
	v20 =	vor.u32 s8, v20;
	[tilespmem:$0x2A0] =	vst v27  }
0x71: {  	v49 =	vld [tilespmem:$0xE0];
	v42 =	vor.u32 s8, v42;
	v43 =	vor.u32 s8, v43;
	v23 =	vor.u32 s8, v40;
	[tilespmem:$0x2B0] =	vst v24  }
0x72: {  	v46 =	vld [tilespmem:$0xA0];
	v11 =	vand.u32 $0x7FFFF, v9;
	v13 =	vand.u32 $0x7FFFF, v12;
	v15 =	vand.u32 $0x7FFFF, v14;
	[tilespmem:$0x2C0] =	vst v28  }
0x73: {  	v10 =	vld [tilespmem:$0x20];
	v22 =	vand.u32 $0x7FFFF, v22;
	v32 =	vand.u32 $0x7FFFF, v32;
	v26 =	vor.u32 s8, v54;
	[tilespmem:$0x2D0] =	vst v29  }
0x74: {  	v27 =	vor.u32 s8, v0;
	v24 =	vor.u32 s8, v2;
	v28 =	vor.u32 s8, v8;
	[tilespmem:$0x2E0] =	vst v30  }
0x75: {  	v29 =	vor.u32 s8, v11;
	v30 =	vor.u32 s8, v13;
	[tilespmem:$0x2F0] =	vst v25;
	v25 =	vor.u32 s8, v15  }
0x76: {  	[tilespmem:$0x380] =	vst v39;
	v22 =	vor.u32 s8, v22;
	v54 =	vand.u32 $0x7FFFF, v37;
	v45 =	vmul.f32 v45, v17  }
0x77: {  	[tilespmem:$0x310] =	vst v33;
	v32 =	vor.u32 s8, v32;
	v41 =	vmul.f32 v49, v17;
	v40 =	vmul.f32 v46, v17  }
0x78: {  	[tilespmem:$0x330] =	vst v16;
	v16 =	vand.u32 $0x7FFFF, v58;
	v53 =	vmul.f32 v10, v17;
	v0 =	vtrunc.f32 v45  }
0x79: {  	[tilespmem:$0x320] =	vst v35;
	v31 =	vor.u32 s8, v54;
	v8 =	vtrunc.f32 v41;
	v54 =	vcvt.f32.s32 v0  }
0x7a: {  	[tilespmem:$0x340] =	vst v21;
	v2 =	vxor.u32 v36, v38;
	v1 =	vtrunc.f32 v40;
	v51 =	vcvt.f32.s32 v8  }
0x7b: {  	[tilespmem:$0x350] =	vst v18;
	v18 =	vand.u32 $0x7FFFF, v2;
	v52 =	vcvt.f32.s32 v1;
	v9 =	vtrunc.f32 v53  }
0x7c: {  	[tilespmem:$0x360] =	vst v19;
	v58 =	vcvt.f32.s32 v9;
	v10 =	vmul.u32 $0x9E3779B1, v54;
	v21 =	vmul.u32 $0xDB06C2F5, v51  }
0x7d: {  	[tilespmem:$0x370] =	vst v20;
	v16 =	vor.u32 s8, v16;
	v18 =	vor.u32 s8, v18;
	v11 =	vmul.u32 $0x30025795, v52  }
0x7e: {  	[tilespmem:$0x390] =	vst v42;
	v12 =	vadd.s32 $0x1, v58;
	v13 =	vadd.s32 $0x9E3779B1, v10;
	v15 =	vadd.s32 $0xDB06C2F5, v21  }
0x7f: {  	[tilespmem:$0x3A0] =	vst v43;
	v42 =	vxor.u32 v58, v10;
	v14 =	vadd.s32 $0x30025795, v11;
	v43 =	vxor.u32 v58, v13  }
0x80: {  	[tilespmem:$0x3B0] =	vst v23;
	v19 =	vxor.u32 v12, v10;
	v23 =	vxor.u32 v12, v13;
	v33 =	vxor.u32 v11, v21  }
0x81: {  	[tilespmem:$0x3C0] =	vst v26;
	v20 =	vxor.u32 v11, v15;
	v21 =	vxor.u32 v21, v14;
	v44 =	vxor.u32 v42, v33  }
0x82: {  	[tilespmem:$0x3D0] =	vst v27;
	v27 =	vxor.u32 v14, v15;
	v46 =	vxor.u32 v42, v20;
	v12 =	vxor.u32 v43, v33  }
0x83: {  	[tilespmem:$0x3E0] =	vst v24;
	v14 =	vxor.u32 v43, v20;
	v1 =	vxor.u32 v19, v20;
	v20 =	vxor.u32 v23, v20  }
0x84: {  	[tilespmem:$0x3F0] =	vst v28;
	v26 =	vand.u32 $0x7FFFF, v44;
	v2 =	vand.u32 $0x7FFFF, v46;
	v8 =	vxor.u32 v42, v21  }
0x85: {  	[tilespmem:$0x400] =	vst v29;
	v10 =	vxor.u32 v42, v27;
	v13 =	vand.u32 $0x7FFFF, v12;
	v15 =	vand.u32 $0x7FFFF, v14  }
0x86: {  	[tilespmem:$0x410] =	vst v30;
	v36 =	vxor.u32 v43, v21;
	v39 =	vxor.u32 v43, v27;
	v43 =	vxor.u32 v19, v33  }
0x87: {  	[tilespmem:$0x420] =	vst v25;
	v46 =	vxor.u32 v23, v33;
	v20 =	vand.u32 $0x7FFFF, v20;
	v49 =	vor.u32 s8, v26  }
0x88: {  	[tilespmem:$0x430] =	vst v22;
	v26 =	vor.u32 s8, v2;
	v9 =	vand.u32 $0x7FFFF, v8;
	v11 =	vand.u32 $0x7FFFF, v10  }
0x89: {  	[tilespmem:$0x450] =	vst v32;
	v25 =	vor.u32 s8, v13;
	v22 =	vor.u32 s8, v15;
	v37 =	vand.u32 $0x7FFFF, v36;
	v2 =	vld [tilespmem:$0x70]  }
0x8a: {  	[tilespmem:$0x440] =	vst v31;
	v42 =	vand.u32 $0x7FFFF, v39;
	v0 =	vand.u32 $0x7FFFF, v43;
	v8 =	vand.u32 $0x7FFFF, v1;
	v10 =	vld [tilespmem:$0xB0]  }
0x8b: {  	[tilespmem:$0x460] =	vst v16;
	v13 =	vld [tilespmem:$0xF0];
	v20 =	vor.u32 s8, v20;
	v28 =	vor.u32 s8, v9;
	v29 =	vor.u32 s8, v11  }
0x8c: {  	[tilespmem:$0x470] =	vst v18;
	v44 =	vld [tilespmem:$0x30];
	v30 =	vor.u32 s8, v37;
	v31 =	vor.u32 s8, v42;
	v16 =	vor.u32 s8, v0  }
0x8d: {  	v9 =	vxor.u32 v19, v21;
	v11 =	vor.u32 s8, v8;
	v19 =	vxor.u32 v19, v27;
	[tilespmem:$0x480] =	vst v49  }
0x8e: {  	[tilespmem:$0x490] =	vst v26;
	v49 =	vand.u32 $0x7FFFF, v46;
	v21 =	vxor.u32 v23, v21;
	v23 =	vxor.u32 v23, v27  }
0x8f: {  	[tilespmem:$0x4C0] =	vst v25;
	v12 =	vand.u32 $0x7FFFF, v9;
	v19 =	vand.u32 $0x7FFFF, v19;
	v36 =	vmul.f32 v2, v17  }
0x90: {  	[tilespmem:$0x4D0] =	vst v22;
	v26 =	vor.u32 s8, v49;
	v42 =	vmul.f32 v10, v17;
	v34 =	vmul.f32 v13, v17  }
0x91: {  	[tilespmem:$0x550] =	vst v20;
	v21 =	vand.u32 $0x7FFFF, v21;
	v43 =	vmul.f32 v44, v17;
	v0 =	vtrunc.f32 v36  }
0x92: {  	[tilespmem:$0x4A0] =	vst v28;
	v23 =	vand.u32 $0x7FFFF, v23;
	v1 =	vtrunc.f32 v42;
	v2 =	vtrunc.f32 v34  }
0x93: {  	[tilespmem:$0x4B0] =	vst v29;
	v14 =	vor.u32 s8, v12;
	v46 =	vcvt.f32.s32 v0;
	v32 =	vcvt.f32.s32 v1  }
0x94: {  	[tilespmem:$0x4E0] =	vst v30;
	v19 =	vor.u32 s8, v19;
	v8 =	vtrunc.f32 v43;
	v44 =	vcvt.f32.s32 v2  }
0x95: {  	[tilespmem:$0x4F0] =	vst v31;
	v49 =	vcvt.f32.s32 v8;
	v9 =	vmul.u32 $0x9E3779B1, v46;
	v10 =	vmul.u32 $0x30025795, v32  }
0x96: {  	[tilespmem:$0x510] =	vst v11;
	v11 =	vor.u32 s8, v21;
	v12 =	vor.u32 s8, v23;
	v13 =	vmul.u32 $0xDB06C2F5, v44  }
0x97: {  	[tilespmem:$0x520] =	vst v14;
	v14 =	vadd.s32 $0x1, v49;
	v33 =	vadd.s32 $0x9E3779B1, v9;
	v35 =	vadd.s32 $0x30025795, v10  }
0x98: {  	[tilespmem:$0x500] =	vst v16;
	v37 =	vadd.s32 $0xDB06C2F5, v13;
	v38 =	vxor.u32 v49, v9;
	v16 =	vxor.u32 v14, v9  }
0x99: {  	[tilespmem:$0x540] =	vst v26;
	v25 =	vxor.u32 v10, v13;
	v39 =	vxor.u32 v49, v33;
	v24 =	vxor.u32 v14, v33  }
0x9a: {  	[tilespmem:$0x530] =	vst v19;
	v20 =	vxor.u32 v10, v37;
	v22 =	vxor.u32 v13, v35;
	v0 =	vxor.u32 v38, v25  }
0x9b: {  	[tilespmem:$0x560] =	vst v11;
	v18 =	vxor.u32 v35, v37;
	v1 =	vand.u32 $0x7FFFF, v0;
	v2 =	vxor.u32 v38, v20  }
0x9c: {  	[tilespmem:$0x570] =	vst v12;
	v9 =	vxor.u32 v38, v22;
	v19 =	vor.u32 s8, v1;
	v8 =	vand.u32 $0x7FFFF, v2  }
0x9d: {  	v12 =	vxor.u32 v38, v18;
	v11 =	vand.u32 $0x7FFFF, v9;
	[tilespmem:$0x580] =	vst v19;
	v10 =	vor.u32 s8, v8  }
0x9e: {  	v15 =	vxor.u32 v39, v25;
	v14 =	vand.u32 $0x7FFFF, v12;
	v13 =	vor.u32 s8, v11;
	[tilespmem:$0x590] =	vst v10  }
0x9f: {  	v28 =	vxor.u32 v39, v20;
	v27 =	vand.u32 $0x7FFFF, v15;
	v26 =	vor.u32 s8, v14;
	[tilespmem:$0x5A0] =	vst v13  }
0xa0: {  	v33 =	vxor.u32 v39, v22;
	v31 =	vand.u32 $0x7FFFF, v28;
	v30 =	vor.u32 s8, v27;
	[tilespmem:$0x5B0] =	vst v26  }
0xa1: {  	v38 =	vxor.u32 v39, v18;
	v37 =	vand.u32 $0x7FFFF, v33;
	v35 =	vor.u32 s8, v31;
	[tilespmem:$0x5C0] =	vst v30  }
0xa2: {  	v0 =	vand.u32 $0x7FFFF, v38;
	v1 =	vxor.u32 v16, v25;
	v39 =	vor.u32 s8, v37;
	[tilespmem:$0x5D0] =	vst v35  }
0xa3: {  	v9 =	vxor.u32 v16, v20;
	v2 =	vor.u32 s8, v0;
	v8 =	vand.u32 $0x7FFFF, v1;
	[tilespmem:$0x5E0] =	vst v39  }
0xa4: {  	v12 =	vxor.u32 v16, v22;
	v11 =	vand.u32 $0x7FFFF, v9;
	[tilespmem:$0x5F0] =	vst v2;
	v10 =	vor.u32 s8, v8  }
0xa5: {  	v16 =	vxor.u32 v16, v18;
	v14 =	vand.u32 $0x7FFFF, v12;
	v13 =	vor.u32 s8, v11;
	[tilespmem:$0x600] =	vst v10  }
0xa6: {  	v18 =	vxor.u32 v24, v18;
	v16 =	vand.u32 $0x7FFFF, v16;
	v26 =	vor.u32 s8, v14;
	[tilespmem:$0x610] =	vst v13  }
0xa7: {  	v27 =	vxor.u32 v24, v25;
	v18 =	vand.u32 $0x7FFFF, v18;
	v16 =	vor.u32 s8, v16;
	[tilespmem:$0x620] =	vst v26  }
0xa8: {  	v20 =	vxor.u32 v24, v20;
	v28 =	vand.u32 $0x7FFFF, v27;
	v38 =	vor.u32 s8, v18;
	[tilespmem:$0x630] =	vst v16  }
0xa9: {  	v31 =	vxor.u32 v24, v22;
	v30 =	vand.u32 $0x7FFFF, v20;
	v29 =	vor.u32 s8, v28;
	[tilespmem:$0x670] =	vst v38  }
0xaa: {  	v35 =	vand.u32 $0x7FFFF, v31;
	v33 =	vor.u32 s8, v30;
	[tilespmem:$0x640] =	vst v29  }
0xab: {  	v37 =	vor.u32 s8, v35;
	[tilespmem:$0x650] =	vst v33  }
0xac: {  	[tilespmem:$0x660] =	vst v37  }
0xad: {  	[tilespmem:s22], [sflag:$0x1] =	stream.indirect.gather [hbm4b:s4+s20], $0x1, s21, s20, $0xb8;
	[tilespmem:$0x2480] =	vst v63  }
0xae: {  	_ = 	snop  }
0xaf: {  	[tilespmem:s23], [sflag:$0x1] =	stream.indirect.gather [hbm4b:s2+s20], $0x1, s21, s20, $0xb8;
	[tilespmem:$0x2480] =	vst v63  }
0xb0: {  	v39 =	vld [tilespmem:$0x100]  }
0xb1: {  	v0 =	vld [tilespmem:$0x140]  }
0xb2: {  	v1 =	vld [tilespmem:$0x180]  }
0xb3: {  	v11 =	vld [tilespmem:$0x110];
	_ =	sdelay $0x2  }
0xb4: {  	v35 =	vmul.f32 v39, v17  }
0xb5: {  	v28 =	vmul.f32 v0, v17;
	v29 =	vmul.f32 v1, v17  }
0xb6: {  	v33 =	vld [tilespmem:$0x190];
	v11 =	vmul.f32 v11, v17;
	v16 =	vtrunc.f32 v35  }
0xb7: {  	v18 =	vtrunc.f32 v28;
	v19 =	vtrunc.f32 v29  }
0xb8: {  	v38 =	vcvt.f32.s32 v18;
	v37 =	vcvt.f32.s32 v19  }
0xb9: {  	v39 =	vcvt.f32.s32 v16  }
0xba: {  	v23 =	vtrunc.f32 v11;
	v2 =	vmul.u32 $0x9E3779B1, v38;
	v18 =	vmul.u32 $0x30025795, v37  }
0xbb: {  	v0 =	vmul.f32 v33, v17;
	v33 =	vcvt.f32.s32 v23;
	v8 =	vadd.s32 $0x1, v39  }
0xbc: {  	v14 =	vld [tilespmem:$0x150];
	v9 =	vadd.s32 $0x9E3779B1, v2;
	v21 =	vadd.s32 $0x30025795, v18;
	v10 =	vxor.u32 v39, v2  }
0xbd: {  	v16 =	vxor.u32 v8, v2;
	v2 =	vadd.s32 $0x1, v33;
	v12 =	vxor.u32 v39, v9  }
0xbe: {  	v13 =	vxor.u32 v18, v10;
	v19 =	vxor.u32 v8, v9;
	v22 =	vxor.u32 v10, v21  }
0xbf: {  	v9 =	vxor.u32 v18, v16;
	v16 =	vxor.u32 v16, v21;
	v31 =	vand.u32 $0x7FFFF, v13  }
0xc0: {  	v22 =	vand.u32 $0x7FFFF, v22;
	v8 =	vxor.u32 v18, v12;
	v24 =	vxor.u32 v21, v12  }
0xc1: {  	v10 =	vand.u32 $0x7FFFF, v9;
	v12 =	vmul.f32 v14, v17;
	v16 =	vand.u32 $0x7FFFF, v16  }
0xc2: {  	v14 =	vtrunc.f32 v0;
	v18 =	vxor.u32 v18, v19;
	v19 =	vxor.u32 v21, v19  }
0xc3: {  	v25 =	vld [tilespmem:$0x1A0];
	v20 =	vor.u32 s8, v31;
	v22 =	vor.u32 s8, v22;
	v27 =	vand.u32 $0x7FFFF, v8  }
0xc4: {  	v24 =	vand.u32 $0x7FFFF, v24;
	v26 =	vor.u32 s8, v10;
	v13 =	vtrunc.f32 v12  }
0xc5: {  	v30 =	vcvt.f32.s32 v14;
	v31 =	vor.u32 s8, v27;
	v27 =	vcvt.f32.s32 v13  }
0xc6: {  	v16 =	vor.u32 s8, v16;
	v18 =	vand.u32 $0x7FFFF, v18;
	v19 =	vand.u32 $0x7FFFF, v19  }
0xc7: {  	[tilespmem:$0x1FEB0] =	vst v11;
	v24 =	vor.u32 s8, v24;
	v23 =	vmul.u32 $0x30025795, v30;
	v15 =	vmul.u32 $0x9E3779B1, v27  }
0xc8: {  	v8 =	vor.u32 s8, v18;
	v9 =	vor.u32 s8, v19;
	[tilespmem:$0xE90] =	vst v22;
	v22 =	vmul.f32 v25, v17  }
0xc9: {  	[tilespmem:$0x1FED0] =	vst v0;
	v1 =	vadd.s32 $0x30025795, v23;
	v0 =	vadd.s32 $0x9E3779B1, v15;
	v10 =	vxor.u32 v33, v15  }
0xca: {  	[tilespmem:$0x1FEC0] =	vst v12;
	v21 =	vxor.u32 v2, v15;
	v11 =	vxor.u32 v33, v0;
	v12 =	vxor.u32 v23, v10  }
0xcb: {  	v15 =	vld [tilespmem:$0x120];
	v18 =	vxor.u32 v2, v0;
	v10 =	vxor.u32 v10, v1;
	v14 =	vxor.u32 v23, v21  }
0xcc: {  	v2 =	vld [tilespmem:$0x160];
	v21 =	vxor.u32 v21, v1;
	v12 =	vand.u32 $0x7FFFF, v12;
	v13 =	vxor.u32 v23, v11  }
0xcd: {  	v11 =	vxor.u32 v1, v11;
	v23 =	vxor.u32 v23, v18;
	v18 =	vxor.u32 v1, v18  }
0xce: {  	v10 =	vand.u32 $0x7FFFF, v10;
	v14 =	vand.u32 $0x7FFFF, v14;
	v21 =	vand.u32 $0x7FFFF, v21  }
0xcf: {  	[tilespmem:$0xE80] =	vst v20;
	v12 =	vor.u32 s8, v12;
	v13 =	vand.u32 $0x7FFFF, v13;
	v10 =	vor.u32 s8, v10  }
0xd0: {  	[tilespmem:$0xEC0] =	vst v26;
	v11 =	vand.u32 $0x7FFFF, v11;
	v20 =	vor.u32 s8, v14;
	v19 =	vmul.f32 v15, v17;
	v15 =	vld [tilespmem:$0x170]  }
0xd1: {  	[tilespmem:$0xED0] =	vst v16;
	v23 =	vand.u32 $0x7FFFF, v23;
	v21 =	vor.u32 s8, v21;
	v0 =	vmul.f32 v2, v17;
	v2 =	vld [tilespmem:$0x130]  }
0xd2: {  	[tilespmem:$0xEA0] =	vst v31;
	v1 =	vld [tilespmem:$0x1B0];
	v18 =	vand.u32 $0x7FFFF, v18;
	v13 =	vor.u32 s8, v13;
	v31 =	vtrunc.f32 v19  }
0xd3: {  	[tilespmem:$0xEB0] =	vst v24;
	v11 =	vor.u32 s8, v11;
	v14 =	vtrunc.f32 v0;
	v31 =	vcvt.f32.s32 v31  }
0xd4: {  	[tilespmem:$0xEE0] =	vst v8;
	v23 =	vor.u32 s8, v23;
	v25 =	vcvt.f32.s32 v14;
	v14 =	vtrunc.f32 v22  }
0xd5: {  	v18 =	vor.u32 s8, v18;
	[tilespmem:$0x1FEE0] =	vst v0;
	v26 =	vcvt.f32.s32 v14;
	v0 =	vmul.f32 v15, v17  }
0xd6: {  	[tilespmem:$0xEF0] =	vst v9;
	v24 =	vadd.s32 $0x1, v31;
	v16 =	vmul.f32 v2, v17;
	v2 =	vmul.u32 $0x9E3779B1, v25  }
0xd7: {  	v17 =	vmul.f32 v1, v17;
	[tilespmem:$0x1FEF0] =	vst v0;
	v8 =	vmul.u32 $0x30025795, v26;
	v0 =	vtrunc.f32 v0  }
0xd8: {  	[tilespmem:$0xF00] =	vst v12;
	v9 =	vadd.s32 $0x9E3779B1, v2;
	v15 =	vxor.u32 v31, v2;
	v2 =	vxor.u32 v24, v2  }
0xd9: {  	[tilespmem:$0xF50] =	vst v21;
	v21 =	vcvt.f32.s32 v0;
	v1 =	vxor.u32 v24, v9;
	v12 =	vadd.s32 $0x30025795, v8  }
0xda: {  	[tilespmem:$0xF40] =	vst v20;
	v14 =	vxor.u32 v8, v15;
	v9 =	vxor.u32 v31, v9;
	v20 =	vxor.u32 v8, v2  }
0xdb: {  	[tilespmem:$0xF10] =	vst v10;
	v24 =	vand.u32 $0x7FFFF, v14;
	v15 =	vxor.u32 v15, v12;
	v2 =	vxor.u32 v2, v12  }
0xdc: {  	[tilespmem:$0xF20] =	vst v13;
	v14 =	vtrunc.f32 v17;
	v10 =	vor.u32 s8, v24;
	v13 =	vand.u32 $0x7FFFF, v15  }
0xdd: {  	[tilespmem:$0xF30] =	vst v11;
	v24 =	vxor.u32 v8, v9;
	v9 =	vxor.u32 v12, v9;
	v15 =	vand.u32 $0x7FFFF, v20  }
0xde: {  	[tilespmem:$0xF60] =	vst v23;
	v2 =	vand.u32 $0x7FFFF, v2;
	v8 =	vxor.u32 v8, v1;
	v20 =	vcvt.f32.s32 v14  }
0xdf: {  	[tilespmem:$0xF70] =	vst v18;
	v1 =	vxor.u32 v12, v1;
	v11 =	vor.u32 s8, v13;
	v24 =	vand.u32 $0x7FFFF, v24  }
0xe0: {  	v9 =	vand.u32 $0x7FFFF, v9;
	v15 =	vor.u32 s8, v15;
	v2 =	vor.u32 s8, v2;
	[tilespmem:$0xF80] =	vst v10  }
0xe1: {  	v8 =	vand.u32 $0x7FFFF, v8;
	v13 =	vor.u32 s8, v24;
	v24 =	vtrunc.f32 v16;
	[tilespmem:$0xF90] =	vst v11  }
0xe2: {  	v10 =	vmul.u32 $0x9E3779B1, v21;
	v11 =	vmul.u32 $0x30025795, v20;
	[tilespmem:$0xFD0] =	vst v2;
	v24 =	vcvt.f32.s32 v24  }
0xe3: {  	v1 =	vand.u32 $0x7FFFF, v1;
	v9 =	vor.u32 s8, v9;
	v8 =	vor.u32 s8, v8;
	[tilespmem:$0xFA0] =	vst v13  }
0xe4: {  	[tilespmem:$0xFB0] =	vst v9;
	v18 =	vadd.s32 $0x9E3779B1, v10;
	v13 =	vadd.s32 $0x30025795, v11;
	v9 =	vadd.s32 $0x1, v24  }
0xe5: {  	[tilespmem:$0xFE0] =	vst v8;
	v23 =	vxor.u32 v24, v10;
	v8 =	vxor.u32 v24, v18;
	v2 =	vxor.u32 v9, v10  }
0xe6: {  	v9 =	vxor.u32 v9, v18;
	v14 =	vxor.u32 v11, v23;
	v18 =	vxor.u32 v23, v13  }
0xe7: {  	v1 =	vor.u32 s8, v1;
	[tilespmem:$0xFC0] =	vst v15;
	v10 =	vand.u32 $0x7FFFF, v14;
	v0 =	vand.u32 $0x7FFFF, v18  }
0xe8: {  	[tilespmem:$0xFF0] =	vst v1;
	v18 =	vxor.u32 v11, v8;
	v8 =	vxor.u32 v13, v8;
	v23 =	vor.u32 s8, v10  }
0xe9: {  	v15 =	vxor.u32 v11, v2;
	v12 =	vand.u32 $0x7FFFF, v18;
	[tilespmem:$0x1000] =	vst v23;
	v23 =	vor.u32 s8, v0  }
0xea: {  	v2 =	vxor.u32 v2, v13;
	v8 =	vand.u32 $0x7FFFF, v8;
	v14 =	vor.u32 s8, v12;
	[tilespmem:$0x1010] =	vst v23  }
0xeb: {  	v2 =	vand.u32 $0x7FFFF, v2;
	v18 =	vor.u32 s8, v8;
	[tilespmem:$0x1020] =	vst v14  }
0xec: {  	v23 =	vand.u32 $0x7FFFF, v15;
	[tilespmem:$0x1030] =	vst v18;
	v14 =	vxor.u32 v11, v9;
	v15 =	vor.u32 s8, v2  }
0xed: {  	v12 =	vor.u32 s8, v23;
	v18 =	vand.u32 $0x7FFFF, v14;
	v23 =	vxor.u32 v13, v9;
	[tilespmem:$0x1050] =	vst v15  }
0xee: {  	[tilespmem:$0x1040] =	vst v12;
	v12 =	vor.u32 s8, v18;
	v13 =	vand.u32 $0x7FFFF, v23  }
0xef: {  	[tilespmem:$0x1060] =	vst v12;
	v14 =	vor.u32 s8, v13  }
0xf0: {  	[tilespmem:$0x1070] =	vst v14  }
0xf1: {  	[tilespmem:s25], [sflag:$0x2] =	stream.indirect.gather [hbm4b:s5+s12], $0x1, s24, s12, $0xb8;
	[tilespmem:$0x2480] =	vst v63  }
0xf2: {  	_ = 	snop  }
0xf3: {  	[tilespmem:s26], [sflag:$0x2] =	stream.indirect.gather [hbm4b:s7+s12], $0x1, s24, s12, $0xb8;
	[tilespmem:$0x2480] =	vst v63  }
0xf4: {  	v15 =	vcvt.s32.f32 v7;
	v18 =	vcvt.s32.f32 v5;
	_ =	swait.ge [sflag:s28], $0x400  }
0xf5: {  	v23 =	vcvt.s32.f32 v6;
	[sflag:s28] =	ssyncset.done $0x0  }
0xf6: {  	v14 =	vsub.f32 v3, v15;
	v2 =	vsub.f32 v47, v18;
	[sflag:s28] =	ssyncadd.s32 $0xFFFFFC00  }
0xf7: {  	v3 =	vsub.f32 v48, v23;
	_ =	swait.ge [sflag:s28], $0x400  }
0xf8: {  	v4 =	vcvt.s32.f32 v4;
	v5 =	vsub.f32 $1.000000000e+00, v14;
	v6 =	vsub.f32 $1.000000000e+00, v2;
	[sflag:s28] =	ssyncset.done $0x0  }
0xf9: {  	[sflag:s28] =	ssyncadd.s32 $0xFFFFFC00  }
0xfa: {  	v4 =	vsub.f32 v50, v4;
	v7 =	vsub.f32 $1.000000000e+00, v3;
	v47 =	vmul.f32 v6, v5;
	v48 =	vld [tilespmem:$0x680]  }
0xfb: {  	v10 =	vld [tilespmem:$0xA80]  }
0xfc: {  	v11 =	vsub.f32 $1.000000000e+00, v4;
	v50 =	vmul.f32 v7, v47;
	v0 =	vld [tilespmem:$0x690]  }
0xfd: {  	v15 =	vld [tilespmem:$0xA90]  }
0xfe: {  	v1 =	vmul.f32 v11, v50;
	v23 =	vld [tilespmem:$0x6A0]  }
0xff: {  	v8 =	vmul.f32 v47, v3;
	v47 =	vld [tilespmem:$0xAA0]  }
0x100: {  	v12 =	vmul.f32 v50, v4;
	v50 =	vld [tilespmem:$0xAB0];
	v9 =	vmul.f32 v48, v1  }
0x101: {  	v18 =	vmul.f32 v11, v8;
	v48 =	vld [tilespmem:$0x6B0];
	v10 =	vmul.f32 v10, v1  }
0x102: {  	v5 =	vmul.f32 v2, v5;
	v13 =	vmul.f32 v0, v12;
	v0 =	vld [tilespmem:$0x6C0];
	v9 =	vadd.f32 $0.0e+00, v9  }
0x103: {  	v12 =	vmul.f32 v15, v12;
	v15 =	vmul.f32 v23, v18;
	v23 =	vld [tilespmem:$0xAC0];
	v10 =	vadd.f32 $0.0e+00, v10  }
0x104: {  	v8 =	vmul.f32 v8, v4;
	v1 =	vld [tilespmem:$0x6D0];
	v9 =	vadd.f32 v13, v9;
	v13 =	vmul.f32 v7, v5  }
0x105: {  	v6 =	vmul.f32 v6, v14;
	v10 =	vadd.f32 v12, v10;
	v12 =	vmul.f32 v47, v18;
	v18 =	vld [tilespmem:$0xAD0]  }
0x106: {  	v9 =	vadd.f32 v15, v9;
	v15 =	vmul.f32 v48, v8;
	v47 =	vmul.f32 v11, v13;
	v48 =	vld [tilespmem:$0x6E0]  }
0x107: {  	v5 =	vmul.f32 v3, v5;
	v10 =	vadd.f32 v12, v10;
	v8 =	vmul.f32 v50, v8;
	v12 =	vld [tilespmem:$0xAE0]  }
0x108: {  	v13 =	vmul.f32 v13, v4;
	v9 =	vadd.f32 v15, v9;
	v0 =	vmul.f32 v0, v47;
	v15 =	vld [tilespmem:$0x6F0]  }
0x109: {  	v8 =	vadd.f32 v8, v10;
	v50 =	vmul.f32 v23, v47;
	v23 =	vmul.f32 v11, v5;
	v47 =	vld [tilespmem:$0xAF0]  }
0x10a: {  	v1 =	vmul.f32 v1, v13;
	v10 =	vmul.f32 v18, v13;
	v18 =	vld [tilespmem:$0xB00];
	v0 =	vadd.f32 v0, v9  }
0x10b: {  	v9 =	vld [tilespmem:$0x700];
	v8 =	vadd.f32 v50, v8;
	v13 =	vmul.f32 v48, v23  }
0x10c: {  	v48 =	vld [tilespmem:$0x710];
	v0 =	vadd.f32 v1, v0;
	v1 =	vmul.f32 v4, v5;
	v5 =	vmul.f32 v7, v6  }
0x10d: {  	v2 =	vmul.f32 v2, v14;
	v8 =	vadd.f32 v10, v8;
	v10 =	vmul.f32 v12, v23;
	v12 =	vld [tilespmem:$0xB10]  }
0x10e: {  	v14 =	vld [tilespmem:$0xB30];
	v0 =	vadd.f32 v13, v0;
	v13 =	vmul.f32 v15, v1;
	v50 =	vmul.f32 v11, v5  }
0x10f: {  	v23 =	vld [tilespmem:$0x720];
	v6 =	vmul.f32 v6, v3;
	v8 =	vadd.f32 v10, v8;
	v1 =	vmul.f32 v47, v1  }
0x110: {  	v5 =	vmul.f32 v5, v4;
	v10 =	vld [tilespmem:$0xB20];
	v0 =	vadd.f32 v13, v0;
	v9 =	vmul.f32 v9, v50  }
0x111: {  	v1 =	vadd.f32 v1, v8;
	v47 =	vmul.f32 v18, v50;
	v13 =	vmul.f32 v11, v6;
	v50 =	vld [tilespmem:$0x730]  }
0x112: {  	v18 =	vmul.f32 v48, v5;
	v5 =	vmul.f32 v12, v5;
	v12 =	vld [tilespmem:$0x740];
	v0 =	vadd.f32 v9, v0  }
0x113: {  	v7 =	vmul.f32 v7, v2;
	v1 =	vadd.f32 v47, v1  }
0x114: {  	v6 =	vmul.f32 v6, v4;
	v47 =	vmul.f32 v23, v13;
	v9 =	vld [tilespmem:$0xB40];
	v0 =	vadd.f32 v18, v0  }
0x115: {  	v48 =	vmul.f32 v10, v13;
	v1 =	vadd.f32 v5, v1;
	v18 =	vmul.f32 v11, v7  }
0x116: {  	v23 =	vld [tilespmem:$0xB50];
	v50 =	vmul.f32 v50, v6;
	v0 =	vadd.f32 v47, v0  }
0x117: {  	v1 =	vadd.f32 v48, v1;
	v47 =	vmul.f32 v14, v6;
	v48 =	vmul.f32 v12, v18;
	v12 =	vld [tilespmem:$0xB60]  }
0x118: {  	v2 =	vmul.f32 v3, v2;
	v8 =	vld [tilespmem:$0x770];
	v7 =	vmul.f32 v7, v4  }
0x119: {  	v10 =	vld [tilespmem:$0x750];
	v0 =	vadd.f32 v50, v0;
	v1 =	vadd.f32 v47, v1;
	v50 =	vmul.f32 v9, v18  }
0x11a: {  	v15 =	vmul.f32 v11, v2;
	v6 =	vld [tilespmem:$0x760]  }
0x11b: {  	v14 =	vmul.f32 v23, v7;
	v18 =	vld [tilespmem:$0xB70];
	v1 =	vadd.f32 v50, v1  }
0x11c: {  	v50 =	vmul.f32 v12, v15;
	v12 =	vld [tilespmem:$0x1FF00]  }
0x11d: {  	v1 =	vadd.f32 v14, v1;
	v14 =	vld [tilespmem:$0x1FF10]  }
0x11e: {  	v13 =	vmul.f32 v10, v7;
	v0 =	vadd.f32 v48, v0  }
0x11f: {  	v2 =	vmul.f32 v4, v2  }
0x120: {  	v48 =	vmul.f32 v6, v15;
	v0 =	vadd.f32 v13, v0  }
0x121: {  	v4 =	vmul.f32 v8, v2;
	v47 =	vcvt.s32.f32 v62;
	v15 =	vor.u32 s11, v12  }
0x122: {  	v2 =	vmul.f32 v18, v2;
	v0 =	vadd.f32 v48, v0;
	v18 =	vor.u32 s11, v14  }
0x123: {  	v23 =	vcvt.s32.f32 v63;
	v1 =	vadd.f32 v50, v1  }
0x124: {  	v8 =	vsub.f32 v56, v47;
	v0 =	vadd.f32 v4, v0  }
0x125: {  	v6 =	vsub.f32 v59, v23;
	v13 =	vcvt.s32.f32 v61;
	v1 =	vadd.f32 v2, v1  }
0x126: {  	v9 =	vsub.f32 $1.000000000e+00, v8;
	[tilespmem:v15+s29+$0x0] =	vst.idx.msk $0xffff, v0  }
0x127: {  	v23 =	vcvt.s32.f32 v60;
	v47 =	vsub.f32 $1.000000000e+00, v6;
	v7 =	vsub.f32 v57, v13;
	[tilespmem:v18+s29+$0x0] =	vst.idx.msk $0xffff, v1  }
0x128: {  	v3 =	vld [tilespmem:$0x780]  }
0x129: {  	v48 =	vmul.f32 v9, v47;
	v0 =	vsub.f32 v55, v23;
	v1 =	vsub.f32 $1.000000000e+00, v7;
	v55 =	vld [tilespmem:$0xB80]  }
0x12a: {  	v56 =	vld [tilespmem:$0x790]  }
0x12b: {  	v5 =	vsub.f32 $1.000000000e+00, v0;
	v59 =	vld [tilespmem:$0xB90];
	v50 =	vmul.f32 v1, v48  }
0x12c: {  	v60 =	vld [tilespmem:$0x7A0]  }
0x12d: {  	v61 =	vld [tilespmem:$0xBA0];
	v57 =	vmul.f32 v5, v50  }
0x12e: {  	v2 =	vmul.f32 v48, v7;
	v62 =	vld [tilespmem:$0x7B0]  }
0x12f: {  	v13 =	vld [tilespmem:$0xBB0];
	v10 =	vmul.f32 v50, v0;
	v3 =	vmul.f32 v3, v57  }
0x130: {  	v4 =	vmul.f32 v8, v47;
	v14 =	vld [tilespmem:$0x7F0];
	v11 =	vmul.f32 v55, v57  }
0x131: {  	v18 =	vld [tilespmem:$0xBF0];
	v63 =	vmul.f32 v5, v2;
	v12 =	vmul.f32 v56, v10;
	v3 =	vadd.f32 $0.0e+00, v3  }
0x132: {  	v48 =	vld [tilespmem:$0x7C0];
	v2 =	vmul.f32 v2, v0;
	v10 =	vmul.f32 v59, v10;
	v11 =	vadd.f32 $0.0e+00, v11  }
0x133: {  	v50 =	vld [tilespmem:$0xBC0];
	v55 =	vmul.f32 v1, v4;
	v56 =	vmul.f32 v60, v63;
	v3 =	vadd.f32 v12, v3  }
0x134: {  	v52 =	vcvt.s32.f32 v52;
	v57 =	vld [tilespmem:$0x7D0];
	v59 =	vmul.f32 v61, v63;
	v10 =	vadd.f32 v10, v11  }
0x135: {  	v61 =	vld [tilespmem:$0xBD0];
	v62 =	vmul.f32 v62, v2;
	v60 =	vmul.f32 v5, v55;
	v3 =	vadd.f32 v56, v3  }
0x136: {  	v63 =	vld [tilespmem:$0x7E0];
	v2 =	vmul.f32 v13, v2;
	v4 =	vmul.f32 v7, v4;
	v10 =	vadd.f32 v59, v10  }
0x137: {  	v13 =	vld [tilespmem:$0xBE0];
	v55 =	vmul.f32 v55, v0;
	v48 =	vmul.f32 v48, v60;
	v3 =	vadd.f32 v62, v3  }
0x138: {  	v9 =	vmul.f32 v9, v6;
	v47 =	vld [tilespmem:$0xC00];
	v56 =	vmul.f32 v50, v60;
	v2 =	vadd.f32 v2, v10  }
0x139: {  	v23 =	vld [tilespmem:$0x810];
	v57 =	vmul.f32 v57, v55;
	v59 =	vmul.f32 v5, v4;
	v3 =	vadd.f32 v48, v3  }
0x13a: {  	v61 =	vmul.f32 v61, v55;
	v60 =	vld [tilespmem:$0x800];
	v4 =	vmul.f32 v0, v4;
	v2 =	vadd.f32 v56, v2  }
0x13b: {  	v12 =	vld [tilespmem:$0x830];
	v62 =	vmul.f32 v1, v9;
	v63 =	vmul.f32 v63, v59;
	v3 =	vadd.f32 v57, v3  }
0x13c: {  	v6 =	vmul.f32 v8, v6;
	v50 =	vmul.f32 v13, v59;
	v59 =	vld [tilespmem:$0x820];
	v2 =	vadd.f32 v61, v2  }
0x13d: {  	v55 =	vmul.f32 v5, v62;
	v56 =	vld [tilespmem:$0xC10];
	v57 =	vmul.f32 v14, v4;
	v3 =	vadd.f32 v63, v3  }
0x13e: {  	v9 =	vmul.f32 v9, v7;
	v13 =	vld [tilespmem:$0xC30];
	v4 =	vmul.f32 v18, v4;
	v2 =	vadd.f32 v50, v2  }
0x13f: {  	v62 =	vmul.f32 v62, v0;
	v60 =	vmul.f32 v60, v55;
	v61 =	vld [tilespmem:$0xC20];
	v3 =	vadd.f32 v57, v3  }
0x140: {  	v1 =	vmul.f32 v1, v6;
	v48 =	vld [tilespmem:$0x1FF30];
	v63 =	vmul.f32 v47, v55;
	v2 =	vadd.f32 v4, v2  }
0x141: {  	v47 =	vld [tilespmem:$0x1FF20];
	v50 =	vmul.f32 v23, v62;
	v55 =	vmul.f32 v5, v9;
	v3 =	vadd.f32 v60, v3  }
0x142: {  	v23 =	vld [tilespmem:$0x840];
	v9 =	vmul.f32 v9, v0;
	v56 =	vmul.f32 v56, v62;
	v2 =	vadd.f32 v63, v2  }
0x143: {  	v6 =	vmul.f32 v7, v6;
	v57 =	vmul.f32 v59, v55;
	v59 =	vld [tilespmem:$0xC40];
	v3 =	vadd.f32 v50, v3  }
0x144: {  	v62 =	vld [tilespmem:$0x850];
	v18 =	vmul.f32 v12, v9;
	v60 =	vmul.f32 v61, v55;
	v2 =	vadd.f32 v56, v2  }
0x145: {  	v4 =	vsub.f32 v40, v52;
	v61 =	vmul.f32 v5, v1;
	v50 =	vld [tilespmem:$0xC50];
	v3 =	vadd.f32 v57, v3  }
0x146: {  	v63 =	vcvt.s32.f32 v58;
	v55 =	vmul.f32 v13, v9;
	v2 =	vadd.f32 v60, v2;
	v57 =	vld [tilespmem:$0x860]  }
0x147: {  	v1 =	vmul.f32 v1, v0;
	v58 =	vld [tilespmem:$0xC60];
	v56 =	vmul.f32 v23, v61;
	v3 =	vadd.f32 v18, v3  }
0x148: {  	v5 =	vmul.f32 v5, v6;
	v59 =	vmul.f32 v59, v61;
	v60 =	vld [tilespmem:$0x870];
	v2 =	vadd.f32 v55, v2  }
0x149: {  	v0 =	vmul.f32 v0, v6;
	v61 =	vmul.f32 v62, v1;
	v62 =	vld [tilespmem:$0xC70];
	v3 =	vadd.f32 v56, v3  }
0x14a: {  	v8 =	vsub.f32 v53, v63;
	v1 =	vmul.f32 v50, v1;
	v2 =	vadd.f32 v59, v2  }
0x14b: {  	v63 =	vcvt.s32.f32 v54;
	v15 =	vmul.f32 v57, v5;
	v3 =	vadd.f32 v61, v3  }
0x14c: {  	v23 =	vor.u32 s11, v47;
	v18 =	vmul.f32 v58, v5;
	v1 =	vadd.f32 v1, v2  }
0x14d: {  	v50 =	vor.u32 s11, v48;
	v47 =	vmul.f32 v60, v0;
	v3 =	vadd.f32 v15, v3  }
0x14e: {  	v0 =	vmul.f32 v62, v0;
	v2 =	vsub.f32 v45, v63;
	v1 =	vadd.f32 v18, v1  }
0x14f: {  	v54 =	vsub.f32 $1.000000000e+00, v8;
	v3 =	vadd.f32 v47, v3  }
0x150: {  	v53 =	vcvt.s32.f32 v51;
	v5 =	vsub.f32 $1.000000000e+00, v2;
	v0 =	vadd.f32 v0, v1  }
0x151: {  	v40 =	vld [tilespmem:$0x1FF40];
	[tilespmem:v23+s29+$0x0] =	vst.idx.msk $0xffff, v3  }
0x152: {  	v1 =	vsub.f32 $1.000000000e+00, v4;
	v55 =	vmul.f32 v5, v54;
	[tilespmem:v50+s29+$0x0] =	vst.idx.msk $0xffff, v0;
	v0 =	vsub.f32 v41, v53;
	v41 =	vld [tilespmem:$0x1FF50]  }
0x153: {  	v56 =	vld [tilespmem:$0x880]  }
0x154: {  	v58 =	vmul.f32 v1, v55;
	v57 =	vld [tilespmem:$0xC80];
	v10 =	vsub.f32 $1.000000000e+00, v0  }
0x155: {  	v59 =	vld [tilespmem:$0x890]  }
0x156: {  	v60 =	vld [tilespmem:$0xC90];
	v61 =	vmul.f32 v10, v58  }
0x157: {  	v6 =	vmul.f32 v55, v4;
	v62 =	vld [tilespmem:$0x8A0]  }
0x158: {  	v63 =	vld [tilespmem:$0xCA0];
	v11 =	vmul.f32 v58, v0;
	v7 =	vmul.f32 v56, v61  }
0x159: {  	v3 =	vmul.f32 v2, v54;
	v48 =	vld [tilespmem:$0x8B0];
	v9 =	vmul.f32 v57, v61  }
0x15a: {  	v51 =	vld [tilespmem:$0xCB0];
	v50 =	vmul.f32 v10, v6;
	v12 =	vmul.f32 v59, v11;
	v7 =	vadd.f32 $0.0e+00, v7  }
0x15b: {  	v52 =	vld [tilespmem:$0x8C0];
	v55 =	vmul.f32 v1, v3;
	v11 =	vmul.f32 v60, v11;
	v9 =	vadd.f32 $0.0e+00, v9  }
0x15c: {  	v54 =	vld [tilespmem:$0xCC0];
	v6 =	vmul.f32 v6, v0;
	v53 =	vmul.f32 v62, v50;
	v7 =	vadd.f32 v12, v7  }
0x15d: {  	v56 =	vld [tilespmem:$0x8D0];
	v57 =	vmul.f32 v63, v50;
	v9 =	vadd.f32 v11, v9  }
0x15e: {  	v58 =	vld [tilespmem:$0xCD0];
	v59 =	vmul.f32 v48, v6;
	v60 =	vmul.f32 v10, v55;
	v7 =	vadd.f32 v53, v7  }
0x15f: {  	v3 =	vmul.f32 v4, v3;
	v61 =	vld [tilespmem:$0x8E0];
	v6 =	vmul.f32 v51, v6;
	v9 =	vadd.f32 v57, v9  }
0x160: {  	v62 =	vld [tilespmem:$0xCE0];
	v63 =	vmul.f32 v52, v60;
	v12 =	vmul.f32 v55, v0;
	v7 =	vadd.f32 v59, v7  }
0x161: {  	v5 =	vmul.f32 v5, v8;
	v47 =	vld [tilespmem:$0x8F0];
	v48 =	vmul.f32 v54, v60;
	v6 =	vadd.f32 v6, v9  }
0x162: {  	v50 =	vmul.f32 v10, v3;
	v51 =	vld [tilespmem:$0xCF0];
	v52 =	vmul.f32 v56, v12;
	v7 =	vadd.f32 v63, v7  }
0x163: {  	v3 =	vmul.f32 v0, v3;
	v53 =	vld [tilespmem:$0x900];
	v54 =	vmul.f32 v58, v12;
	v6 =	vadd.f32 v48, v6  }
0x164: {  	v55 =	vmul.f32 v61, v50;
	v56 =	vld [tilespmem:$0xD00];
	v57 =	vmul.f32 v1, v5;
	v7 =	vadd.f32 v52, v7  }
0x165: {  	v58 =	vld [tilespmem:$0x910];
	v59 =	vmul.f32 v62, v50;
	v6 =	vadd.f32 v54, v6  }
0x166: {  	v60 =	vld [tilespmem:$0xD10];
	v61 =	vmul.f32 v47, v3;
	v62 =	vmul.f32 v10, v57;
	v7 =	vadd.f32 v55, v7  }
0x167: {  	v3 =	vmul.f32 v51, v3;
	v5 =	vmul.f32 v5, v4;
	v63 =	vld [tilespmem:$0x920];
	v6 =	vadd.f32 v59, v6  }
0x168: {  	v47 =	vmul.f32 v57, v0;
	v48 =	vld [tilespmem:$0xD20];
	v45 =	vmul.f32 v53, v62;
	v7 =	vadd.f32 v61, v7  }
0x169: {  	v2 =	vmul.f32 v2, v8;
	v50 =	vmul.f32 v56, v62;
	v52 =	vld [tilespmem:$0x930];
	v3 =	vadd.f32 v3, v6  }
0x16a: {  	v51 =	vmul.f32 v10, v5;
	v53 =	vmul.f32 v58, v47;
	v54 =	vld [tilespmem:$0xD30];
	v7 =	vadd.f32 v45, v7  }
0x16b: {  	v1 =	vmul.f32 v1, v2;
	v57 =	vld [tilespmem:$0x940];
	v55 =	vmul.f32 v60, v47;
	v3 =	vadd.f32 v50, v3  }
0x16c: {  	v5 =	vmul.f32 v5, v0;
	v58 =	vld [tilespmem:$0xD40];
	v56 =	vmul.f32 v63, v51;
	v7 =	vadd.f32 v53, v7  }
0x16d: {  	v60 =	vld [tilespmem:$0x950];
	v59 =	vmul.f32 v48, v51;
	v3 =	vadd.f32 v55, v3  }
0x16e: {  	v62 =	vmul.f32 v10, v1;
	v63 =	vld [tilespmem:$0xD50];
	v61 =	vmul.f32 v52, v5;
	v7 =	vadd.f32 v56, v7  }
0x16f: {  	v18 =	vld [tilespmem:$0x960];
	v2 =	vmul.f32 v4, v2;
	v5 =	vmul.f32 v54, v5;
	v3 =	vadd.f32 v59, v3  }
0x170: {  	v1 =	vmul.f32 v1, v0;
	v23 =	vmul.f32 v57, v62;
	v45 =	vld [tilespmem:$0xD60];
	v7 =	vadd.f32 v61, v7  }
0x171: {  	v51 =	vld [tilespmem:$0x970];
	v47 =	vmul.f32 v58, v62;
	v3 =	vadd.f32 v5, v3  }
0x172: {  	v52 =	vmul.f32 v10, v2;
	v50 =	vmul.f32 v60, v1;
	v53 =	vld [tilespmem:$0xD70];
	v48 =	vadd.f32 v23, v7  }
0x173: {  	v0 =	vmul.f32 v0, v2;
	v1 =	vmul.f32 v63, v1;
	v3 =	vadd.f32 v47, v3  }
0x174: {  	v54 =	vcvt.s32.f32 v49;
	v56 =	vmul.f32 v18, v52;
	v4 =	vadd.f32 v50, v48  }
0x175: {  	v59 =	vor.u32 s11, v40;
	v5 =	vmul.f32 v45, v52;
	v1 =	vadd.f32 v1, v3  }
0x176: {  	v60 =	vmul.f32 v51, v0;
	v61 =	vor.u32 s11, v41;
	v58 =	vadd.f32 v56, v4  }
0x177: {  	v55 =	vcvt.s32.f32 v46;
	v0 =	vmul.f32 v53, v0;
	v1 =	vadd.f32 v5, v1  }
0x178: {  	v6 =	vsub.f32 v43, v54;
	v2 =	vadd.f32 v60, v58  }
0x179: {  	v57 =	vcvt.s32.f32 v32;
	v8 =	vsub.f32 v36, v55;
	v0 =	vadd.f32 v0, v1  }
0x17a: {  	v63 =	vsub.f32 $1.000000000e+00, v6;
	[tilespmem:v59+s29+$0x0] =	vst.idx.msk $0xffff, v2  }
0x17b: {  	v62 =	vcvt.s32.f32 v44;
	v9 =	vsub.f32 $1.000000000e+00, v8;
	v7 =	vsub.f32 v42, v57;
	[tilespmem:v61+s29+$0x0] =	vst.idx.msk $0xffff, v0  }
0x17c: {  	v3 =	vld [tilespmem:$0x980]  }
0x17d: {  	v32 =	vmul.f32 v9, v63;
	v1 =	vsub.f32 v34, v62;
	v0 =	vsub.f32 $1.000000000e+00, v7;
	v36 =	vld [tilespmem:$0xD80]  }
0x17e: {  	v40 =	vld [tilespmem:$0x990]  }
0x17f: {  	v5 =	vsub.f32 $1.000000000e+00, v1;
	v42 =	vld [tilespmem:$0xD90];
	v34 =	vmul.f32 v0, v32  }
0x180: {  	v43 =	vld [tilespmem:$0x9A0]  }
0x181: {  	v44 =	vld [tilespmem:$0xDA0];
	v41 =	vmul.f32 v5, v34  }
0x182: {  	v2 =	vmul.f32 v32, v7;
	v45 =	vld [tilespmem:$0x9B0]  }
0x183: {  	v46 =	vld [tilespmem:$0xDB0];
	v10 =	vmul.f32 v34, v1;
	v3 =	vmul.f32 v3, v41  }
0x184: {  	v4 =	vmul.f32 v8, v63;
	v48 =	vld [tilespmem:$0x9C0];
	v11 =	vmul.f32 v36, v41  }
0x185: {  	v47 =	vmul.f32 v5, v2;
	v50 =	vld [tilespmem:$0xDC0];
	v12 =	vmul.f32 v40, v10;
	v3 =	vadd.f32 $0.0e+00, v3  }
0x186: {  	v2 =	vmul.f32 v2, v1;
	v52 =	vld [tilespmem:$0x9D0];
	v10 =	vmul.f32 v42, v10;
	v11 =	vadd.f32 $0.0e+00, v11  }
0x187: {  	v55 =	vld [tilespmem:$0xDD0];
	v49 =	vmul.f32 v0, v4;
	v51 =	vmul.f32 v43, v47;
	v3 =	vadd.f32 v12, v3  }
0x188: {  	v57 =	vld [tilespmem:$0x9E0];
	v53 =	vmul.f32 v44, v47;
	v10 =	vadd.f32 v10, v11  }
0x189: {  	v59 =	vld [tilespmem:$0xDE0];
	v54 =	vmul.f32 v5, v49;
	v56 =	vmul.f32 v45, v2;
	v3 =	vadd.f32 v51, v3  }
0x18a: {  	v61 =	vld [tilespmem:$0x9F0];
	v4 =	vmul.f32 v7, v4;
	v2 =	vmul.f32 v46, v2;
	v10 =	vadd.f32 v53, v10  }
0x18b: {  	v63 =	vld [tilespmem:$0xDF0];
	v60 =	vmul.f32 v49, v1;
	v58 =	vmul.f32 v48, v54;
	v3 =	vadd.f32 v56, v3  }
0x18c: {  	v9 =	vmul.f32 v9, v6;
	v49 =	vld [tilespmem:$0xE10];
	v62 =	vmul.f32 v50, v54;
	v2 =	vadd.f32 v2, v10  }
0x18d: {  	v34 =	vld [tilespmem:$0xE40];
	v36 =	vmul.f32 v52, v60;
	v40 =	vmul.f32 v5, v4;
	v3 =	vadd.f32 v58, v3  }
0x18e: {  	v41 =	vld [tilespmem:$0xA00];
	v42 =	vmul.f32 v55, v60;
	v43 =	vmul.f32 v0, v9;
	v2 =	vadd.f32 v62, v2  }
0x18f: {  	v44 =	vld [tilespmem:$0xE00];
	v4 =	vmul.f32 v1, v4;
	v45 =	vmul.f32 v57, v40;
	v3 =	vadd.f32 v36, v3  }
0x190: {  	v46 =	vld [tilespmem:$0xA10];
	v47 =	vmul.f32 v59, v40;
	v2 =	vadd.f32 v42, v2  }
0x191: {  	v55 =	vld [tilespmem:$0xA30];
	v48 =	vmul.f32 v5, v43;
	v50 =	vmul.f32 v61, v4;
	v3 =	vadd.f32 v45, v3  }
0x192: {  	v9 =	vmul.f32 v9, v7;
	v4 =	vmul.f32 v63, v4;
	v51 =	vld [tilespmem:$0xA20];
	v2 =	vadd.f32 v47, v2  }
0x193: {  	v54 =	vmul.f32 v43, v1;
	v52 =	vmul.f32 v41, v48;
	v53 =	vld [tilespmem:$0xE20];
	v3 =	vadd.f32 v50, v3  }
0x194: {  	v6 =	vmul.f32 v8, v6;
	v57 =	vld [tilespmem:$0x1FF70];
	v56 =	vmul.f32 v44, v48;
	v2 =	vadd.f32 v4, v2  }
0x195: {  	v60 =	vmul.f32 v5, v9;
	v59 =	vmul.f32 v46, v54;
	v58 =	vld [tilespmem:$0xE30];
	v3 =	vadd.f32 v52, v3  }
0x196: {  	v0 =	vmul.f32 v0, v6;
	v61 =	vld [tilespmem:$0xA40];
	v62 =	vmul.f32 v49, v54;
	v2 =	vadd.f32 v56, v2  }
0x197: {  	v9 =	vmul.f32 v9, v1;
	v43 =	vld [tilespmem:$0xE50];
	v63 =	vmul.f32 v51, v60;
	v3 =	vadd.f32 v59, v3  }
0x198: {  	v41 =	vld [tilespmem:$0xA50];
	v36 =	vmul.f32 v53, v60;
	v2 =	vadd.f32 v62, v2  }
0x199: {  	v40 =	vmul.f32 v5, v0;
	v46 =	vld [tilespmem:$0x1FF60];
	v42 =	vmul.f32 v55, v9;
	v3 =	vadd.f32 v63, v3  }
0x19a: {  	v6 =	vmul.f32 v7, v6;
	v47 =	vld [tilespmem:$0xA60];
	v44 =	vmul.f32 v58, v9;
	v2 =	vadd.f32 v36, v2  }
0x19b: {  	v0 =	vmul.f32 v0, v1;
	v48 =	vld [tilespmem:$0xE60];
	v45 =	vmul.f32 v61, v40;
	v3 =	vadd.f32 v42, v3  }
0x19c: {  	v49 =	vmul.f32 v34, v40;
	v50 =	vld [tilespmem:$0xA70];
	v2 =	vadd.f32 v44, v2  }
0x19d: {  	v5 =	vmul.f32 v5, v6;
	v51 =	vmul.f32 v41, v0;
	v52 =	vld [tilespmem:$0xE70];
	v3 =	vadd.f32 v45, v3  }
0x19e: {  	v0 =	vmul.f32 v43, v0;
	v2 =	vadd.f32 v49, v2  }
0x19f: {  	v1 =	vmul.f32 v1, v6;
	v53 =	vmul.f32 v47, v5;
	v3 =	vadd.f32 v51, v3  }
0x1a0: {  	v55 =	vor.u32 s11, v46;
	v54 =	vmul.f32 v48, v5;
	v0 =	vadd.f32 v0, v2  }
0x1a1: {  	v57 =	vor.u32 s11, v57;
	v56 =	vmul.f32 v50, v1;
	v3 =	vadd.f32 v53, v3  }
0x1a2: {  	v1 =	vmul.f32 v52, v1;
	v0 =	vadd.f32 v54, v0  }
0x1a3: {  	v58 =	vadd.f32 v56, v3  }
0x1a4: {  	v0 =	vadd.f32 v1, v0  }
0x1a5: {  	[tilespmem:v55+s29+$0x0] =	vst.idx.msk $0xffff, v58  }
0x1a6: {  	[tilespmem:v57+s29+$0x0] =	vst.idx.msk $0xffff, v0  }
0x1a7: {  	_ =	swait.ge [sflag:s30], $0x200  }
0x1a8: {  	v60 =	vcvt.s32.f32 v38;
	v59 =	vcvt.s32.f32 v39;
	[sflag:s30] =	ssyncset.done $0x0  }
0x1a9: {  	v61 =	vcvt.s32.f32 v37;
	[sflag:s30] =	ssyncadd.s32 $0xFFFFFE00  }
0x1aa: {  	v1 =	vsub.f32 v28, v60;
	v0 =	vsub.f32 v35, v59;
	v28 =	vld [tilespmem:$0x1FF80];
	_ =	swait.ge [sflag:s30], $0x200  }
0x1ab: {  	v2 =	vsub.f32 v29, v61;
	[sflag:s30] =	ssyncset.done $0x0  }
0x1ac: {  	v63 =	vsub.f32 $1.000000000e+00, v1;
	v62 =	vsub.f32 $1.000000000e+00, v0;
	v29 =	vld [tilespmem:$0x1FF90];
	[sflag:s30] =	ssyncadd.s32 $0xFFFFFE00  }
0x1ad: {  	v23 =	vld [tilespmem:$0x1080]  }
0x1ae: {  	v32 =	vsub.f32 $1.000000000e+00, v2;
	v34 =	vmul.f32 v63, v62;
	v35 =	vld [tilespmem:$0x1280]  }
0x1af: {  	v36 =	vld [tilespmem:$0x1090]  }
0x1b0: {  	v37 =	vmul.f32 v32, v34;
	v38 =	vld [tilespmem:$0x1290]  }
0x1b1: {  	v3 =	vmul.f32 v1, v62;
	v39 =	vld [tilespmem:$0x10A0]  }
0x1b2: {  	v7 =	vmul.f32 v34, v2;
	v40 =	vld [tilespmem:$0x12A0];
	v5 =	vmul.f32 v23, v37  }
0x1b3: {  	v41 =	vld [tilespmem:$0x10B0];
	v8 =	vmul.f32 v35, v37  }
0x1b4: {  	v43 =	vmul.f32 v32, v3;
	v42 =	vld [tilespmem:$0x12B0];
	v9 =	vmul.f32 v36, v7;
	v5 =	vadd.f32 $0.0e+00, v5  }
0x1b5: {  	v4 =	vmul.f32 v63, v0;
	v44 =	vld [tilespmem:$0x10C0];
	v7 =	vmul.f32 v38, v7;
	v8 =	vadd.f32 $0.0e+00, v8  }
0x1b6: {  	v3 =	vmul.f32 v2, v3;
	v46 =	vld [tilespmem:$0x12C0];
	v45 =	vmul.f32 v39, v43;
	v5 =	vadd.f32 v9, v5  }
0x1b7: {  	v49 =	vld [tilespmem:$0x10D0];
	v47 =	vmul.f32 v40, v43;
	v7 =	vadd.f32 v7, v8  }
0x1b8: {  	v48 =	vmul.f32 v32, v4;
	v51 =	vld [tilespmem:$0x12D0];
	v50 =	vmul.f32 v41, v3;
	v5 =	vadd.f32 v45, v5  }
0x1b9: {  	v0 =	vmul.f32 v1, v0;
	v53 =	vld [tilespmem:$0x10E0];
	v3 =	vmul.f32 v42, v3;
	v7 =	vadd.f32 v47, v7  }
0x1ba: {  	v4 =	vmul.f32 v4, v2;
	v54 =	vld [tilespmem:$0x12E0];
	v52 =	vmul.f32 v44, v48;
	v5 =	vadd.f32 v50, v5  }
0x1bb: {  	v56 =	vld [tilespmem:$0x10F0];
	v55 =	vmul.f32 v46, v48;
	v3 =	vadd.f32 v3, v7  }
0x1bc: {  	v6 =	vmul.f32 v32, v0;
	v58 =	vld [tilespmem:$0x12F0];
	v57 =	vmul.f32 v49, v4;
	v5 =	vadd.f32 v52, v5  }
0x1bd: {  	v59 =	vcvt.s32.f32 v33;
	v18 =	vld [tilespmem:$0x1FEB0];
	v4 =	vmul.f32 v51, v4;
	v3 =	vadd.f32 v55, v3  }
0x1be: {  	v0 =	vmul.f32 v2, v0;
	v33 =	vld [tilespmem:$0x1FEC0];
	v60 =	vmul.f32 v53, v6;
	v5 =	vadd.f32 v57, v5  }
0x1bf: {  	v62 =	vor.u32 s11, v28;
	v1 =	vmul.f32 v54, v6;
	v61 =	vadd.f32 v4, v3  }
0x1c0: {  	v34 =	vld [tilespmem:$0x1FED0];
	v14 =	vor.u32 s11, v29;
	v13 =	vmul.f32 v56, v0;
	v63 =	vadd.f32 v60, v5  }
0x1c1: {  	v15 =	vcvt.s32.f32 v27;
	v0 =	vmul.f32 v58, v0;
	v1 =	vadd.f32 v1, v61  }
0x1c2: {  	v2 =	vsub.f32 v18, v59;
	v4 =	vadd.f32 v13, v63  }
0x1c3: {  	v23 =	vcvt.s32.f32 v30;
	v5 =	vsub.f32 v33, v15;
	v0 =	vadd.f32 v0, v1  }
0x1c4: {  	v27 =	vld [tilespmem:$0x1FFA0];
	v35 =	vsub.f32 $1.000000000e+00, v2;
	[tilespmem:v62+s29+$0x0] =	vst.idx.msk $0xffff, v4  }
0x1c5: {  	v30 =	vld [tilespmem:$0x1FFB0];
	v1 =	vsub.f32 v34, v23;
	v36 =	vsub.f32 $1.000000000e+00, v5;
	[tilespmem:v14+s29+$0x0] =	vst.idx.msk $0xffff, v0  }
0x1c6: {  	v4 =	vld [tilespmem:$0x1100]  }
0x1c7: {  	v37 =	vsub.f32 $1.000000000e+00, v1;
	v38 =	vmul.f32 v36, v35;
	v39 =	vld [tilespmem:$0x1300]  }
0x1c8: {  	v40 =	vld [tilespmem:$0x1110]  }
0x1c9: {  	v41 =	vmul.f32 v37, v38;
	v42 =	vld [tilespmem:$0x1310]  }
0x1ca: {  	v0 =	vmul.f32 v5, v35;
	v43 =	vld [tilespmem:$0x1120]  }
0x1cb: {  	v44 =	vld [tilespmem:$0x1320];
	v7 =	vmul.f32 v38, v1;
	v4 =	vmul.f32 v4, v41  }
0x1cc: {  	v45 =	vld [tilespmem:$0x1130];
	v8 =	vmul.f32 v39, v41  }
0x1cd: {  	v46 =	vld [tilespmem:$0x1330];
	v47 =	vmul.f32 v37, v0;
	v9 =	vmul.f32 v40, v7;
	v4 =	vadd.f32 $0.0e+00, v4  }
0x1ce: {  	v3 =	vmul.f32 v36, v2;
	v48 =	vld [tilespmem:$0x1140];
	v7 =	vmul.f32 v42, v7;
	v8 =	vadd.f32 $0.0e+00, v8  }
0x1cf: {  	v50 =	vld [tilespmem:$0x1340];
	v0 =	vmul.f32 v1, v0;
	v49 =	vmul.f32 v43, v47;
	v4 =	vadd.f32 v9, v4  }
0x1d0: {  	v53 =	vld [tilespmem:$0x1150];
	v51 =	vmul.f32 v44, v47;
	v7 =	vadd.f32 v7, v8  }
0x1d1: {  	v52 =	vmul.f32 v37, v3;
	v55 =	vld [tilespmem:$0x1350];
	v54 =	vmul.f32 v45, v0;
	v4 =	vadd.f32 v49, v4  }
0x1d2: {  	v2 =	vmul.f32 v5, v2;
	v57 =	vld [tilespmem:$0x1160];
	v0 =	vmul.f32 v46, v0;
	v7 =	vadd.f32 v51, v7  }
0x1d3: {  	v3 =	vmul.f32 v3, v1;
	v58 =	vld [tilespmem:$0x1360];
	v56 =	vmul.f32 v48, v52;
	v4 =	vadd.f32 v54, v4  }
0x1d4: {  	v60 =	vld [tilespmem:$0x1170];
	v59 =	vmul.f32 v50, v52;
	v0 =	vadd.f32 v0, v7  }
0x1d5: {  	v6 =	vmul.f32 v37, v2;
	v62 =	vld [tilespmem:$0x1370];
	v61 =	vmul.f32 v53, v3;
	v4 =	vadd.f32 v56, v4  }
0x1d6: {  	v15 =	vor.u32 s11, v27;
	v3 =	vmul.f32 v55, v3;
	v0 =	vadd.f32 v59, v0  }
0x1d7: {  	v32 =	vld [tilespmem:$0x1FEE0];
	v1 =	vmul.f32 v1, v2;
	v13 =	vmul.f32 v57, v6;
	v4 =	vadd.f32 v61, v4  }
0x1d8: {  	v27 =	vor.u32 s11, v30;
	v14 =	vmul.f32 v58, v6;
	v0 =	vadd.f32 v3, v0  }
0x1d9: {  	v63 =	vcvt.s32.f32 v31;
	v23 =	vmul.f32 v60, v1;
	v4 =	vadd.f32 v13, v4  }
0x1da: {  	v28 =	vcvt.s32.f32 v25;
	v1 =	vmul.f32 v62, v1;
	v0 =	vadd.f32 v14, v0  }
0x1db: {  	v31 =	vcvt.s32.f32 v26;
	v29 =	vsub.f32 v19, v63;
	v4 =	vadd.f32 v23, v4  }
0x1dc: {  	v5 =	vsub.f32 v32, v28;
	v0 =	vadd.f32 v1, v0  }
0x1dd: {  	v30 =	vld [tilespmem:$0x1FFD0];
	v33 =	vsub.f32 v22, v31;
	[tilespmem:v15+s29+$0x0] =	vst.idx.msk $0xffff, v4  }
0x1de: {  	v34 =	vsub.f32 $1.000000000e+00, v29;
	v35 =	vsub.f32 $1.000000000e+00, v5;
	v56 =	vld [tilespmem:$0x1FFC0];
	[tilespmem:v27+s29+$0x0] =	vst.idx.msk $0xffff, v0  }
0x1df: {  	v4 =	vld [tilespmem:$0x1180]  }
0x1e0: {  	v36 =	vsub.f32 $1.000000000e+00, v33;
	v37 =	vmul.f32 v35, v34;
	v38 =	vld [tilespmem:$0x1380]  }
0x1e1: {  	v39 =	vld [tilespmem:$0x1190]  }
0x1e2: {  	v40 =	vmul.f32 v36, v37;
	v41 =	vld [tilespmem:$0x1390]  }
0x1e3: {  	v7 =	vmul.f32 v37, v33;
	v42 =	vld [tilespmem:$0x11A0]  }
0x1e4: {  	v0 =	vmul.f32 v5, v34;
	v43 =	vld [tilespmem:$0x13A0];
	v4 =	vmul.f32 v4, v40  }
0x1e5: {  	v44 =	vld [tilespmem:$0x11B0];
	v8 =	vmul.f32 v38, v40  }
0x1e6: {  	v45 =	vld [tilespmem:$0x13B0];
	v46 =	vmul.f32 v36, v0;
	v9 =	vmul.f32 v39, v7;
	v4 =	vadd.f32 $0.0e+00, v4  }
0x1e7: {  	v3 =	vmul.f32 v35, v29;
	v47 =	vld [tilespmem:$0x11C0];
	v7 =	vmul.f32 v41, v7;
	v8 =	vadd.f32 $0.0e+00, v8  }
0x1e8: {  	v49 =	vld [tilespmem:$0x13C0];
	v0 =	vmul.f32 v33, v0;
	v48 =	vmul.f32 v42, v46;
	v4 =	vadd.f32 v9, v4  }
0x1e9: {  	v52 =	vld [tilespmem:$0x11D0];
	v50 =	vmul.f32 v43, v46;
	v7 =	vadd.f32 v7, v8  }
0x1ea: {  	v51 =	vmul.f32 v36, v3;
	v54 =	vld [tilespmem:$0x13D0];
	v53 =	vmul.f32 v44, v0;
	v4 =	vadd.f32 v48, v4  }
0x1eb: {  	v2 =	vmul.f32 v5, v29;
	v57 =	vld [tilespmem:$0x11E0];
	v0 =	vmul.f32 v45, v0;
	v7 =	vadd.f32 v50, v7  }
0x1ec: {  	v3 =	vmul.f32 v3, v33;
	v58 =	vld [tilespmem:$0x13E0];
	v55 =	vmul.f32 v47, v51;
	v4 =	vadd.f32 v53, v4  }
0x1ed: {  	v60 =	vld [tilespmem:$0x11F0];
	v59 =	vmul.f32 v49, v51;
	v0 =	vadd.f32 v0, v7  }
0x1ee: {  	v6 =	vmul.f32 v36, v2;
	v62 =	vld [tilespmem:$0x13F0];
	v61 =	vmul.f32 v52, v3;
	v4 =	vadd.f32 v55, v4  }
0x1ef: {  	v63 =	vcvt.s32.f32 v24;
	v3 =	vmul.f32 v54, v3;
	v0 =	vadd.f32 v59, v0  }
0x1f0: {  	v26 =	vld [tilespmem:$0x1FEF0];
	v1 =	vmul.f32 v33, v2;
	v13 =	vmul.f32 v57, v6;
	v4 =	vadd.f32 v61, v4  }
0x1f1: {  	v15 =	vor.u32 s11, v56;
	v14 =	vmul.f32 v58, v6;
	v0 =	vadd.f32 v3, v0  }
0x1f2: {  	v22 =	vor.u32 s11, v30;
	v18 =	vmul.f32 v60, v1;
	v4 =	vadd.f32 v13, v4  }
0x1f3: {  	v23 =	vcvt.s32.f32 v21;
	v1 =	vmul.f32 v62, v1;
	v0 =	vadd.f32 v14, v0  }
0x1f4: {  	v24 =	vsub.f32 v16, v63;
	v4 =	vadd.f32 v18, v4  }
0x1f5: {  	v25 =	vcvt.s32.f32 v20;
	v5 =	vsub.f32 v26, v23;
	v0 =	vadd.f32 v1, v0  }
0x1f6: {  	v28 =	vsub.f32 $1.000000000e+00, v24;
	v56 =	vld [tilespmem:$0x1FFE0];
	[tilespmem:v15+s29+$0x0] =	vst.idx.msk $0xffff, v4  }
0x1f7: {  	v27 =	vsub.f32 v17, v25;
	v29 =	vsub.f32 $1.000000000e+00, v5;
	v60 =	vld [tilespmem:$0x1FFF0];
	[tilespmem:v22+s29+$0x0] =	vst.idx.msk $0xffff, v0  }
0x1f8: {  	v4 =	vld [tilespmem:$0x1200]  }
0x1f9: {  	v30 =	vsub.f32 $1.000000000e+00, v27;
	v31 =	vmul.f32 v29, v28;
	v32 =	vld [tilespmem:$0x1400]  }
0x1fa: {  	v33 =	vld [tilespmem:$0x1210]  }
0x1fb: {  	v34 =	vmul.f32 v30, v31;
	v35 =	vld [tilespmem:$0x1410]  }
0x1fc: {  	v7 =	vmul.f32 v31, v27;
	v36 =	vld [tilespmem:$0x1220]  }
0x1fd: {  	v0 =	vmul.f32 v5, v28;
	v37 =	vld [tilespmem:$0x1420];
	v4 =	vmul.f32 v4, v34  }
0x1fe: {  	v38 =	vld [tilespmem:$0x1230];
	v8 =	vmul.f32 v32, v34  }
0x1ff: {  	v39 =	vld [tilespmem:$0x1430];
	v40 =	vmul.f32 v30, v0;
	v9 =	vmul.f32 v33, v7;
	v4 =	vadd.f32 $0.0e+00, v4  }
0x200: {  	v3 =	vmul.f32 v29, v24;
	v41 =	vld [tilespmem:$0x1240];
	v7 =	vmul.f32 v35, v7;
	v8 =	vadd.f32 $0.0e+00, v8  }
0x201: {  	v43 =	vld [tilespmem:$0x1440];
	v0 =	vmul.f32 v27, v0;
	v42 =	vmul.f32 v36, v40;
	v4 =	vadd.f32 v9, v4  }
0x202: {  	v46 =	vld [tilespmem:$0x1250];
	v44 =	vmul.f32 v37, v40;
	v7 =	vadd.f32 v7, v8  }
0x203: {  	v45 =	vmul.f32 v30, v3;
	v48 =	vld [tilespmem:$0x1450];
	v47 =	vmul.f32 v38, v0;
	v4 =	vadd.f32 v42, v4  }
0x204: {  	v2 =	vmul.f32 v5, v24;
	v50 =	vld [tilespmem:$0x1260];
	v0 =	vmul.f32 v39, v0;
	v7 =	vadd.f32 v44, v7  }
0x205: {  	v3 =	vmul.f32 v3, v27;
	v51 =	vld [tilespmem:$0x1460];
	v49 =	vmul.f32 v41, v45;
	v4 =	vadd.f32 v47, v4  }
0x206: {  	v53 =	vld [tilespmem:$0x1270];
	v52 =	vmul.f32 v43, v45;
	v0 =	vadd.f32 v0, v7  }
0x207: {  	v6 =	vmul.f32 v30, v2;
	v55 =	vld [tilespmem:$0x1470];
	v54 =	vmul.f32 v46, v3;
	v4 =	vadd.f32 v49, v4  }
0x208: {  	v3 =	vmul.f32 v48, v3;
	v0 =	vadd.f32 v52, v0  }
0x209: {  	v1 =	vmul.f32 v27, v2;
	v57 =	vmul.f32 v50, v6;
	v4 =	vadd.f32 v54, v4  }
0x20a: {  	v59 =	vor.u32 s11, v56;
	v58 =	vmul.f32 v51, v6;
	v0 =	vadd.f32 v3, v0  }
0x20b: {  	p0 =	sne.s32 s31, $0xF;
	v62 =	vor.u32 s11, v60;
	v61 =	vmul.f32 v53, v1;
	v4 =	vadd.f32 v57, v4  }
.Ltmp0:
0x20c: {  	v1 =	vmul.f32 v55, v1;
	v0 =	vadd.f32 v58, v0;
	(pc) =	sbr.rel @p0 .LBB2_3-.Ltmp0, $4  }
0x20d: {  	v63 =	vadd.f32 v61, v4  }
0x20e: {  	v0 =	vadd.f32 v1, v0  }
0x20f: {  	[tilespmem:v59+s29+$0x0] =	vst.idx.msk $0xffff, v63  }
0x210: {  	s31 =	sadd.s32 $0x1, s31;
	s8 =	sadd.s32 $0x80000, s8;
	s11 =	sadd.s32 $0x2, s11;
	[tilespmem:v62+s29+$0x0] =	vst.idx.msk $0xffff, v0  }
0x211: {  	s0 =	sadd.s32 $0x1, s0  }
0x212: {  	s6 =	sshll.u32 s6, $0x3;
	p0 =	sne.s32 s0, $0x31  }
.Ltmp1:
0x213: {  	s6 =	sadd.s32 s9, s6;
	(pc) =	sbr.rel @p0 .LBB2_2-.Ltmp1, $4  }
0x214: {  	[hbm4b:s6+s3] =	stream.linear.scatter [tilespmem:s29], [sflag:$0x3], $0x1000, $0x38;
	[tilespmem:$0x2480] =	vst v63  }
0x215: {  	_ =	swait.ge [sflag:s13], $0x1000  }
0x216: {  	[sflag:s13] =	ssyncset.done $0x0  }
0x217: {  	[sflag:s13] =	ssyncadd.s32 $0xFFFFF000  }
0x218: {  	s6 =	rddreg [dreg:$0x5]  }
0x219: {  	s0 =	rddreg [dreg:$0x4];
	s6 =	sadd.s32 $0x1, s6  }
0x21a: {  	p0 =	sne.s32 s6, s0  }
.Ltmp2:
0x21b: {  	_ = 	snop;
	(pc) =	sbr.rel @p0 .LBB2_1-.Ltmp2, $1  }
0x21c: {  	_ =	sdelay $0x3  }
0x21d: {  	_ =	sfence.sel $0x180000  }
0x21e: {  	[bflag:$0x0] =	sbarrier.arrive $0xFFFF  }
0x21f: {  	_ =	strace $0x90000047  }
0x220: {  	s0 =	stileid.u32;
	[bflag:$0x2] =	sbarrier.arrive $0xFFFF  }
0x221: {  	p0 =	sne.s32 s0, $0x0;
	s0 =	rddreg [dreg:$0x2]  }
0x222: {  	s0 =	sadd.s32 @!p0 $0x100000, s0  }
0x223: {  	[sflag:s0] =	ssyncadd.tile.s32 @!p0 $0x1;
	_ =	shalt  }
.Lfunc_end2:
_tile_overlayer_lowered:
.L_overlay_start_2:
0x224: {  	(tag) =	ssettag $0x2  }
0x225: {  	s0 =	rddreg [dreg:$0x0];
	s2 =	stileid.u32  }
0x226: {  	s1 =	rddreg [dreg:$0x1];
	p0 =	sne.s32 s2, $0x0  }
0x227: {  	s3 =	rddreg [dreg:$0x2];
	[bflag:$0x3] =	sbarrier.arrive $0xFFFF;
	s2 =	simm.s32 @!p0 $0x1C03  }
0x228: {  	[timem:s3], [sflag:s2] =	dma.local @!p0 [hbm:s0], s1  }
0x229: {  	s0 =	simm.s32 @!p0 $0x3  }
0x22a: {  	_ =	swait.ge @!p0 [sflag:s0], s1  }
0x22b: {  	s1 =	ssub.s32 @!p0 $0x0, s1;
	[sflag:s0] =	ssyncset.done @!p0 $0x0  }
0x22c: {  	[sflag:s0] =	ssyncadd.s32 @!p0 s1  }
0x22d: {  	[bflag:$0x3] =	sbarrier.arrive $0xFFFF  }
0x22e: {  	_ =	shalt  }

</sc_bundles>
